<compile_context>
chip_gen: v7x
topology: tpu7x:2x2x1
jax: 0.10.2.dev20260603
libtpu: 0.0.44.dev20260713+nightly
codegen_flags: <defaults>
</compile_context>

<pallas_src>
import functools

import jax
import jax.numpy as jnp
from jax import lax
from jax.experimental import pallas as pl
from jax.experimental.pallas import tpu as pltpu
from jax.experimental.pallas import tpu_sc as plsc

_B, _N, _V = 64, 8, 100000
_NW = 32
_L = 16
_W = 128

_GDN = lax.GatherDimensionNumbers(
    offset_dims=(), collapsed_slice_dims=(0,), start_index_map=(0,))


def _take16(v, idx):
    return lax.gather(v, idx[:, None], _GDN, (1,),
                      mode=lax.GatherScatterMode.PROMISE_IN_BOUNDS)


def _sc_accept_body(draft_hbm, verify_t_hbm, tok_hbm, u_hbm, acc_out, emit_out,
                    tok_v, u_v, qbuf, pbuf, acc_v, emit_v, semq, semp):
    wid = lax.axis_index("s") * 2 + lax.axis_index("c")
    base = wid * _L
    pltpu.sync_copy(tok_hbm.at[pl.ds(base, _L)], tok_v)
    pltpu.sync_copy(u_hbm.at[pl.ds(base, _L)], u_v)
    lane = lax.iota(jnp.int32, _L)
    tok = tok_v[...]
    start_v = jnp.bitwise_and(tok, jnp.int32(~(_W - 1)))
    bbase = pl.multiple_of(jnp.bitwise_and(2 * wid, jnp.int32(~7)), 8)
    copies = []
    for k in range(_L):
        onehot = jnp.where(lane == k, start_v, 0)
        start_k = pl.multiple_of(lax.reduce_max(onehot, axes=(0,)), _W)
        b_k = 2 * wid + (k // _N)
        i_k = k % _N
        copies.append(pltpu.async_copy(
            draft_hbm.at[b_k, pl.ds(0, _N), pl.ds(start_k, _W)],
            qbuf.at[k], semq))
        copies.append(pltpu.async_copy(
            verify_t_hbm.at[i_k, pl.ds(bbase, 8), pl.ds(start_k, _W)],
            pbuf.at[k], semp))
    for c in copies:
        c.wait()
    off = jnp.bitwise_and(tok, jnp.int32(_W - 1))
    row_q = lax.rem(lane, jnp.int32(_N))
    row_p = lax.rem(2 * wid, jnp.int32(8)) + lax.div(lane, jnp.int32(_N))
    q = plsc.load_gather(qbuf, [lane, row_q, off])
    p = plsc.load_gather(pbuf, [lane, row_p, off])
    accept = u_v[...] < p / jnp.maximum(q, 1e-10)
    acc_i = jnp.where(accept, 1, 0)
    val = jnp.where(accept, 99, lax.rem(lane, jnp.int32(_N)))
    asum, vmin = acc_i, val
    for sh in (1, 2, 4):
        perm = lane ^ sh
        asum = asum + _take16(asum, perm)
        vmin = jnp.minimum(vmin, _take16(vmin, perm))
    emit = jnp.minimum(vmin, _N)
    sel = lax.rem(lane, jnp.int32(2)) * _N
    acc_v[...] = _take16(asum, sel)
    emit_v[...] = _take16(emit, sel)
    pltpu.sync_copy(acc_v, acc_out.at[wid])
    pltpu.sync_copy(emit_v, emit_out.at[wid])


def _sc_accept(*args):
    fn = functools.partial(
        pl.kernel,
        mesh=plsc.VectorSubcoreMesh(core_axis_name="c", subcore_axis_name="s"),
        compiler_params=pltpu.CompilerParams(needs_layout_passes=False),
        out_type=(jax.ShapeDtypeStruct((_NW, _L), jnp.int32),
                  jax.ShapeDtypeStruct((_NW, _L), jnp.int32)),
        scratch_types=[
            pltpu.VMEM((_L,), jnp.int32),
            pltpu.VMEM((_L,), jnp.float32),
            pltpu.VMEM((_L, _N, _W), jnp.float32),
            pltpu.VMEM((_L, _N, _W), jnp.float32),
            pltpu.VMEM((_L,), jnp.int32),
            pltpu.VMEM((_L,), jnp.int32),
            pltpu.SemaphoreType.DMA,
            pltpu.SemaphoreType.DMA,
        ],
    )(_sc_accept_body)
    return fn(*args)


_NBUF = 4
_NC = 8
_VC = _V // _NC


def _tc_sample_body(em_ref, jq_ref, verify_t_any, draft_any, eg_ref, colf_ref,
                    ids_ref, out_ref, pbuf, qbuf, psem, qsem):
    b = pl.program_id(0)

    def copies(bi, sl):
        return [
            pltpu.make_async_copy(
                verify_t_any.at[em_ref[bi], pl.ds(bi, 1), :],
                pbuf.at[pl.ds(sl, 1)], psem),
            pltpu.make_async_copy(
                draft_any.at[bi, pl.ds(jq_ref[bi], 1), :],
                qbuf.at[pl.ds(sl, 1)], qsem),
        ]

    def issue(bi):
        for c in copies(bi, lax.rem(bi, _NBUF)):
            c.start()

    @pl.when(b == 0)
    def _():
        for k in range(_NBUF - 1):
            issue(k)

    @pl.when(b < _B - _NBUF + 1)
    def _():
        issue(b + _NBUF - 1)

    slot = lax.rem(b, _NBUF)
    for c in copies(b, slot):
        c.wait()

    em = em_ref[b]
    anyr = em < _N
    p = jnp.stack([pbuf[slot, k * _VC:(k + 1) * _VC] for k in range(_NC)])
    q = jnp.stack([qbuf[slot, k * _VC:(k + 1) * _VC] for k in range(_NC)])
    eg = eg_ref[0]
    resid = jnp.maximum(p - q, 0.0)
    s = jnp.sum(resid)
    inv = jnp.where(anyr, 1.0 / jnp.maximum(s, 1e-10), 1.0)
    base = jnp.where(anyr, resid, p)
    vals = (base * inv + 1e-10) * eg
    m = jnp.max(vals)
    tokf = jnp.min(jnp.where(vals == m, colf_ref[...], jnp.float32(_V)))
    tok = tokf.astype(jnp.int32)
    dpad = ids_ref[0]
    pos = lax.broadcasted_iota(jnp.int32, (1, _N + 1), 1)
    res = jnp.where(pos < em, dpad, -1)
    res = jnp.where(pos == em, tok, res)
    out_ref[0] = res


def _tc_sample(em, jq, verify_t, draft_probs, eg, colf, ids_pad):
    grid_spec = pltpu.PrefetchScalarGridSpec(
        num_scalar_prefetch=2,
        grid=(_B,),
        in_specs=[
            pl.BlockSpec(memory_space=pltpu.MemorySpace.HBM),
            pl.BlockSpec(memory_space=pltpu.MemorySpace.HBM),
            pl.BlockSpec((1, _NC, _VC), lambda b, em, jq: (b, 0, 0)),
            pl.BlockSpec((_NC, _VC), lambda b, em, jq: (0, 0)),
            pl.BlockSpec((1, 1, _N + 1), lambda b, em, jq: (b, 0, 0)),
        ],
        out_specs=pl.BlockSpec((1, 1, _N + 1), lambda b, em, jq: (b, 0, 0)),
        scratch_shapes=[
            pltpu.VMEM((_NBUF, _V), jnp.float32),
            pltpu.VMEM((_NBUF, _V), jnp.float32),
            pltpu.SemaphoreType.DMA,
            pltpu.SemaphoreType.DMA,
        ],
    )
    return pl.pallas_call(
        _tc_sample_body,
        grid_spec=grid_spec,
        out_shape=jax.ShapeDtypeStruct((_B, 1, _N + 1), jnp.int32),
    )(em, jq, verify_t, draft_probs, eg, colf, ids_pad)


def kernel(draft_token_ids, draft_probs, verify_probs):
    rkey = jax.random.key(42)
    ku, ks = jax.random.split(rkey)
    u = jax.random.uniform(ku, (_B, _N), dtype=jnp.float32)
    tiny = float(jnp.finfo(jnp.float32).tiny)
    uu = jax.random.uniform(ks, (_B, _NC, _VC), dtype=jnp.float32,
                            minval=tiny, maxval=1.0)
    eg = -1.0 / jnp.log(uu)

    verify_t = jnp.swapaxes(verify_probs, 0, 1)

    acc2d, emit2d = _sc_accept(draft_probs, verify_t,
                               draft_token_ids.reshape(-1), u.reshape(-1))
    accepted_num = acc2d[:, :2].reshape(_B)
    emitted_num = emit2d[:, :2].reshape(_B)
    jq = jnp.where(emitted_num < _N, emitted_num, 0)

    ids_pad = jnp.pad(draft_token_ids, ((0, 0), (0, 1)),
                      constant_values=-1).reshape(_B, 1, _N + 1)
    colf = jnp.arange(_V, dtype=jnp.float32).reshape(_NC, _VC)
    out3d = _tc_sample(emitted_num, jq, verify_t, draft_probs, eg, colf,
                       ids_pad)
    return out3d.reshape(_B, _N + 1), accepted_num, emitted_num

# --- scband reference (transcript-rebuilt; emitter-appended) ---
"""Pipeline reference for scband-rejection-sampler-44040594653445 (READ-ONLY COPY).

The authoritative reference and input builder live on the scoring server;
editing this copy changes nothing except your own understanding.
"""

import jax, jax.numpy as jnp
import numpy as np

B, N, V = 64, 8, 100000


def setup_inputs(seed: int = 0) -> dict:
    key = jax.random.key(seed)
    k1, k2, k3 = jax.random.split(key, 3)
    draft_token_ids = jax.random.randint(k1, (B, N), 0, V, dtype=jnp.int32)
    draft_probs = jax.random.uniform(k2, (B, N, V), dtype=jnp.float32) + 1e-3
    draft_probs = draft_probs / jnp.sum(draft_probs, axis=-1, keepdims=True)
    verify_probs = jax.random.uniform(k3, (B, N + 1, V), dtype=jnp.float32) + 1e-3
    verify_probs = verify_probs / jnp.sum(verify_probs, axis=-1, keepdims=True)
    return {"draft_token_ids": draft_token_ids, "draft_probs": draft_probs, "verify_probs": verify_probs}


def _chain_speculative_sampling(draft_token_ids, draft_probs, verify_probs):
    # Faithful jax translation of flashinfer.chain_speculative_sampling semantics.
    b, n = draft_token_ids.shape
    rkey = jax.random.key(42)
    ku, ks = jax.random.split(rkey)
    u = jax.random.uniform(ku, (b, n), dtype=jnp.float32)
    # gather p(token) and q(token) at the draft token ids (memory-bound gathers over vocab)
    tok = draft_token_ids[:, :, None]
    q_tok = jnp.take_along_axis(draft_probs, tok, axis=-1).squeeze(-1)            # [b, n]
    p_tok = jnp.take_along_axis(verify_probs[:, :n, :], tok, axis=-1).squeeze(-1)  # [b, n]
    ratio = p_tok / jnp.maximum(q_tok, 1e-10)
    accept = u < ratio                                                             # [b, n]
    # independent acceptance count (alignment metric)
    accepted_token_num = jnp.sum(accept.astype(jnp.int32), axis=-1)
    # chain stops at first rejection
    rejected = jnp.logical_not(accept)
    any_reject = jnp.any(rejected, axis=-1)
    first_reject = jnp.argmax(rejected, axis=-1)                                   # [b]
    emitted_token_num = jnp.where(any_reject, first_reject, n).astype(jnp.int32)
    # residual distribution at the first rejected position: (p - q)_+ normalized
    j = jnp.where(any_reject, first_reject, 0)
    p_j = jnp.take_along_axis(verify_probs, j[:, None, None], axis=1).squeeze(1)   # [b, V]
    q_j = jnp.take_along_axis(draft_probs, j[:, None, None], axis=1).squeeze(1)    # [b, V]
    residual = jnp.clip(p_j - q_j, 0.0, None)
    residual = residual / jnp.maximum(jnp.sum(residual, axis=-1, keepdims=True), 1e-10)
    # bonus distribution from the target model at position n (all accepted)
    bonus_dist = verify_probs[:, n, :]
    final_dist = jnp.where(any_reject[:, None], residual, bonus_dist)
    final_tok = jax.random.categorical(ks, jnp.log(final_dist + 1e-10), axis=-1).astype(jnp.int32)
    # assemble outputs, padding rejected tail with -1
    positions = jnp.arange(n + 1)
    draft_pad = jnp.pad(draft_token_ids, ((0, 0), (0, 1)), constant_values=-1)
    out = jnp.where(positions[None, :] < emitted_token_num[:, None], draft_pad, -1)
    out = jnp.where(positions[None, :] == emitted_token_num[:, None], final_tok[:, None], out)
    return out, accepted_token_num, emitted_token_num


def reference(draft_token_ids, draft_probs, verify_probs):
    batch_size, num_draft_tokens = draft_token_ids.shape
    accepted_token_ids, accepted_num, emitted_num = _chain_speculative_sampling(
        draft_token_ids, draft_probs[:batch_size, :, :], verify_probs[:batch_size, :, :])
    return (accepted_token_ids, accepted_num, emitted_num)

if __name__ == "__main__":
    import jax
    _d = setup_inputs()
    print(jax.jit(kernel)(*tuple(_d.values())))

</pallas_src>

<mosaic_0001>
#map = affine_map<(d0, d1) -> (0, 0, 0)>
#map1 = affine_map<(d0, d1) -> (0)>
#map2 = affine_map<(d0, d1) -> (0, 0)>
module attributes {stable_mosaic.version = 14 : i64} {
  func.func @_sc_accept_body(%arg0: i32, %arg1: i32, %arg2: memref<64x8x100000xf32, #tpu.memory_space<hbm>>, %arg3: memref<9x64x100000xf32, #tpu.memory_space<hbm>>, %arg4: memref<512xi32, #tpu.memory_space<hbm>>, %arg5: memref<512xf32, #tpu.memory_space<hbm>>, %arg6: memref<32x16xi32, #tpu.memory_space<hbm>>, %arg7: memref<32x16xi32, #tpu.memory_space<hbm>>, %arg8: memref<16xi32, #tpu.memory_space<vmem>>, %arg9: memref<16xf32, #tpu.memory_space<vmem>>, %arg10: memref<16x8x128xf32, #tpu.memory_space<vmem>>, %arg11: memref<16x8x128xf32, #tpu.memory_space<vmem>>, %arg12: memref<16xi32, #tpu.memory_space<vmem>>, %arg13: memref<16xi32, #tpu.memory_space<vmem>>, %arg14: memref<!tpu.dma_semaphore, #tpu.memory_space<semaphore_mem>>, %arg15: memref<!tpu.dma_semaphore, #tpu.memory_space<semaphore_mem>>) attributes {dimension_semantics = [#tpu.dimension_semantics<core_parallel>, #tpu.dimension_semantics<subcore_parallel>], iteration_bounds = array<i64: 2, 16>, scalar_prefetch = 0 : i64, scratch_operands = 8 : i64, tpu.core_type = #tpu.core_type<sc_vector_subcore>, window_params = [{transform_indices = #map}, {transform_indices = #map}, {transform_indices = #map1}, {transform_indices = #map1}, {transform_indices = #map2}, {transform_indices = #map2}]} {
    %mul3A = arith.constant 2 : i32
    %mul3A_0 = arith.muli %arg1, %mul3A : i32
    %add3A = arith.addi %mul3A_0, %arg0 : i32
    %mul3A_1 = arith.constant 16 : i32
    %mul3A_2 = arith.muli %add3A, %mul3A_1 : i32
    "tpu.region"() ({
      %run_scoped3A = tpu.sem_alloc : memref<!tpu.dma_semaphore, #tpu.memory_space<semaphore_mem>>
      %dma_start3A_1314 = tpu.memref_slice %arg4[%mul3A_2] : memref<512xi32, #tpu.memory_space<hbm>> -> memref<16xi32, #tpu.memory_space<hbm>>
      %dma_start3A_1315 = tpu.memref_slice %arg4[%mul3A_2] : memref<512xi32, #tpu.memory_space<hbm>> -> memref<16xi32, #tpu.memory_space<hbm>>
      tpu.enqueue_dma source(%dma_start3A_1315 : memref<16xi32, #tpu.memory_space<hbm>>) target(%arg8 : memref<16xi32, #tpu.memory_space<vmem>>) target_semaphore(%run_scoped3A : memref<!tpu.dma_semaphore, #tpu.memory_space<semaphore_mem>>)
      %dma_wait3A_1316 = tpu.memref_slice %arg4[%mul3A_2] : memref<512xi32, #tpu.memory_space<hbm>> -> memref<16xi32, #tpu.memory_space<hbm>>
      %dma_wait3A_1317 = tpu.memref_slice %arg4[%mul3A_2] : memref<512xi32, #tpu.memory_space<hbm>> -> memref<16xi32, #tpu.memory_space<hbm>>
      tpu.wait_dma2 semaphore(%run_scoped3A : memref<!tpu.dma_semaphore, #tpu.memory_space<semaphore_mem>>) src(%dma_wait3A_1317 : memref<16xi32, #tpu.memory_space<hbm>>) dst(%arg8 : memref<16xi32, #tpu.memory_space<vmem>>)
      tpu.yield
    }) : () -> ()
    "tpu.region"() ({
      %run_scoped3A = tpu.sem_alloc : memref<!tpu.dma_semaphore, #tpu.memory_space<semaphore_mem>>
      %dma_start3A_1314 = tpu.memref_slice %arg5[%mul3A_2] : memref<512xf32, #tpu.memory_space<hbm>> -> memref<16xf32, #tpu.memory_space<hbm>>
      %dma_start3A_1315 = tpu.memref_slice %arg5[%mul3A_2] : memref<512xf32, #tpu.memory_space<hbm>> -> memref<16xf32, #tpu.memory_space<hbm>>
      tpu.enqueue_dma source(%dma_start3A_1315 : memref<16xf32, #tpu.memory_space<hbm>>) target(%arg9 : memref<16xf32, #tpu.memory_space<vmem>>) target_semaphore(%run_scoped3A : memref<!tpu.dma_semaphore, #tpu.memory_space<semaphore_mem>>)
      %dma_wait3A_1316 = tpu.memref_slice %arg5[%mul3A_2] : memref<512xf32, #tpu.memory_space<hbm>> -> memref<16xf32, #tpu.memory_space<hbm>>
      %dma_wait3A_1317 = tpu.memref_slice %arg5[%mul3A_2] : memref<512xf32, #tpu.memory_space<hbm>> -> memref<16xf32, #tpu.memory_space<hbm>>
      tpu.wait_dma2 semaphore(%run_scoped3A : memref<!tpu.dma_semaphore, #tpu.memory_space<semaphore_mem>>) src(%dma_wait3A_1317 : memref<16xf32, #tpu.memory_space<hbm>>) dst(%arg9 : memref<16xf32, #tpu.memory_space<vmem>>)
      tpu.yield
    }) : () -> ()
    %iota3A = tpu.iota {dimensions = array<i32: 0>} : vector<16xi32>
    %get3A = arith.constant 0 : index
    %get3A_3 = tpu.vector_load %arg8[%get3A] {strides = array<i32>} : memref<16xi32, #tpu.memory_space<vmem>>, vector<16xi32>,
    %and3A = arith.constant -128 : i32
    %and3A_4 = vector.broadcast %and3A : i32 to vector<16xi32>
    %and3A_5 = arith.andi %get3A_3, %and3A_4 : vector<16xi32>
    %mul3A_6 = arith.constant 2 : i32
    %mul3A_7 = arith.muli %mul3A_6, %add3A : i32
    %and3A_8 = arith.constant -8 : i32
    %and3A_9 = arith.andi %mul3A_7, %and3A_8 : i32
    %multiple_of3A = tpu.assume_multiple %and3A_9, 8 : i32
    %eq3A = arith.constant 0 : i32
    %eq3A_10 = vector.broadcast %eq3A : i32 to vector<16xi32>
    %eq3A_11 = arith.cmpi eq, %iota3A, %eq3A_10 : vector<16xi32>
    %jit3A = arith.constant 0 : i32
    %broadcast_in_dim3A = vector.broadcast %jit3A : i32 to vector<16xi32>
    %select_n3A = arith.select %eq3A_11, %and3A_5, %broadcast_in_dim3A : vector<16xi1>, vector<16xi32>
    %reduce_max3A = arith.constant true
    %reduce_max3A_12 = vector.broadcast %reduce_max3A : i1 to vector<16xi1>
    %reduce_max3A_13 = arith.constant -2147483648 : i32
    %reduce_max3A_14 = vector.broadcast %reduce_max3A_13 : i32 to vector<16xi32>
    %reduce_max3A_15 = arith.xori %select_n3A, %reduce_max3A_14 : vector<16xi32>
    %reduce_max3A_16 = tpu.scan <max>, %reduce_max3A_15 masked %reduce_max3A_12 : vector<16xi32>, vector<16xi1> -> vector<16xi32>
    %reduce_max3A_17 = arith.xori %reduce_max3A_16, %reduce_max3A_14 : vector<16xi32>
    %reduce_max3A_18 = vector.extract %reduce_max3A_17[15] : i32 from vector<16xi32>
    %multiple_of3A_19 = tpu.assume_multiple %reduce_max3A_18, 128 : i32
    %mul3A_20 = arith.constant 2 : i32
    %mul3A_21 = arith.muli %mul3A_20, %add3A : i32
    %add3A_22 = arith.constant 0 : i32
    %add3A_23 = arith.addi %mul3A_21, %add3A_22 : i32
    %dma_start3A = arith.constant 0 : i32
    %dma_start3A_24 = arith.constant 0 : i32
    %dma_start3A_25 = arith.constant 0 : i32
    %dma_start3A_26 = tpu.memref_slice %arg10[%dma_start3A, %dma_start3A_24, %dma_start3A_25] : memref<16x8x128xf32, #tpu.memory_space<vmem>> -> memref<1x8x128xf32, #tpu.memory_space<vmem>>
    %dma_start3A_27 = tpu.memref_squeeze %dma_start3A_26 : memref<1x8x128xf32, #tpu.memory_space<vmem>> -> memref<8x128xf32, #tpu.memory_space<vmem>>
    %dma_start3A_28 = arith.constant 0 : i32
    %dma_start3A_29 = tpu.memref_slice %arg2[%add3A_23, %dma_start3A_28, %multiple_of3A_19] : memref<64x8x100000xf32, #tpu.memory_space<hbm>> -> memref<1x8x128xf32, #tpu.memory_space<hbm>>
    %dma_start3A_30 = tpu.memref_squeeze %dma_start3A_29 : memref<1x8x128xf32, #tpu.memory_space<hbm>> -> memref<8x128xf32, #tpu.memory_space<hbm>>
    %dma_start3A_31 = arith.constant 0 : i32
    %dma_start3A_32 = arith.constant 0 : i32
    %dma_start3A_33 = tpu.memref_slice %arg10[%dma_start3A, %dma_start3A_31, %dma_start3A_32] : memref<16x8x128xf32, #tpu.memory_space<vmem>> -> memref<1x8x128xf32, #tpu.memory_space<vmem>>
    %dma_start3A_34 = tpu.memref_squeeze %dma_start3A_33 : memref<1x8x128xf32, #tpu.memory_space<vmem>> -> memref<8x128xf32, #tpu.memory_space<vmem>>
    %dma_start3A_35 = arith.constant 0 : i32
    %dma_start3A_36 = tpu.memref_slice %arg2[%add3A_23, %dma_start3A_35, %multiple_of3A_19] : memref<64x8x100000xf32, #tpu.memory_space<hbm>> -> memref<1x8x128xf32, #tpu.memory_space<hbm>>
    %dma_start3A_37 = tpu.memref_squeeze %dma_start3A_36 : memref<1x8x128xf32, #tpu.memory_space<hbm>> -> memref<8x128xf32, #tpu.memory_space<hbm>>
    tpu.enqueue_dma source(%dma_start3A_37 : memref<8x128xf32, #tpu.memory_space<hbm>>) target(%dma_start3A_34 : memref<8x128xf32, #tpu.memory_space<vmem>>) target_semaphore(%arg14 : memref<!tpu.dma_semaphore, #tpu.memory_space<semaphore_mem>>)
    %dma_start3A_38 = arith.constant 0 : i32
    %dma_start3A_39 = arith.constant 0 : i32
    %dma_start3A_40 = arith.constant 0 : i32
    %dma_start3A_41 = arith.constant 0 : i32
    %dma_start3A_42 = tpu.memref_slice %arg11[%dma_start3A_39, %dma_start3A_40, %dma_start3A_41] : memref<16x8x128xf32, #tpu.memory_space<vmem>> -> memref<1x8x128xf32, #tpu.memory_space<vmem>>
    %dma_start3A_43 = tpu.memref_squeeze %dma_start3A_42 : memref<1x8x128xf32, #tpu.memory_space<vmem>> -> memref<8x128xf32, #tpu.memory_space<vmem>>
    %dma_start3A_44 = tpu.memref_slice %arg3[%dma_start3A_38, %multiple_of3A, %multiple_of3A_19] : memref<9x64x100000xf32, #tpu.memory_space<hbm>> -> memref<1x8x128xf32, #tpu.memory_space<hbm>>
    %dma_start3A_45 = tpu.memref_squeeze %dma_start3A_44 : memref<1x8x128xf32, #tpu.memory_space<hbm>> -> memref<8x128xf32, #tpu.memory_space<hbm>>
    %dma_start3A_46 = arith.constant 0 : i32
    %dma_start3A_47 = arith.constant 0 : i32
    %dma_start3A_48 = tpu.memref_slice %arg11[%dma_start3A_39, %dma_start3A_46, %dma_start3A_47] : memref<16x8x128xf32, #tpu.memory_space<vmem>> -> memref<1x8x128xf32, #tpu.memory_space<vmem>>
    %dma_start3A_49 = tpu.memref_squeeze %dma_start3A_48 : memref<1x8x128xf32, #tpu.memory_space<vmem>> -> memref<8x128xf32, #tpu.memory_space<vmem>>
    %dma_start3A_50 = tpu.memref_slice %arg3[%dma_start3A_38, %multiple_of3A, %multiple_of3A_19] : memref<9x64x100000xf32, #tpu.memory_space<hbm>> -> memref<1x8x128xf32, #tpu.memory_space<hbm>>
    %dma_start3A_51 = tpu.memref_squeeze %dma_start3A_50 : memref<1x8x128xf32, #tpu.memory_space<hbm>> -> memref<8x128xf32, #tpu.memory_space<hbm>>
    tpu.enqueue_dma source(%dma_start3A_51 : memref<8x128xf32, #tpu.memory_space<hbm>>) target(%dma_start3A_49 : memref<8x128xf32, #tpu.memory_space<vmem>>) target_semaphore(%arg15 : memref<!tpu.dma_semaphore, #tpu.memory_space<semaphore_mem>>)
    %eq3A_52 = arith.constant 1 : i32
    %eq3A_53 = vector.broadcast %eq3A_52 : i32 to vector<16xi32>
    %eq3A_54 = arith.cmpi eq, %iota3A, %eq3A_53 : vector<16xi32>
    %jit3A_55 = arith.constant 0 : i32
    %broadcast_in_dim3A_56 = vector.broadcast %jit3A_55 : i32 to vector<16xi32>
    %select_n3A_57 = arith.select %eq3A_54, %and3A_5, %broadcast_in_dim3A_56 : vector<16xi1>, vector<16xi32>
    %reduce_max3A_58 = arith.constant true
    %reduce_max3A_59 = vector.broadcast %reduce_max3A_58 : i1 to vector<16xi1>
    %reduce_max3A_60 = arith.constant -2147483648 : i32
    %reduce_max3A_61 = vector.broadcast %reduce_max3A_60 : i32 to vector<16xi32>
    %reduce_max3A_62 = arith.xori %select_n3A_57, %reduce_max3A_61 : vector<16xi32>
    %reduce_max3A_63 = tpu.scan <max>, %reduce_max3A_62 masked %reduce_max3A_59 : vector<16xi32>, vector<16xi1> -> vector<16xi32>
    %reduce_max3A_64 = arith.xori %reduce_max3A_63, %reduce_max3A_61 : vector<16xi32>
    %reduce_max3A_65 = vector.extract %reduce_max3A_64[15] : i32 from vector<16xi32>
    %multiple_of3A_66 = tpu.assume_multiple %reduce_max3A_65, 128 : i32
    %mul3A_67 = arith.constant 2 : i32
    %mul3A_68 = arith.muli %mul3A_67, %add3A : i32
    %add3A_69 = arith.constant 0 : i32
    %add3A_70 = arith.addi %mul3A_68, %add3A_69 : i32
    %dma_start3A_71 = arith.constant 1 : i32
    %dma_start3A_72 = arith.constant 0 : i32
    %dma_start3A_73 = arith.constant 0 : i32
    %dma_start3A_74 = tpu.memref_slice %arg10[%dma_start3A_71, %dma_start3A_72, %dma_start3A_73] : memref<16x8x128xf32, #tpu.memory_space<vmem>> -> memref<1x8x128xf32, #tpu.memory_space<vmem>>
    %dma_start3A_75 = tpu.memref_squeeze %dma_start3A_74 : memref<1x8x128xf32, #tpu.memory_space<vmem>> -> memref<8x128xf32, #tpu.memory_space<vmem>>
    %dma_start3A_76 = arith.constant 0 : i32
    %dma_start3A_77 = tpu.memref_slice %arg2[%add3A_70, %dma_start3A_76, %multiple_of3A_66] : memref<64x8x100000xf32, #tpu.memory_space<hbm>> -> memref<1x8x128xf32, #tpu.memory_space<hbm>>
    %dma_start3A_78 = tpu.memref_squeeze %dma_start3A_77 : memref<1x8x128xf32, #tpu.memory_space<hbm>> -> memref<8x128xf32, #tpu.memory_space<hbm>>
    %dma_start3A_79 = arith.constant 0 : i32
    %dma_start3A_80 = arith.constant 0 : i32
    %dma_start3A_81 = tpu.memref_slice %arg10[%dma_start3A_71, %dma_start3A_79, %dma_start3A_80] : memref<16x8x128xf32, #tpu.memory_space<vmem>> -> memref<1x8x128xf32, #tpu.memory_space<vmem>>
    %dma_start3A_82 = tpu.memref_squeeze %dma_start3A_81 : memref<1x8x128xf32, #tpu.memory_space<vmem>> -> memref<8x128xf32, #tpu.memory_space<vmem>>
    %dma_start3A_83 = arith.constant 0 : i32
    %dma_start3A_84 = tpu.memref_slice %arg2[%add3A_70, %dma_start3A_83, %multiple_of3A_66] : memref<64x8x100000xf32, #tpu.memory_space<hbm>> -> memref<1x8x128xf32, #tpu.memory_space<hbm>>
    %dma_start3A_85 = tpu.memref_squeeze %dma_start3A_84 : memref<1x8x128xf32, #tpu.memory_space<hbm>> -> memref<8x128xf32, #tpu.memory_space<hbm>>
    tpu.enqueue_dma source(%dma_start3A_85 : memref<8x128xf32, #tpu.memory_space<hbm>>) target(%dma_start3A_82 : memref<8x128xf32, #tpu.memory_space<vmem>>) target_semaphore(%arg14 : memref<!tpu.dma_semaphore, #tpu.memory_space<semaphore_mem>>)
    %dma_start3A_86 = arith.constant 1 : i32
    %dma_start3A_87 = arith.constant 1 : i32
    %dma_start3A_88 = arith.constant 0 : i32
    %dma_start3A_89 = arith.constant 0 : i32
    %dma_start3A_90 = tpu.memref_slice %arg11[%dma_start3A_87, %dma_start3A_88, %dma_start3A_89] : memref<16x8x128xf32, #tpu.memory_space<vmem>> -> memref<1x8x128xf32, #tpu.memory_space<vmem>>
    %dma_start3A_91 = tpu.memref_squeeze %dma_start3A_90 : memref<1x8x128xf32, #tpu.memory_space<vmem>> -> memref<8x128xf32, #tpu.memory_space<vmem>>
    %dma_start3A_92 = tpu.memref_slice %arg3[%dma_start3A_86, %multiple_of3A, %multiple_of3A_66] : memref<9x64x100000xf32, #tpu.memory_space<hbm>> -> memref<1x8x128xf32, #tpu.memory_space<hbm>>
    %dma_start3A_93 = tpu.memref_squeeze %dma_start3A_92 : memref<1x8x128xf32, #tpu.memory_space<hbm>> -> memref<8x128xf32, #tpu.memory_space<hbm>>
    %dma_start3A_94 = arith.constant 0 : i32
    %dma_start3A_95 = arith.constant 0 : i32
    %dma_start3A_96 = tpu.memref_slice %arg11[%dma_start3A_87, %dma_start3A_94, %dma_start3A_95] : memref<16x8x128xf32, #tpu.memory_space<vmem>> -> memref<1x8x128xf32, #tpu.memory_space<vmem>>
    %dma_start3A_97 = tpu.memref_squeeze %dma_start3A_96 : memref<1x8x128xf32, #tpu.memory_space<vmem>> -> memref<8x128xf32, #tpu.memory_space<vmem>>
    %dma_start3A_98 = tpu.memref_slice %arg3[%dma_start3A_86, %multiple_of3A, %multiple_of3A_66] : memref<9x64x100000xf32, #tpu.memory_space<hbm>> -> memref<1x8x128xf32, #tpu.memory_space<hbm>>
    %dma_start3A_99 = tpu.memref_squeeze %dma_start3A_98 : memref<1x8x128xf32, #tpu.memory_space<hbm>> -> memref<8x128xf32, #tpu.memory_space<hbm>>
    tpu.enqueue_dma source(%dma_start3A_99 : memref<8x128xf32, #tpu.memory_space<hbm>>) target(%dma_start3A_97 : memref<8x128xf32, #tpu.memory_space<vmem>>) target_semaphore(%arg15 : memref<!tpu.dma_semaphore, #tpu.memory_space<semaphore_mem>>)
    %eq3A_100 = arith.constant 2 : i32
    %eq3A_101 = vector.broadcast %eq3A_100 : i32 to vector<16xi32>
    %eq3A_102 = arith.cmpi eq, %iota3A, %eq3A_101 : vector<16xi32>
    %jit3A_103 = arith.constant 0 : i32
    %broadcast_in_dim3A_104 = vector.broadcast %jit3A_103 : i32 to vector<16xi32>
    %select_n3A_105 = arith.select %eq3A_102, %and3A_5, %broadcast_in_dim3A_104 : vector<16xi1>, vector<16xi32>
    %reduce_max3A_106 = arith.constant true
    %reduce_max3A_107 = vector.broadcast %reduce_max3A_106 : i1 to vector<16xi1>
    %reduce_max3A_108 = arith.constant -2147483648 : i32
    %reduce_max3A_109 = vector.broadcast %reduce_max3A_108 : i32 to vector<16xi32>
    %reduce_max3A_110 = arith.xori %select_n3A_105, %reduce_max3A_109 : vector<16xi32>
    %reduce_max3A_111 = tpu.scan <max>, %reduce_max3A_110 masked %reduce_max3A_107 : vector<16xi32>, vector<16xi1> -> vector<16xi32>
    %reduce_max3A_112 = arith.xori %reduce_max3A_111, %reduce_max3A_109 : vector<16xi32>
    %reduce_max3A_113 = vector.extract %reduce_max3A_112[15] : i32 from vector<16xi32>
    %multiple_of3A_114 = tpu.assume_multiple %reduce_max3A_113, 128 : i32
    %mul3A_115 = arith.constant 2 : i32
    %mul3A_116 = arith.muli %mul3A_115, %add3A : i32
    %add3A_117 = arith.constant 0 : i32
    %add3A_118 = arith.addi %mul3A_116, %add3A_117 : i32
    %dma_start3A_119 = arith.constant 2 : i32
    %dma_start3A_120 = arith.constant 0 : i32
    %dma_start3A_121 = arith.constant 0 : i32
    %dma_start3A_122 = tpu.memref_slice %arg10[%dma_start3A_119, %dma_start3A_120, %dma_start3A_121] : memref<16x8x128xf32, #tpu.memory_space<vmem>> -> memref<1x8x128xf32, #tpu.memory_space<vmem>>
    %dma_start3A_123 = tpu.memref_squeeze %dma_start3A_122 : memref<1x8x128xf32, #tpu.memory_space<vmem>> -> memref<8x128xf32, #tpu.memory_space<vmem>>
    %dma_start3A_124 = arith.constant 0 : i32
    %dma_start3A_125 = tpu.memref_slice %arg2[%add3A_118, %dma_start3A_124, %multiple_of3A_114] : memref<64x8x100000xf32, #tpu.memory_space<hbm>> -> memref<1x8x128xf32, #tpu.memory_space<hbm>>
    %dma_start3A_126 = tpu.memref_squeeze %dma_start3A_125 : memref<1x8x128xf32, #tpu.memory_space<hbm>> -> memref<8x128xf32, #tpu.memory_space<hbm>>
    %dma_start3A_127 = arith.constant 0 : i32
    %dma_start3A_128 = arith.constant 0 : i32
    %dma_start3A_129 = tpu.memref_slice %arg10[%dma_start3A_119, %dma_start3A_127, %dma_start3A_128] : memref<16x8x128xf32, #tpu.memory_space<vmem>> -> memref<1x8x128xf32, #tpu.memory_space<vmem>>
    %dma_start3A_130 = tpu.memref_squeeze %dma_start3A_129 : memref<1x8x128xf32, #tpu.memory_space<vmem>> -> memref<8x128xf32, #tpu.memory_space<vmem>>
    %dma_start3A_131 = arith.constant 0 : i32
    %dma_start3A_132 = tpu.memref_slice %arg2[%add3A_118, %dma_start3A_131, %multiple_of3A_114] : memref<64x8x100000xf32, #tpu.memory_space<hbm>> -> memref<1x8x128xf32, #tpu.memory_space<hbm>>
    %dma_start3A_133 = tpu.memref_squeeze %dma_start3A_132 : memref<1x8x128xf32, #tpu.memory_space<hbm>> -> memref<8x128xf32, #tpu.memory_space<hbm>>
    tpu.enqueue_dma source(%dma_start3A_133 : memref<8x128xf32, #tpu.memory_space<hbm>>) target(%dma_start3A_130 : memref<8x128xf32, #tpu.memory_space<vmem>>) target_semaphore(%arg14 : memref<!tpu.dma_semaphore, #tpu.memory_space<semaphore_mem>>)
    %dma_start3A_134 = arith.constant 2 : i32
    %dma_start3A_135 = arith.constant 2 : i32
    %dma_start3A_136 = arith.constant 0 : i32
    %dma_start3A_137 = arith.constant 0 : i32
    %dma_start3A_138 = tpu.memref_slice %arg11[%dma_start3A_135, %dma_start3A_136, %dma_start3A_137] : memref<16x8x128xf32, #tpu.memory_space<vmem>> -> memref<1x8x128xf32, #tpu.memory_space<vmem>>
    %dma_start3A_139 = tpu.memref_squeeze %dma_start3A_138 : memref<1x8x128xf32, #tpu.memory_space<vmem>> -> memref<8x128xf32, #tpu.memory_space<vmem>>
    %dma_start3A_140 = tpu.memref_slice %arg3[%dma_start3A_134, %multiple_of3A, %multiple_of3A_114] : memref<9x64x100000xf32, #tpu.memory_space<hbm>> -> memref<1x8x128xf32, #tpu.memory_space<hbm>>
    %dma_start3A_141 = tpu.memref_squeeze %dma_start3A_140 : memref<1x8x128xf32, #tpu.memory_space<hbm>> -> memref<8x128xf32, #tpu.memory_space<hbm>>
    %dma_start3A_142 = arith.constant 0 : i32
    %dma_start3A_143 = arith.constant 0 : i32
    %dma_start3A_144 = tpu.memref_slice %arg11[%dma_start3A_135, %dma_start3A_142, %dma_start3A_143] : memref<16x8x128xf32, #tpu.memory_space<vmem>> -> memref<1x8x128xf32, #tpu.memory_space<vmem>>
    %dma_start3A_145 = tpu.memref_squeeze %dma_start3A_144 : memref<1x8x128xf32, #tpu.memory_space<vmem>> -> memref<8x128xf32, #tpu.memory_space<vmem>>
    %dma_start3A_146 = tpu.memref_slice %arg3[%dma_start3A_134, %multiple_of3A, %multiple_of3A_114] : memref<9x64x100000xf32, #tpu.memory_space<hbm>> -> memref<1x8x128xf32, #tpu.memory_space<hbm>>
    %dma_start3A_147 = tpu.memref_squeeze %dma_start3A_146 : memref<1x8x128xf32, #tpu.memory_space<hbm>> -> memref<8x128xf32, #tpu.memory_space<hbm>>
    tpu.enqueue_dma source(%dma_start3A_147 : memref<8x128xf32, #tpu.memory_space<hbm>>) target(%dma_start3A_145 : memref<8x128xf32, #tpu.memory_space<vmem>>) target_semaphore(%arg15 : memref<!tpu.dma_semaphore, #tpu.memory_space<semaphore_mem>>)
    %eq3A_148 = arith.constant 3 : i32
    %eq3A_149 = vector.broadcast %eq3A_148 : i32 to vector<16xi32>
    %eq3A_150 = arith.cmpi eq, %iota3A, %eq3A_149 : vector<16xi32>
    %jit3A_151 = arith.constant 0 : i32
    %broadcast_in_dim3A_152 = vector.broadcast %jit3A_151 : i32 to vector<16xi32>
    %select_n3A_153 = arith.select %eq3A_150, %and3A_5, %broadcast_in_dim3A_152 : vector<16xi1>, vector<16xi32>
    %reduce_max3A_154 = arith.constant true
    %reduce_max3A_155 = vector.broadcast %reduce_max3A_154 : i1 to vector<16xi1>
    %reduce_max3A_156 = arith.constant -2147483648 : i32
    %reduce_max3A_157 = vector.broadcast %reduce_max3A_156 : i32 to vector<16xi32>
    %reduce_max3A_158 = arith.xori %select_n3A_153, %reduce_max3A_157 : vector<16xi32>
    %reduce_max3A_159 = tpu.scan <max>, %reduce_max3A_158 masked %reduce_max3A_155 : vector<16xi32>, vector<16xi1> -> vector<16xi32>
    %reduce_max3A_160 = arith.xori %reduce_max3A_159, %reduce_max3A_157 : vector<16xi32>
    %reduce_max3A_161 = vector.extract %reduce_max3A_160[15] : i32 from vector<16xi32>
    %multiple_of3A_162 = tpu.assume_multiple %reduce_max3A_161, 128 : i32
    %mul3A_163 = arith.constant 2 : i32
    %mul3A_164 = arith.muli %mul3A_163, %add3A : i32
    %add3A_165 = arith.constant 0 : i32
    %add3A_166 = arith.addi %mul3A_164, %add3A_165 : i32
    %dma_start3A_167 = arith.constant 3 : i32
    %dma_start3A_168 = arith.constant 0 : i32
    %dma_start3A_169 = arith.constant 0 : i32
    %dma_start3A_170 = tpu.memref_slice %arg10[%dma_start3A_167, %dma_start3A_168, %dma_start3A_169] : memref<16x8x128xf32, #tpu.memory_space<vmem>> -> memref<1x8x128xf32, #tpu.memory_space<vmem>>
    %dma_start3A_171 = tpu.memref_squeeze %dma_start3A_170 : memref<1x8x128xf32, #tpu.memory_space<vmem>> -> memref<8x128xf32, #tpu.memory_space<vmem>>
    %dma_start3A_172 = arith.constant 0 : i32
    %dma_start3A_173 = tpu.memref_slice %arg2[%add3A_166, %dma_start3A_172, %multiple_of3A_162] : memref<64x8x100000xf32, #tpu.memory_space<hbm>> -> memref<1x8x128xf32, #tpu.memory_space<hbm>>
    %dma_start3A_174 = tpu.memref_squeeze %dma_start3A_173 : memref<1x8x128xf32, #tpu.memory_space<hbm>> -> memref<8x128xf32, #tpu.memory_space<hbm>>
    %dma_start3A_175 = arith.constant 0 : i32
    %dma_start3A_176 = arith.constant 0 : i32
    %dma_start3A_177 = tpu.memref_slice %arg10[%dma_start3A_167, %dma_start3A_175, %dma_start3A_176] : memref<16x8x128xf32, #tpu.memory_space<vmem>> -> memref<1x8x128xf32, #tpu.memory_space<vmem>>
    %dma_start3A_178 = tpu.memref_squeeze %dma_start3A_177 : memref<1x8x128xf32, #tpu.memory_space<vmem>> -> memref<8x128xf32, #tpu.memory_space<vmem>>
    %dma_start3A_179 = arith.constant 0 : i32
    %dma_start3A_180 = tpu.memref_slice %arg2[%add3A_166, %dma_start3A_179, %multiple_of3A_162] : memref<64x8x100000xf32, #tpu.memory_space<hbm>> -> memref<1x8x128xf32, #tpu.memory_space<hbm>>
    %dma_start3A_181 = tpu.memref_squeeze %dma_start3A_180 : memref<1x8x128xf32, #tpu.memory_space<hbm>> -> memref<8x128xf32, #tpu.memory_space<hbm>>
    tpu.enqueue_dma source(%dma_start3A_181 : memref<8x128xf32, #tpu.memory_space<hbm>>) target(%dma_start3A_178 : memref<8x128xf32, #tpu.memory_space<vmem>>) target_semaphore(%arg14 : memref<!tpu.dma_semaphore, #tpu.memory_space<semaphore_mem>>)
    %dma_start3A_182 = arith.constant 3 : i32
    %dma_start3A_183 = arith.constant 3 : i32
    %dma_start3A_184 = arith.constant 0 : i32
    %dma_start3A_185 = arith.constant 0 : i32
    %dma_start3A_186 = tpu.memref_slice %arg11[%dma_start3A_183, %dma_start3A_184, %dma_start3A_185] : memref<16x8x128xf32, #tpu.memory_space<vmem>> -> memref<1x8x128xf32, #tpu.memory_space<vmem>>
    %dma_start3A_187 = tpu.memref_squeeze %dma_start3A_186 : memref<1x8x128xf32, #tpu.memory_space<vmem>> -> memref<8x128xf32, #tpu.memory_space<vmem>>
    %dma_start3A_188 = tpu.memref_slice %arg3[%dma_start3A_182, %multiple_of3A, %multiple_of3A_162] : memref<9x64x100000xf32, #tpu.memory_space<hbm>> -> memref<1x8x128xf32, #tpu.memory_space<hbm>>
    %dma_start3A_189 = tpu.memref_squeeze %dma_start3A_188 : memref<1x8x128xf32, #tpu.memory_space<hbm>> -> memref<8x128xf32, #tpu.memory_space<hbm>>
    %dma_start3A_190 = arith.constant 0 : i32
    %dma_start3A_191 = arith.constant 0 : i32
    %dma_start3A_192 = tpu.memref_slice %arg11[%dma_start3A_183, %dma_start3A_190, %dma_start3A_191] : memref<16x8x128xf32, #tpu.memory_space<vmem>> -> memref<1x8x128xf32, #tpu.memory_space<vmem>>
    %dma_start3A_193 = tpu.memref_squeeze %dma_start3A_192 : memref<1x8x128xf32, #tpu.memory_space<vmem>> -> memref<8x128xf32, #tpu.memory_space<vmem>>
    %dma_start3A_194 = tpu.memref_slice %arg3[%dma_start3A_182, %multiple_of3A, %multiple_of3A_162] : memref<9x64x100000xf32, #tpu.memory_space<hbm>> -> memref<1x8x128xf32, #tpu.memory_space<hbm>>
    %dma_start3A_195 = tpu.memref_squeeze %dma_start3A_194 : memref<1x8x128xf32, #tpu.memory_space<hbm>> -> memref<8x128xf32, #tpu.memory_space<hbm>>
    tpu.enqueue_dma source(%dma_start3A_195 : memref<8x128xf32, #tpu.memory_space<hbm>>) target(%dma_start3A_193 : memref<8x128xf32, #tpu.memory_space<vmem>>) target_semaphore(%arg15 : memref<!tpu.dma_semaphore, #tpu.memory_space<semaphore_mem>>)
    %eq3A_196 = arith.constant 4 : i32
    %eq3A_197 = vector.broadcast %eq3A_196 : i32 to vector<16xi32>
    %eq3A_198 = arith.cmpi eq, %iota3A, %eq3A_197 : vector<16xi32>
    %jit3A_199 = arith.constant 0 : i32
    %broadcast_in_dim3A_200 = vector.broadcast %jit3A_199 : i32 to vector<16xi32>
    %select_n3A_201 = arith.select %eq3A_198, %and3A_5, %broadcast_in_dim3A_200 : vector<16xi1>, vector<16xi32>
    %reduce_max3A_202 = arith.constant true
    %reduce_max3A_203 = vector.broadcast %reduce_max3A_202 : i1 to vector<16xi1>
    %reduce_max3A_204 = arith.constant -2147483648 : i32
    %reduce_max3A_205 = vector.broadcast %reduce_max3A_204 : i32 to vector<16xi32>
    %reduce_max3A_206 = arith.xori %select_n3A_201, %reduce_max3A_205 : vector<16xi32>
    %reduce_max3A_207 = tpu.scan <max>, %reduce_max3A_206 masked %reduce_max3A_203 : vector<16xi32>, vector<16xi1> -> vector<16xi32>
    %reduce_max3A_208 = arith.xori %reduce_max3A_207, %reduce_max3A_205 : vector<16xi32>
    %reduce_max3A_209 = vector.extract %reduce_max3A_208[15] : i32 from vector<16xi32>
    %multiple_of3A_210 = tpu.assume_multiple %reduce_max3A_209, 128 : i32
    %mul3A_211 = arith.constant 2 : i32
    %mul3A_212 = arith.muli %mul3A_211, %add3A : i32
    %add3A_213 = arith.constant 0 : i32
    %add3A_214 = arith.addi %mul3A_212, %add3A_213 : i32
    %dma_start3A_215 = arith.constant 4 : i32
    %dma_start3A_216 = arith.constant 0 : i32
    %dma_start3A_217 = arith.constant 0 : i32
    %dma_start3A_218 = tpu.memref_slice %arg10[%dma_start3A_215, %dma_start3A_216, %dma_start3A_217] : memref<16x8x128xf32, #tpu.memory_space<vmem>> -> memref<1x8x128xf32, #tpu.memory_space<vmem>>
    %dma_start3A_219 = tpu.memref_squeeze %dma_start3A_218 : memref<1x8x128xf32, #tpu.memory_space<vmem>> -> memref<8x128xf32, #tpu.memory_space<vmem>>
    %dma_start3A_220 = arith.constant 0 : i32
    %dma_start3A_221 = tpu.memref_slice %arg2[%add3A_214, %dma_start3A_220, %multiple_of3A_210] : memref<64x8x100000xf32, #tpu.memory_space<hbm>> -> memref<1x8x128xf32, #tpu.memory_space<hbm>>
    %dma_start3A_222 = tpu.memref_squeeze %dma_start3A_221 : memref<1x8x128xf32, #tpu.memory_space<hbm>> -> memref<8x128xf32, #tpu.memory_space<hbm>>
    %dma_start3A_223 = arith.constant 0 : i32
    %dma_start3A_224 = arith.constant 0 : i32
    %dma_start3A_225 = tpu.memref_slice %arg10[%dma_start3A_215, %dma_start3A_223, %dma_start3A_224] : memref<16x8x128xf32, #tpu.memory_space<vmem>> -> memref<1x8x128xf32, #tpu.memory_space<vmem>>
    %dma_start3A_226 = tpu.memref_squeeze %dma_start3A_225 : memref<1x8x128xf32, #tpu.memory_space<vmem>> -> memref<8x128xf32, #tpu.memory_space<vmem>>
    %dma_start3A_227 = arith.constant 0 : i32
    %dma_start3A_228 = tpu.memref_slice %arg2[%add3A_214, %dma_start3A_227, %multiple_of3A_210] : memref<64x8x100000xf32, #tpu.memory_space<hbm>> -> memref<1x8x128xf32, #tpu.memory_space<hbm>>
    %dma_start3A_229 = tpu.memref_squeeze %dma_start3A_228 : memref<1x8x128xf32, #tpu.memory_space<hbm>> -> memref<8x128xf32, #tpu.memory_space<hbm>>
    tpu.enqueue_dma source(%dma_start3A_229 : memref<8x128xf32, #tpu.memory_space<hbm>>) target(%dma_start3A_226 : memref<8x128xf32, #tpu.memory_space<vmem>>) target_semaphore(%arg14 : memref<!tpu.dma_semaphore, #tpu.memory_space<semaphore_mem>>)
    %dma_start3A_230 = arith.constant 4 : i32
    %dma_start3A_231 = arith.constant 4 : i32
    %dma_start3A_232 = arith.constant 0 : i32
    %dma_start3A_233 = arith.constant 0 : i32
    %dma_start3A_234 = tpu.memref_slice %arg11[%dma_start3A_231, %dma_start3A_232, %dma_start3A_233] : memref<16x8x128xf32, #tpu.memory_space<vmem>> -> memref<1x8x128xf32, #tpu.memory_space<vmem>>
    %dma_start3A_235 = tpu.memref_squeeze %dma_start3A_234 : memref<1x8x128xf32, #tpu.memory_space<vmem>> -> memref<8x128xf32, #tpu.memory_space<vmem>>
    %dma_start3A_236 = tpu.memref_slice %arg3[%dma_start3A_230, %multiple_of3A, %multiple_of3A_210] : memref<9x64x100000xf32, #tpu.memory_space<hbm>> -> memref<1x8x128xf32, #tpu.memory_space<hbm>>
    %dma_start3A_237 = tpu.memref_squeeze %dma_start3A_236 : memref<1x8x128xf32, #tpu.memory_space<hbm>> -> memref<8x128xf32, #tpu.memory_space<hbm>>
    %dma_start3A_238 = arith.constant 0 : i32
    %dma_start3A_239 = arith.constant 0 : i32
    %dma_start3A_240 = tpu.memref_slice %arg11[%dma_start3A_231, %dma_start3A_238, %dma_start3A_239] : memref<16x8x128xf32, #tpu.memory_space<vmem>> -> memref<1x8x128xf32, #tpu.memory_space<vmem>>
    %dma_start3A_241 = tpu.memref_squeeze %dma_start3A_240 : memref<1x8x128xf32, #tpu.memory_space<vmem>> -> memref<8x128xf32, #tpu.memory_space<vmem>>
    %dma_start3A_242 = tpu.memref_slice %arg3[%dma_start3A_230, %multiple_of3A, %multiple_of3A_210] : memref<9x64x100000xf32, #tpu.memory_space<hbm>> -> memref<1x8x128xf32, #tpu.memory_space<hbm>>
    %dma_start3A_243 = tpu.memref_squeeze %dma_start3A_242 : memref<1x8x128xf32, #tpu.memory_space<hbm>> -> memref<8x128xf32, #tpu.memory_space<hbm>>
    tpu.enqueue_dma source(%dma_start3A_243 : memref<8x128xf32, #tpu.memory_space<hbm>>) target(%dma_start3A_241 : memref<8x128xf32, #tpu.memory_space<vmem>>) target_semaphore(%arg15 : memref<!tpu.dma_semaphore, #tpu.memory_space<semaphore_mem>>)
    %eq3A_244 = arith.constant 5 : i32
    %eq3A_245 = vector.broadcast %eq3A_244 : i32 to vector<16xi32>
    %eq3A_246 = arith.cmpi eq, %iota3A, %eq3A_245 : vector<16xi32>
    %jit3A_247 = arith.constant 0 : i32
    %broadcast_in_dim3A_248 = vector.broadcast %jit3A_247 : i32 to vector<16xi32>
    %select_n3A_249 = arith.select %eq3A_246, %and3A_5, %broadcast_in_dim3A_248 : vector<16xi1>, vector<16xi32>
    %reduce_max3A_250 = arith.constant true
    %reduce_max3A_251 = vector.broadcast %reduce_max3A_250 : i1 to vector<16xi1>
    %reduce_max3A_252 = arith.constant -2147483648 : i32
    %reduce_max3A_253 = vector.broadcast %reduce_max3A_252 : i32 to vector<16xi32>
    %reduce_max3A_254 = arith.xori %select_n3A_249, %reduce_max3A_253 : vector<16xi32>
    %reduce_max3A_255 = tpu.scan <max>, %reduce_max3A_254 masked %reduce_max3A_251 : vector<16xi32>, vector<16xi1> -> vector<16xi32>
    %reduce_max3A_256 = arith.xori %reduce_max3A_255, %reduce_max3A_253 : vector<16xi32>
    %reduce_max3A_257 = vector.extract %reduce_max3A_256[15] : i32 from vector<16xi32>
    %multiple_of3A_258 = tpu.assume_multiple %reduce_max3A_257, 128 : i32
    %mul3A_259 = arith.constant 2 : i32
    %mul3A_260 = arith.muli %mul3A_259, %add3A : i32
    %add3A_261 = arith.constant 0 : i32
    %add3A_262 = arith.addi %mul3A_260, %add3A_261 : i32
    %dma_start3A_263 = arith.constant 5 : i32
    %dma_start3A_264 = arith.constant 0 : i32
    %dma_start3A_265 = arith.constant 0 : i32
    %dma_start3A_266 = tpu.memref_slice %arg10[%dma_start3A_263, %dma_start3A_264, %dma_start3A_265] : memref<16x8x128xf32, #tpu.memory_space<vmem>> -> memref<1x8x128xf32, #tpu.memory_space<vmem>>
    %dma_start3A_267 = tpu.memref_squeeze %dma_start3A_266 : memref<1x8x128xf32, #tpu.memory_space<vmem>> -> memref<8x128xf32, #tpu.memory_space<vmem>>
    %dma_start3A_268 = arith.constant 0 : i32
    %dma_start3A_269 = tpu.memref_slice %arg2[%add3A_262, %dma_start3A_268, %multiple_of3A_258] : memref<64x8x100000xf32, #tpu.memory_space<hbm>> -> memref<1x8x128xf32, #tpu.memory_space<hbm>>
    %dma_start3A_270 = tpu.memref_squeeze %dma_start3A_269 : memref<1x8x128xf32, #tpu.memory_space<hbm>> -> memref<8x128xf32, #tpu.memory_space<hbm>>
    %dma_start3A_271 = arith.constant 0 : i32
    %dma_start3A_272 = arith.constant 0 : i32
    %dma_start3A_273 = tpu.memref_slice %arg10[%dma_start3A_263, %dma_start3A_271, %dma_start3A_272] : memref<16x8x128xf32, #tpu.memory_space<vmem>> -> memref<1x8x128xf32, #tpu.memory_space<vmem>>
    %dma_start3A_274 = tpu.memref_squeeze %dma_start3A_273 : memref<1x8x128xf32, #tpu.memory_space<vmem>> -> memref<8x128xf32, #tpu.memory_space<vmem>>
    %dma_start3A_275 = arith.constant 0 : i32
    %dma_start3A_276 = tpu.memref_slice %arg2[%add3A_262, %dma_start3A_275, %multiple_of3A_258] : memref<64x8x100000xf32, #tpu.memory_space<hbm>> -> memref<1x8x128xf32, #tpu.memory_space<hbm>>
    %dma_start3A_277 = tpu.memref_squeeze %dma_start3A_276 : memref<1x8x128xf32, #tpu.memory_space<hbm>> -> memref<8x128xf32, #tpu.memory_space<hbm>>
    tpu.enqueue_dma source(%dma_start3A_277 : memref<8x128xf32, #tpu.memory_space<hbm>>) target(%dma_start3A_274 : memref<8x128xf32, #tpu.memory_space<vmem>>) target_semaphore(%arg14 : memref<!tpu.dma_semaphore, #tpu.memory_space<semaphore_mem>>)
    %dma_start3A_278 = arith.constant 5 : i32
    %dma_start3A_279 = arith.constant 5 : i32
    %dma_start3A_280 = arith.constant 0 : i32
    %dma_start3A_281 = arith.constant 0 : i32
    %dma_start3A_282 = tpu.memref_slice %arg11[%dma_start3A_279, %dma_start3A_280, %dma_start3A_281] : memref<16x8x128xf32, #tpu.memory_space<vmem>> -> memref<1x8x128xf32, #tpu.memory_space<vmem>>
    %dma_start3A_283 = tpu.memref_squeeze %dma_start3A_282 : memref<1x8x128xf32, #tpu.memory_space<vmem>> -> memref<8x128xf32, #tpu.memory_space<vmem>>
    %dma_start3A_284 = tpu.memref_slice %arg3[%dma_start3A_278, %multiple_of3A, %multiple_of3A_258] : memref<9x64x100000xf32, #tpu.memory_space<hbm>> -> memref<1x8x128xf32, #tpu.memory_space<hbm>>
    %dma_start3A_285 = tpu.memref_squeeze %dma_start3A_284 : memref<1x8x128xf32, #tpu.memory_space<hbm>> -> memref<8x128xf32, #tpu.memory_space<hbm>>
    %dma_start3A_286 = arith.constant 0 : i32
    %dma_start3A_287 = arith.constant 0 : i32
    %dma_start3A_288 = tpu.memref_slice %arg11[%dma_start3A_279, %dma_start3A_286, %dma_start3A_287] : memref<16x8x128xf32, #tpu.memory_space<vmem>> -> memref<1x8x128xf32, #tpu.memory_space<vmem>>
    %dma_start3A_289 = tpu.memref_squeeze %dma_start3A_288 : memref<1x8x128xf32, #tpu.memory_space<vmem>> -> memref<8x128xf32, #tpu.memory_space<vmem>>
    %dma_start3A_290 = tpu.memref_slice %arg3[%dma_start3A_278, %multiple_of3A, %multiple_of3A_258] : memref<9x64x100000xf32, #tpu.memory_space<hbm>> -> memref<1x8x128xf32, #tpu.memory_space<hbm>>
    %dma_start3A_291 = tpu.memref_squeeze %dma_start3A_290 : memref<1x8x128xf32, #tpu.memory_space<hbm>> -> memref<8x128xf32, #tpu.memory_space<hbm>>
    tpu.enqueue_dma source(%dma_start3A_291 : memref<8x128xf32, #tpu.memory_space<hbm>>) target(%dma_start3A_289 : memref<8x128xf32, #tpu.memory_space<vmem>>) target_semaphore(%arg15 : memref<!tpu.dma_semaphore, #tpu.memory_space<semaphore_mem>>)
    %eq3A_292 = arith.constant 6 : i32
    %eq3A_293 = vector.broadcast %eq3A_292 : i32 to vector<16xi32>
    %eq3A_294 = arith.cmpi eq, %iota3A, %eq3A_293 : vector<16xi32>
    %jit3A_295 = arith.constant 0 : i32
    %broadcast_in_dim3A_296 = vector.broadcast %jit3A_295 : i32 to vector<16xi32>
    %select_n3A_297 = arith.select %eq3A_294, %and3A_5, %broadcast_in_dim3A_296 : vector<16xi1>, vector<16xi32>
    %reduce_max3A_298 = arith.constant true
    %reduce_max3A_299 = vector.broadcast %reduce_max3A_298 : i1 to vector<16xi1>
    %reduce_max3A_300 = arith.constant -2147483648 : i32
    %reduce_max3A_301 = vector.broadcast %reduce_max3A_300 : i32 to vector<16xi32>
    %reduce_max3A_302 = arith.xori %select_n3A_297, %reduce_max3A_301 : vector<16xi32>
    %reduce_max3A_303 = tpu.scan <max>, %reduce_max3A_302 masked %reduce_max3A_299 : vector<16xi32>, vector<16xi1> -> vector<16xi32>
    %reduce_max3A_304 = arith.xori %reduce_max3A_303, %reduce_max3A_301 : vector<16xi32>
    %reduce_max3A_305 = vector.extract %reduce_max3A_304[15] : i32 from vector<16xi32>
    %multiple_of3A_306 = tpu.assume_multiple %reduce_max3A_305, 128 : i32
    %mul3A_307 = arith.constant 2 : i32
    %mul3A_308 = arith.muli %mul3A_307, %add3A : i32
    %add3A_309 = arith.constant 0 : i32
    %add3A_310 = arith.addi %mul3A_308, %add3A_309 : i32
    %dma_start3A_311 = arith.constant 6 : i32
    %dma_start3A_312 = arith.constant 0 : i32
    %dma_start3A_313 = arith.constant 0 : i32
    %dma_start3A_314 = tpu.memref_slice %arg10[%dma_start3A_311, %dma_start3A_312, %dma_start3A_313] : memref<16x8x128xf32, #tpu.memory_space<vmem>> -> memref<1x8x128xf32, #tpu.memory_space<vmem>>
    %dma_start3A_315 = tpu.memref_squeeze %dma_start3A_314 : memref<1x8x128xf32, #tpu.memory_space<vmem>> -> memref<8x128xf32, #tpu.memory_space<vmem>>
    %dma_start3A_316 = arith.constant 0 : i32
    %dma_start3A_317 = tpu.memref_slice %arg2[%add3A_310, %dma_start3A_316, %multiple_of3A_306] : memref<64x8x100000xf32, #tpu.memory_space<hbm>> -> memref<1x8x128xf32, #tpu.memory_space<hbm>>
    %dma_start3A_318 = tpu.memref_squeeze %dma_start3A_317 : memref<1x8x128xf32, #tpu.memory_space<hbm>> -> memref<8x128xf32, #tpu.memory_space<hbm>>
    %dma_start3A_319 = arith.constant 0 : i32
    %dma_start3A_320 = arith.constant 0 : i32
    %dma_start3A_321 = tpu.memref_slice %arg10[%dma_start3A_311, %dma_start3A_319, %dma_start3A_320] : memref<16x8x128xf32, #tpu.memory_space<vmem>> -> memref<1x8x128xf32, #tpu.memory_space<vmem>>
    %dma_start3A_322 = tpu.memref_squeeze %dma_start3A_321 : memref<1x8x128xf32, #tpu.memory_space<vmem>> -> memref<8x128xf32, #tpu.memory_space<vmem>>
    %dma_start3A_323 = arith.constant 0 : i32
    %dma_start3A_324 = tpu.memref_slice %arg2[%add3A_310, %dma_start3A_323, %multiple_of3A_306] : memref<64x8x100000xf32, #tpu.memory_space<hbm>> -> memref<1x8x128xf32, #tpu.memory_space<hbm>>
    %dma_start3A_325 = tpu.memref_squeeze %dma_start3A_324 : memref<1x8x128xf32, #tpu.memory_space<hbm>> -> memref<8x128xf32, #tpu.memory_space<hbm>>
    tpu.enqueue_dma source(%dma_start3A_325 : memref<8x128xf32, #tpu.memory_space<hbm>>) target(%dma_start3A_322 : memref<8x128xf32, #tpu.memory_space<vmem>>) target_semaphore(%arg14 : memref<!tpu.dma_semaphore, #tpu.memory_space<semaphore_mem>>)
    %dma_start3A_326 = arith.constant 6 : i32
    %dma_start3A_327 = arith.constant 6 : i32
    %dma_start3A_328 = arith.constant 0 : i32
    %dma_start3A_329 = arith.constant 0 : i32
    %dma_start3A_330 = tpu.memref_slice %arg11[%dma_start3A_327, %dma_start3A_328, %dma_start3A_329] : memref<16x8x128xf32, #tpu.memory_space<vmem>> -> memref<1x8x128xf32, #tpu.memory_space<vmem>>
    %dma_start3A_331 = tpu.memref_squeeze %dma_start3A_330 : memref<1x8x128xf32, #tpu.memory_space<vmem>> -> memref<8x128xf32, #tpu.memory_space<vmem>>
    %dma_start3A_332 = tpu.memref_slice %arg3[%dma_start3A_326, %multiple_of3A, %multiple_of3A_306] : memref<9x64x100000xf32, #tpu.memory_space<hbm>> -> memref<1x8x128xf32, #tpu.memory_space<hbm>>
    %dma_start3A_333 = tpu.memref_squeeze %dma_start3A_332 : memref<1x8x128xf32, #tpu.memory_space<hbm>> -> memref<8x128xf32, #tpu.memory_space<hbm>>
    %dma_start3A_334 = arith.constant 0 : i32
    %dma_start3A_335 = arith.constant 0 : i32
    %dma_start3A_336 = tpu.memref_slice %arg11[%dma_start3A_327, %dma_start3A_334, %dma_start3A_335] : memref<16x8x128xf32, #tpu.memory_space<vmem>> -> memref<1x8x128xf32, #tpu.memory_space<vmem>>
    %dma_start3A_337 = tpu.memref_squeeze %dma_start3A_336 : memref<1x8x128xf32, #tpu.memory_space<vmem>> -> memref<8x128xf32, #tpu.memory_space<vmem>>
    %dma_start3A_338 = tpu.memref_slice %arg3[%dma_start3A_326, %multiple_of3A, %multiple_of3A_306] : memref<9x64x100000xf32, #tpu.memory_space<hbm>> -> memref<1x8x128xf32, #tpu.memory_space<hbm>>
    %dma_start3A_339 = tpu.memref_squeeze %dma_start3A_338 : memref<1x8x128xf32, #tpu.memory_space<hbm>> -> memref<8x128xf32, #tpu.memory_space<hbm>>
    tpu.enqueue_dma source(%dma_start3A_339 : memref<8x128xf32, #tpu.memory_space<hbm>>) target(%dma_start3A_337 : memref<8x128xf32, #tpu.memory_space<vmem>>) target_semaphore(%arg15 : memref<!tpu.dma_semaphore, #tpu.memory_space<semaphore_mem>>)
    %eq3A_340 = arith.constant 7 : i32
    %eq3A_341 = vector.broadcast %eq3A_340 : i32 to vector<16xi32>
    %eq3A_342 = arith.cmpi eq, %iota3A, %eq3A_341 : vector<16xi32>
    %jit3A_343 = arith.constant 0 : i32
    %broadcast_in_dim3A_344 = vector.broadcast %jit3A_343 : i32 to vector<16xi32>
    %select_n3A_345 = arith.select %eq3A_342, %and3A_5, %broadcast_in_dim3A_344 : vector<16xi1>, vector<16xi32>
    %reduce_max3A_346 = arith.constant true
    %reduce_max3A_347 = vector.broadcast %reduce_max3A_346 : i1 to vector<16xi1>
    %reduce_max3A_348 = arith.constant -2147483648 : i32
    %reduce_max3A_349 = vector.broadcast %reduce_max3A_348 : i32 to vector<16xi32>
    %reduce_max3A_350 = arith.xori %select_n3A_345, %reduce_max3A_349 : vector<16xi32>
    %reduce_max3A_351 = tpu.scan <max>, %reduce_max3A_350 masked %reduce_max3A_347 : vector<16xi32>, vector<16xi1> -> vector<16xi32>
    %reduce_max3A_352 = arith.xori %reduce_max3A_351, %reduce_max3A_349 : vector<16xi32>
    %reduce_max3A_353 = vector.extract %reduce_max3A_352[15] : i32 from vector<16xi32>
    %multiple_of3A_354 = tpu.assume_multiple %reduce_max3A_353, 128 : i32
    %mul3A_355 = arith.constant 2 : i32
    %mul3A_356 = arith.muli %mul3A_355, %add3A : i32
    %add3A_357 = arith.constant 0 : i32
    %add3A_358 = arith.addi %mul3A_356, %add3A_357 : i32
    %dma_start3A_359 = arith.constant 7 : i32
    %dma_start3A_360 = arith.constant 0 : i32
    %dma_start3A_361 = arith.constant 0 : i32
    %dma_start3A_362 = tpu.memref_slice %arg10[%dma_start3A_359, %dma_start3A_360, %dma_start3A_361] : memref<16x8x128xf32, #tpu.memory_space<vmem>> -> memref<1x8x128xf32, #tpu.memory_space<vmem>>
    %dma_start3A_363 = tpu.memref_squeeze %dma_start3A_362 : memref<1x8x128xf32, #tpu.memory_space<vmem>> -> memref<8x128xf32, #tpu.memory_space<vmem>>
    %dma_start3A_364 = arith.constant 0 : i32
    %dma_start3A_365 = tpu.memref_slice %arg2[%add3A_358, %dma_start3A_364, %multiple_of3A_354] : memref<64x8x100000xf32, #tpu.memory_space<hbm>> -> memref<1x8x128xf32, #tpu.memory_space<hbm>>
    %dma_start3A_366 = tpu.memref_squeeze %dma_start3A_365 : memref<1x8x128xf32, #tpu.memory_space<hbm>> -> memref<8x128xf32, #tpu.memory_space<hbm>>
    %dma_start3A_367 = arith.constant 0 : i32
    %dma_start3A_368 = arith.constant 0 : i32
    %dma_start3A_369 = tpu.memref_slice %arg10[%dma_start3A_359, %dma_start3A_367, %dma_start3A_368] : memref<16x8x128xf32, #tpu.memory_space<vmem>> -> memref<1x8x128xf32, #tpu.memory_space<vmem>>
    %dma_start3A_370 = tpu.memref_squeeze %dma_start3A_369 : memref<1x8x128xf32, #tpu.memory_space<vmem>> -> memref<8x128xf32, #tpu.memory_space<vmem>>
    %dma_start3A_371 = arith.constant 0 : i32
    %dma_start3A_372 = tpu.memref_slice %arg2[%add3A_358, %dma_start3A_371, %multiple_of3A_354] : memref<64x8x100000xf32, #tpu.memory_space<hbm>> -> memref<1x8x128xf32, #tpu.memory_space<hbm>>
    %dma_start3A_373 = tpu.memref_squeeze %dma_start3A_372 : memref<1x8x128xf32, #tpu.memory_space<hbm>> -> memref<8x128xf32, #tpu.memory_space<hbm>>
    tpu.enqueue_dma source(%dma_start3A_373 : memref<8x128xf32, #tpu.memory_space<hbm>>) target(%dma_start3A_370 : memref<8x128xf32, #tpu.memory_space<vmem>>) target_semaphore(%arg14 : memref<!tpu.dma_semaphore, #tpu.memory_space<semaphore_mem>>)
    %dma_start3A_374 = arith.constant 7 : i32
    %dma_start3A_375 = arith.constant 7 : i32
    %dma_start3A_376 = arith.constant 0 : i32
    %dma_start3A_377 = arith.constant 0 : i32
    %dma_start3A_378 = tpu.memref_slice %arg11[%dma_start3A_375, %dma_start3A_376, %dma_start3A_377] : memref<16x8x128xf32, #tpu.memory_space<vmem>> -> memref<1x8x128xf32, #tpu.memory_space<vmem>>
    %dma_start3A_379 = tpu.memref_squeeze %dma_start3A_378 : memref<1x8x128xf32, #tpu.memory_space<vmem>> -> memref<8x128xf32, #tpu.memory_space<vmem>>
    %dma_start3A_380 = tpu.memref_slice %arg3[%dma_start3A_374, %multiple_of3A, %multiple_of3A_354] : memref<9x64x100000xf32, #tpu.memory_space<hbm>> -> memref<1x8x128xf32, #tpu.memory_space<hbm>>
    %dma_start3A_381 = tpu.memref_squeeze %dma_start3A_380 : memref<1x8x128xf32, #tpu.memory_space<hbm>> -> memref<8x128xf32, #tpu.memory_space<hbm>>
    %dma_start3A_382 = arith.constant 0 : i32
    %dma_start3A_383 = arith.constant 0 : i32
    %dma_start3A_384 = tpu.memref_slice %arg11[%dma_start3A_375, %dma_start3A_382, %dma_start3A_383] : memref<16x8x128xf32, #tpu.memory_space<vmem>> -> memref<1x8x128xf32, #tpu.memory_space<vmem>>
    %dma_start3A_385 = tpu.memref_squeeze %dma_start3A_384 : memref<1x8x128xf32, #tpu.memory_space<vmem>> -> memref<8x128xf32, #tpu.memory_space<vmem>>
    %dma_start3A_386 = tpu.memref_slice %arg3[%dma_start3A_374, %multiple_of3A, %multiple_of3A_354] : memref<9x64x100000xf32, #tpu.memory_space<hbm>> -> memref<1x8x128xf32, #tpu.memory_space<hbm>>
    %dma_start3A_387 = tpu.memref_squeeze %dma_start3A_386 : memref<1x8x128xf32, #tpu.memory_space<hbm>> -> memref<8x128xf32, #tpu.memory_space<hbm>>
    tpu.enqueue_dma source(%dma_start3A_387 : memref<8x128xf32, #tpu.memory_space<hbm>>) target(%dma_start3A_385 : memref<8x128xf32, #tpu.memory_space<vmem>>) target_semaphore(%arg15 : memref<!tpu.dma_semaphore, #tpu.memory_space<semaphore_mem>>)
    %eq3A_388 = arith.constant 8 : i32
    %eq3A_389 = vector.broadcast %eq3A_388 : i32 to vector<16xi32>
    %eq3A_390 = arith.cmpi eq, %iota3A, %eq3A_389 : vector<16xi32>
    %jit3A_391 = arith.constant 0 : i32
    %broadcast_in_dim3A_392 = vector.broadcast %jit3A_391 : i32 to vector<16xi32>
    %select_n3A_393 = arith.select %eq3A_390, %and3A_5, %broadcast_in_dim3A_392 : vector<16xi1>, vector<16xi32>
    %reduce_max3A_394 = arith.constant true
    %reduce_max3A_395 = vector.broadcast %reduce_max3A_394 : i1 to vector<16xi1>
    %reduce_max3A_396 = arith.constant -2147483648 : i32
    %reduce_max3A_397 = vector.broadcast %reduce_max3A_396 : i32 to vector<16xi32>
    %reduce_max3A_398 = arith.xori %select_n3A_393, %reduce_max3A_397 : vector<16xi32>
    %reduce_max3A_399 = tpu.scan <max>, %reduce_max3A_398 masked %reduce_max3A_395 : vector<16xi32>, vector<16xi1> -> vector<16xi32>
    %reduce_max3A_400 = arith.xori %reduce_max3A_399, %reduce_max3A_397 : vector<16xi32>
    %reduce_max3A_401 = vector.extract %reduce_max3A_400[15] : i32 from vector<16xi32>
    %multiple_of3A_402 = tpu.assume_multiple %reduce_max3A_401, 128 : i32
    %mul3A_403 = arith.constant 2 : i32
    %mul3A_404 = arith.muli %mul3A_403, %add3A : i32
    %add3A_405 = arith.constant 1 : i32
    %add3A_406 = arith.addi %mul3A_404, %add3A_405 : i32
    %dma_start3A_407 = arith.constant 8 : i32
    %dma_start3A_408 = arith.constant 0 : i32
    %dma_start3A_409 = arith.constant 0 : i32
    %dma_start3A_410 = tpu.memref_slice %arg10[%dma_start3A_407, %dma_start3A_408, %dma_start3A_409] : memref<16x8x128xf32, #tpu.memory_space<vmem>> -> memref<1x8x128xf32, #tpu.memory_space<vmem>>
    %dma_start3A_411 = tpu.memref_squeeze %dma_start3A_410 : memref<1x8x128xf32, #tpu.memory_space<vmem>> -> memref<8x128xf32, #tpu.memory_space<vmem>>
    %dma_start3A_412 = arith.constant 0 : i32
    %dma_start3A_413 = tpu.memref_slice %arg2[%add3A_406, %dma_start3A_412, %multiple_of3A_402] : memref<64x8x100000xf32, #tpu.memory_space<hbm>> -> memref<1x8x128xf32, #tpu.memory_space<hbm>>
    %dma_start3A_414 = tpu.memref_squeeze %dma_start3A_413 : memref<1x8x128xf32, #tpu.memory_space<hbm>> -> memref<8x128xf32, #tpu.memory_space<hbm>>
    %dma_start3A_415 = arith.constant 0 : i32
    %dma_start3A_416 = arith.constant 0 : i32
    %dma_start3A_417 = tpu.memref_slice %arg10[%dma_start3A_407, %dma_start3A_415, %dma_start3A_416] : memref<16x8x128xf32, #tpu.memory_space<vmem>> -> memref<1x8x128xf32, #tpu.memory_space<vmem>>
    %dma_start3A_418 = tpu.memref_squeeze %dma_start3A_417 : memref<1x8x128xf32, #tpu.memory_space<vmem>> -> memref<8x128xf32, #tpu.memory_space<vmem>>
    %dma_start3A_419 = arith.constant 0 : i32
    %dma_start3A_420 = tpu.memref_slice %arg2[%add3A_406, %dma_start3A_419, %multiple_of3A_402] : memref<64x8x100000xf32, #tpu.memory_space<hbm>> -> memref<1x8x128xf32, #tpu.memory_space<hbm>>
    %dma_start3A_421 = tpu.memref_squeeze %dma_start3A_420 : memref<1x8x128xf32, #tpu.memory_space<hbm>> -> memref<8x128xf32, #tpu.memory_space<hbm>>
    tpu.enqueue_dma source(%dma_start3A_421 : memref<8x128xf32, #tpu.memory_space<hbm>>) target(%dma_start3A_418 : memref<8x128xf32, #tpu.memory_space<vmem>>) target_semaphore(%arg14 : memref<!tpu.dma_semaphore, #tpu.memory_space<semaphore_mem>>)
    %dma_start3A_422 = arith.constant 0 : i32
    %dma_start3A_423 = arith.constant 8 : i32
    %dma_start3A_424 = arith.constant 0 : i32
    %dma_start3A_425 = arith.constant 0 : i32
    %dma_start3A_426 = tpu.memref_slice %arg11[%dma_start3A_423, %dma_start3A_424, %dma_start3A_425] : memref<16x8x128xf32, #tpu.memory_space<vmem>> -> memref<1x8x128xf32, #tpu.memory_space<vmem>>
    %dma_start3A_427 = tpu.memref_squeeze %dma_start3A_426 : memref<1x8x128xf32, #tpu.memory_space<vmem>> -> memref<8x128xf32, #tpu.memory_space<vmem>>
    %dma_start3A_428 = tpu.memref_slice %arg3[%dma_start3A_422, %multiple_of3A, %multiple_of3A_402] : memref<9x64x100000xf32, #tpu.memory_space<hbm>> -> memref<1x8x128xf32, #tpu.memory_space<hbm>>
    %dma_start3A_429 = tpu.memref_squeeze %dma_start3A_428 : memref<1x8x128xf32, #tpu.memory_space<hbm>> -> memref<8x128xf32, #tpu.memory_space<hbm>>
    %dma_start3A_430 = arith.constant 0 : i32
    %dma_start3A_431 = arith.constant 0 : i32
    %dma_start3A_432 = tpu.memref_slice %arg11[%dma_start3A_423, %dma_start3A_430, %dma_start3A_431] : memref<16x8x128xf32, #tpu.memory_space<vmem>> -> memref<1x8x128xf32, #tpu.memory_space<vmem>>
    %dma_start3A_433 = tpu.memref_squeeze %dma_start3A_432 : memref<1x8x128xf32, #tpu.memory_space<vmem>> -> memref<8x128xf32, #tpu.memory_space<vmem>>
    %dma_start3A_434 = tpu.memref_slice %arg3[%dma_start3A_422, %multiple_of3A, %multiple_of3A_402] : memref<9x64x100000xf32, #tpu.memory_space<hbm>> -> memref<1x8x128xf32, #tpu.memory_space<hbm>>
    %dma_start3A_435 = tpu.memref_squeeze %dma_start3A_434 : memref<1x8x128xf32, #tpu.memory_space<hbm>> -> memref<8x128xf32, #tpu.memory_space<hbm>>
    tpu.enqueue_dma source(%dma_start3A_435 : memref<8x128xf32, #tpu.memory_space<hbm>>) target(%dma_start3A_433 : memref<8x128xf32, #tpu.memory_space<vmem>>) target_semaphore(%arg15 : memref<!tpu.dma_semaphore, #tpu.memory_space<semaphore_mem>>)
    %eq3A_436 = arith.constant 9 : i32
    %eq3A_437 = vector.broadcast %eq3A_436 : i32 to vector<16xi32>
    %eq3A_438 = arith.cmpi eq, %iota3A, %eq3A_437 : vector<16xi32>
    %jit3A_439 = arith.constant 0 : i32
    %broadcast_in_dim3A_440 = vector.broadcast %jit3A_439 : i32 to vector<16xi32>
    %select_n3A_441 = arith.select %eq3A_438, %and3A_5, %broadcast_in_dim3A_440 : vector<16xi1>, vector<16xi32>
    %reduce_max3A_442 = arith.constant true
    %reduce_max3A_443 = vector.broadcast %reduce_max3A_442 : i1 to vector<16xi1>
    %reduce_max3A_444 = arith.constant -2147483648 : i32
    %reduce_max3A_445 = vector.broadcast %reduce_max3A_444 : i32 to vector<16xi32>
    %reduce_max3A_446 = arith.xori %select_n3A_441, %reduce_max3A_445 : vector<16xi32>
    %reduce_max3A_447 = tpu.scan <max>, %reduce_max3A_446 masked %reduce_max3A_443 : vector<16xi32>, vector<16xi1> -> vector<16xi32>
    %reduce_max3A_448 = arith.xori %reduce_max3A_447, %reduce_max3A_445 : vector<16xi32>
    %reduce_max3A_449 = vector.extract %reduce_max3A_448[15] : i32 from vector<16xi32>
    %multiple_of3A_450 = tpu.assume_multiple %reduce_max3A_449, 128 : i32
    %mul3A_451 = arith.constant 2 : i32
    %mul3A_452 = arith.muli %mul3A_451, %add3A : i32
    %add3A_453 = arith.constant 1 : i32
    %add3A_454 = arith.addi %mul3A_452, %add3A_453 : i32
    %dma_start3A_455 = arith.constant 9 : i32
    %dma_start3A_456 = arith.constant 0 : i32
    %dma_start3A_457 = arith.constant 0 : i32
    %dma_start3A_458 = tpu.memref_slice %arg10[%dma_start3A_455, %dma_start3A_456, %dma_start3A_457] : memref<16x8x128xf32, #tpu.memory_space<vmem>> -> memref<1x8x128xf32, #tpu.memory_space<vmem>>
    %dma_start3A_459 = tpu.memref_squeeze %dma_start3A_458 : memref<1x8x128xf32, #tpu.memory_space<vmem>> -> memref<8x128xf32, #tpu.memory_space<vmem>>
    %dma_start3A_460 = arith.constant 0 : i32
    %dma_start3A_461 = tpu.memref_slice %arg2[%add3A_454, %dma_start3A_460, %multiple_of3A_450] : memref<64x8x100000xf32, #tpu.memory_space<hbm>> -> memref<1x8x128xf32, #tpu.memory_space<hbm>>
    %dma_start3A_462 = tpu.memref_squeeze %dma_start3A_461 : memref<1x8x128xf32, #tpu.memory_space<hbm>> -> memref<8x128xf32, #tpu.memory_space<hbm>>
    %dma_start3A_463 = arith.constant 0 : i32
    %dma_start3A_464 = arith.constant 0 : i32
    %dma_start3A_465 = tpu.memref_slice %arg10[%dma_start3A_455, %dma_start3A_463, %dma_start3A_464] : memref<16x8x128xf32, #tpu.memory_space<vmem>> -> memref<1x8x128xf32, #tpu.memory_space<vmem>>
    %dma_start3A_466 = tpu.memref_squeeze %dma_start3A_465 : memref<1x8x128xf32, #tpu.memory_space<vmem>> -> memref<8x128xf32, #tpu.memory_space<vmem>>
    %dma_start3A_467 = arith.constant 0 : i32
    %dma_start3A_468 = tpu.memref_slice %arg2[%add3A_454, %dma_start3A_467, %multiple_of3A_450] : memref<64x8x100000xf32, #tpu.memory_space<hbm>> -> memref<1x8x128xf32, #tpu.memory_space<hbm>>
    %dma_start3A_469 = tpu.memref_squeeze %dma_start3A_468 : memref<1x8x128xf32, #tpu.memory_space<hbm>> -> memref<8x128xf32, #tpu.memory_space<hbm>>
    tpu.enqueue_dma source(%dma_start3A_469 : memref<8x128xf32, #tpu.memory_space<hbm>>) target(%dma_start3A_466 : memref<8x128xf32, #tpu.memory_space<vmem>>) target_semaphore(%arg14 : memref<!tpu.dma_semaphore, #tpu.memory_space<semaphore_mem>>)
    %dma_start3A_470 = arith.constant 1 : i32
    %dma_start3A_471 = arith.constant 9 : i32
    %dma_start3A_472 = arith.constant 0 : i32
    %dma_start3A_473 = arith.constant 0 : i32
    %dma_start3A_474 = tpu.memref_slice %arg11[%dma_start3A_471, %dma_start3A_472, %dma_start3A_473] : memref<16x8x128xf32, #tpu.memory_space<vmem>> -> memref<1x8x128xf32, #tpu.memory_space<vmem>>
    %dma_start3A_475 = tpu.memref_squeeze %dma_start3A_474 : memref<1x8x128xf32, #tpu.memory_space<vmem>> -> memref<8x128xf32, #tpu.memory_space<vmem>>
    %dma_start3A_476 = tpu.memref_slice %arg3[%dma_start3A_470, %multiple_of3A, %multiple_of3A_450] : memref<9x64x100000xf32, #tpu.memory_space<hbm>> -> memref<1x8x128xf32, #tpu.memory_space<hbm>>
    %dma_start3A_477 = tpu.memref_squeeze %dma_start3A_476 : memref<1x8x128xf32, #tpu.memory_space<hbm>> -> memref<8x128xf32, #tpu.memory_space<hbm>>
    %dma_start3A_478 = arith.constant 0 : i32
    %dma_start3A_479 = arith.constant 0 : i32
    %dma_start3A_480 = tpu.memref_slice %arg11[%dma_start3A_471, %dma_start3A_478, %dma_start3A_479] : memref<16x8x128xf32, #tpu.memory_space<vmem>> -> memref<1x8x128xf32, #tpu.memory_space<vmem>>
    %dma_start3A_481 = tpu.memref_squeeze %dma_start3A_480 : memref<1x8x128xf32, #tpu.memory_space<vmem>> -> memref<8x128xf32, #tpu.memory_space<vmem>>
    %dma_start3A_482 = tpu.memref_slice %arg3[%dma_start3A_470, %multiple_of3A, %multiple_of3A_450] : memref<9x64x100000xf32, #tpu.memory_space<hbm>> -> memref<1x8x128xf32, #tpu.memory_space<hbm>>
    %dma_start3A_483 = tpu.memref_squeeze %dma_start3A_482 : memref<1x8x128xf32, #tpu.memory_space<hbm>> -> memref<8x128xf32, #tpu.memory_space<hbm>>
    tpu.enqueue_dma source(%dma_start3A_483 : memref<8x128xf32, #tpu.memory_space<hbm>>) target(%dma_start3A_481 : memref<8x128xf32, #tpu.memory_space<vmem>>) target_semaphore(%arg15 : memref<!tpu.dma_semaphore, #tpu.memory_space<semaphore_mem>>)
    %eq3A_484 = arith.constant 10 : i32
    %eq3A_485 = vector.broadcast %eq3A_484 : i32 to vector<16xi32>
    %eq3A_486 = arith.cmpi eq, %iota3A, %eq3A_485 : vector<16xi32>
    %jit3A_487 = arith.constant 0 : i32
    %broadcast_in_dim3A_488 = vector.broadcast %jit3A_487 : i32 to vector<16xi32>
    %select_n3A_489 = arith.select %eq3A_486, %and3A_5, %broadcast_in_dim3A_488 : vector<16xi1>, vector<16xi32>
    %reduce_max3A_490 = arith.constant true
    %reduce_max3A_491 = vector.broadcast %reduce_max3A_490 : i1 to vector<16xi1>
    %reduce_max3A_492 = arith.constant -2147483648 : i32
    %reduce_max3A_493 = vector.broadcast %reduce_max3A_492 : i32 to vector<16xi32>
    %reduce_max3A_494 = arith.xori %select_n3A_489, %reduce_max3A_493 : vector<16xi32>
    %reduce_max3A_495 = tpu.scan <max>, %reduce_max3A_494 masked %reduce_max3A_491 : vector<16xi32>, vector<16xi1> -> vector<16xi32>
    %reduce_max3A_496 = arith.xori %reduce_max3A_495, %reduce_max3A_493 : vector<16xi32>
    %reduce_max3A_497 = vector.extract %reduce_max3A_496[15] : i32 from vector<16xi32>
    %multiple_of3A_498 = tpu.assume_multiple %reduce_max3A_497, 128 : i32
    %mul3A_499 = arith.constant 2 : i32
    %mul3A_500 = arith.muli %mul3A_499, %add3A : i32
    %add3A_501 = arith.constant 1 : i32
    %add3A_502 = arith.addi %mul3A_500, %add3A_501 : i32
    %dma_start3A_503 = arith.constant 10 : i32
    %dma_start3A_504 = arith.constant 0 : i32
    %dma_start3A_505 = arith.constant 0 : i32
    %dma_start3A_506 = tpu.memref_slice %arg10[%dma_start3A_503, %dma_start3A_504, %dma_start3A_505] : memref<16x8x128xf32, #tpu.memory_space<vmem>> -> memref<1x8x128xf32, #tpu.memory_space<vmem>>
    %dma_start3A_507 = tpu.memref_squeeze %dma_start3A_506 : memref<1x8x128xf32, #tpu.memory_space<vmem>> -> memref<8x128xf32, #tpu.memory_space<vmem>>
    %dma_start3A_508 = arith.constant 0 : i32
    %dma_start3A_509 = tpu.memref_slice %arg2[%add3A_502, %dma_start3A_508, %multiple_of3A_498] : memref<64x8x100000xf32, #tpu.memory_space<hbm>> -> memref<1x8x128xf32, #tpu.memory_space<hbm>>
    %dma_start3A_510 = tpu.memref_squeeze %dma_start3A_509 : memref<1x8x128xf32, #tpu.memory_space<hbm>> -> memref<8x128xf32, #tpu.memory_space<hbm>>
    %dma_start3A_511 = arith.constant 0 : i32
    %dma_start3A_512 = arith.constant 0 : i32
    %dma_start3A_513 = tpu.memref_slice %arg10[%dma_start3A_503, %dma_start3A_511, %dma_start3A_512] : memref<16x8x128xf32, #tpu.memory_space<vmem>> -> memref<1x8x128xf32, #tpu.memory_space<vmem>>
    %dma_start3A_514 = tpu.memref_squeeze %dma_start3A_513 : memref<1x8x128xf32, #tpu.memory_space<vmem>> -> memref<8x128xf32, #tpu.memory_space<vmem>>
    %dma_start3A_515 = arith.constant 0 : i32
    %dma_start3A_516 = tpu.memref_slice %arg2[%add3A_502, %dma_start3A_515, %multiple_of3A_498] : memref<64x8x100000xf32, #tpu.memory_space<hbm>> -> memref<1x8x128xf32, #tpu.memory_space<hbm>>
    %dma_start3A_517 = tpu.memref_squeeze %dma_start3A_516 : memref<1x8x128xf32, #tpu.memory_space<hbm>> -> memref<8x128xf32, #tpu.memory_space<hbm>>
    tpu.enqueue_dma source(%dma_start3A_517 : memref<8x128xf32, #tpu.memory_space<hbm>>) target(%dma_start3A_514 : memref<8x128xf32, #tpu.memory_space<vmem>>) target_semaphore(%arg14 : memref<!tpu.dma_semaphore, #tpu.memory_space<semaphore_mem>>)
    %dma_start3A_518 = arith.constant 2 : i32
    %dma_start3A_519 = arith.constant 10 : i32
    %dma_start3A_520 = arith.constant 0 : i32
    %dma_start3A_521 = arith.constant 0 : i32
    %dma_start3A_522 = tpu.memref_slice %arg11[%dma_start3A_519, %dma_start3A_520, %dma_start3A_521] : memref<16x8x128xf32, #tpu.memory_space<vmem>> -> memref<1x8x128xf32, #tpu.memory_space<vmem>>
    %dma_start3A_523 = tpu.memref_squeeze %dma_start3A_522 : memref<1x8x128xf32, #tpu.memory_space<vmem>> -> memref<8x128xf32, #tpu.memory_space<vmem>>
    %dma_start3A_524 = tpu.memref_slice %arg3[%dma_start3A_518, %multiple_of3A, %multiple_of3A_498] : memref<9x64x100000xf32, #tpu.memory_space<hbm>> -> memref<1x8x128xf32, #tpu.memory_space<hbm>>
    %dma_start3A_525 = tpu.memref_squeeze %dma_start3A_524 : memref<1x8x128xf32, #tpu.memory_space<hbm>> -> memref<8x128xf32, #tpu.memory_space<hbm>>
    %dma_start3A_526 = arith.constant 0 : i32
    %dma_start3A_527 = arith.constant 0 : i32
    %dma_start3A_528 = tpu.memref_slice %arg11[%dma_start3A_519, %dma_start3A_526, %dma_start3A_527] : memref<16x8x128xf32, #tpu.memory_space<vmem>> -> memref<1x8x128xf32, #tpu.memory_space<vmem>>
    %dma_start3A_529 = tpu.memref_squeeze %dma_start3A_528 : memref<1x8x128xf32, #tpu.memory_space<vmem>> -> memref<8x128xf32, #tpu.memory_space<vmem>>
    %dma_start3A_530 = tpu.memref_slice %arg3[%dma_start3A_518, %multiple_of3A, %multiple_of3A_498] : memref<9x64x100000xf32, #tpu.memory_space<hbm>> -> memref<1x8x128xf32, #tpu.memory_space<hbm>>
    %dma_start3A_531 = tpu.memref_squeeze %dma_start3A_530 : memref<1x8x128xf32, #tpu.memory_space<hbm>> -> memref<8x128xf32, #tpu.memory_space<hbm>>
    tpu.enqueue_dma source(%dma_start3A_531 : memref<8x128xf32, #tpu.memory_space<hbm>>) target(%dma_start3A_529 : memref<8x128xf32, #tpu.memory_space<vmem>>) target_semaphore(%arg15 : memref<!tpu.dma_semaphore, #tpu.memory_space<semaphore_mem>>)
    %eq3A_532 = arith.constant 11 : i32
    %eq3A_533 = vector.broadcast %eq3A_532 : i32 to vector<16xi32>
    %eq3A_534 = arith.cmpi eq, %iota3A, %eq3A_533 : vector<16xi32>
    %jit3A_535 = arith.constant 0 : i32
    %broadcast_in_dim3A_536 = vector.broadcast %jit3A_535 : i32 to vector<16xi32>
    %select_n3A_537 = arith.select %eq3A_534, %and3A_5, %broadcast_in_dim3A_536 : vector<16xi1>, vector<16xi32>
    %reduce_max3A_538 = arith.constant true
    %reduce_max3A_539 = vector.broadcast %reduce_max3A_538 : i1 to vector<16xi1>
    %reduce_max3A_540 = arith.constant -2147483648 : i32
    %reduce_max3A_541 = vector.broadcast %reduce_max3A_540 : i32 to vector<16xi32>
    %reduce_max3A_542 = arith.xori %select_n3A_537, %reduce_max3A_541 : vector<16xi32>
    %reduce_max3A_543 = tpu.scan <max>, %reduce_max3A_542 masked %reduce_max3A_539 : vector<16xi32>, vector<16xi1> -> vector<16xi32>
    %reduce_max3A_544 = arith.xori %reduce_max3A_543, %reduce_max3A_541 : vector<16xi32>
    %reduce_max3A_545 = vector.extract %reduce_max3A_544[15] : i32 from vector<16xi32>
    %multiple_of3A_546 = tpu.assume_multiple %reduce_max3A_545, 128 : i32
    %mul3A_547 = arith.constant 2 : i32
    %mul3A_548 = arith.muli %mul3A_547, %add3A : i32
    %add3A_549 = arith.constant 1 : i32
    %add3A_550 = arith.addi %mul3A_548, %add3A_549 : i32
    %dma_start3A_551 = arith.constant 11 : i32
    %dma_start3A_552 = arith.constant 0 : i32
    %dma_start3A_553 = arith.constant 0 : i32
    %dma_start3A_554 = tpu.memref_slice %arg10[%dma_start3A_551, %dma_start3A_552, %dma_start3A_553] : memref<16x8x128xf32, #tpu.memory_space<vmem>> -> memref<1x8x128xf32, #tpu.memory_space<vmem>>
    %dma_start3A_555 = tpu.memref_squeeze %dma_start3A_554 : memref<1x8x128xf32, #tpu.memory_space<vmem>> -> memref<8x128xf32, #tpu.memory_space<vmem>>
    %dma_start3A_556 = arith.constant 0 : i32
    %dma_start3A_557 = tpu.memref_slice %arg2[%add3A_550, %dma_start3A_556, %multiple_of3A_546] : memref<64x8x100000xf32, #tpu.memory_space<hbm>> -> memref<1x8x128xf32, #tpu.memory_space<hbm>>
    %dma_start3A_558 = tpu.memref_squeeze %dma_start3A_557 : memref<1x8x128xf32, #tpu.memory_space<hbm>> -> memref<8x128xf32, #tpu.memory_space<hbm>>
    %dma_start3A_559 = arith.constant 0 : i32
    %dma_start3A_560 = arith.constant 0 : i32
    %dma_start3A_561 = tpu.memref_slice %arg10[%dma_start3A_551, %dma_start3A_559, %dma_start3A_560] : memref<16x8x128xf32, #tpu.memory_space<vmem>> -> memref<1x8x128xf32, #tpu.memory_space<vmem>>
    %dma_start3A_562 = tpu.memref_squeeze %dma_start3A_561 : memref<1x8x128xf32, #tpu.memory_space<vmem>> -> memref<8x128xf32, #tpu.memory_space<vmem>>
    %dma_start3A_563 = arith.constant 0 : i32
    %dma_start3A_564 = tpu.memref_slice %arg2[%add3A_550, %dma_start3A_563, %multiple_of3A_546] : memref<64x8x100000xf32, #tpu.memory_space<hbm>> -> memref<1x8x128xf32, #tpu.memory_space<hbm>>
    %dma_start3A_565 = tpu.memref_squeeze %dma_start3A_564 : memref<1x8x128xf32, #tpu.memory_space<hbm>> -> memref<8x128xf32, #tpu.memory_space<hbm>>
    tpu.enqueue_dma source(%dma_start3A_565 : memref<8x128xf32, #tpu.memory_space<hbm>>) target(%dma_start3A_562 : memref<8x128xf32, #tpu.memory_space<vmem>>) target_semaphore(%arg14 : memref<!tpu.dma_semaphore, #tpu.memory_space<semaphore_mem>>)
    %dma_start3A_566 = arith.constant 3 : i32
    %dma_start3A_567 = arith.constant 11 : i32
    %dma_start3A_568 = arith.constant 0 : i32
    %dma_start3A_569 = arith.constant 0 : i32
    %dma_start3A_570 = tpu.memref_slice %arg11[%dma_start3A_567, %dma_start3A_568, %dma_start3A_569] : memref<16x8x128xf32, #tpu.memory_space<vmem>> -> memref<1x8x128xf32, #tpu.memory_space<vmem>>
    %dma_start3A_571 = tpu.memref_squeeze %dma_start3A_570 : memref<1x8x128xf32, #tpu.memory_space<vmem>> -> memref<8x128xf32, #tpu.memory_space<vmem>>
    %dma_start3A_572 = tpu.memref_slice %arg3[%dma_start3A_566, %multiple_of3A, %multiple_of3A_546] : memref<9x64x100000xf32, #tpu.memory_space<hbm>> -> memref<1x8x128xf32, #tpu.memory_space<hbm>>
    %dma_start3A_573 = tpu.memref_squeeze %dma_start3A_572 : memref<1x8x128xf32, #tpu.memory_space<hbm>> -> memref<8x128xf32, #tpu.memory_space<hbm>>
    %dma_start3A_574 = arith.constant 0 : i32
    %dma_start3A_575 = arith.constant 0 : i32
    %dma_start3A_576 = tpu.memref_slice %arg11[%dma_start3A_567, %dma_start3A_574, %dma_start3A_575] : memref<16x8x128xf32, #tpu.memory_space<vmem>> -> memref<1x8x128xf32, #tpu.memory_space<vmem>>
    %dma_start3A_577 = tpu.memref_squeeze %dma_start3A_576 : memref<1x8x128xf32, #tpu.memory_space<vmem>> -> memref<8x128xf32, #tpu.memory_space<vmem>>
    %dma_start3A_578 = tpu.memref_slice %arg3[%dma_start3A_566, %multiple_of3A, %multiple_of3A_546] : memref<9x64x100000xf32, #tpu.memory_space<hbm>> -> memref<1x8x128xf32, #tpu.memory_space<hbm>>
    %dma_start3A_579 = tpu.memref_squeeze %dma_start3A_578 : memref<1x8x128xf32, #tpu.memory_space<hbm>> -> memref<8x128xf32, #tpu.memory_space<hbm>>
    tpu.enqueue_dma source(%dma_start3A_579 : memref<8x128xf32, #tpu.memory_space<hbm>>) target(%dma_start3A_577 : memref<8x128xf32, #tpu.memory_space<vmem>>) target_semaphore(%arg15 : memref<!tpu.dma_semaphore, #tpu.memory_space<semaphore_mem>>)
    %eq3A_580 = arith.constant 12 : i32
    %eq3A_581 = vector.broadcast %eq3A_580 : i32 to vector<16xi32>
    %eq3A_582 = arith.cmpi eq, %iota3A, %eq3A_581 : vector<16xi32>
    %jit3A_583 = arith.constant 0 : i32
    %broadcast_in_dim3A_584 = vector.broadcast %jit3A_583 : i32 to vector<16xi32>
    %select_n3A_585 = arith.select %eq3A_582, %and3A_5, %broadcast_in_dim3A_584 : vector<16xi1>, vector<16xi32>
    %reduce_max3A_586 = arith.constant true
    %reduce_max3A_587 = vector.broadcast %reduce_max3A_586 : i1 to vector<16xi1>
    %reduce_max3A_588 = arith.constant -2147483648 : i32
    %reduce_max3A_589 = vector.broadcast %reduce_max3A_588 : i32 to vector<16xi32>
    %reduce_max3A_590 = arith.xori %select_n3A_585, %reduce_max3A_589 : vector<16xi32>
    %reduce_max3A_591 = tpu.scan <max>, %reduce_max3A_590 masked %reduce_max3A_587 : vector<16xi32>, vector<16xi1> -> vector<16xi32>
    %reduce_max3A_592 = arith.xori %reduce_max3A_591, %reduce_max3A_589 : vector<16xi32>
    %reduce_max3A_593 = vector.extract %reduce_max3A_592[15] : i32 from vector<16xi32>
    %multiple_of3A_594 = tpu.assume_multiple %reduce_max3A_593, 128 : i32
    %mul3A_595 = arith.constant 2 : i32
    %mul3A_596 = arith.muli %mul3A_595, %add3A : i32
    %add3A_597 = arith.constant 1 : i32
    %add3A_598 = arith.addi %mul3A_596, %add3A_597 : i32
    %dma_start3A_599 = arith.constant 12 : i32
    %dma_start3A_600 = arith.constant 0 : i32
    %dma_start3A_601 = arith.constant 0 : i32
    %dma_start3A_602 = tpu.memref_slice %arg10[%dma_start3A_599, %dma_start3A_600, %dma_start3A_601] : memref<16x8x128xf32, #tpu.memory_space<vmem>> -> memref<1x8x128xf32, #tpu.memory_space<vmem>>
    %dma_start3A_603 = tpu.memref_squeeze %dma_start3A_602 : memref<1x8x128xf32, #tpu.memory_space<vmem>> -> memref<8x128xf32, #tpu.memory_space<vmem>>
    %dma_start3A_604 = arith.constant 0 : i32
    %dma_start3A_605 = tpu.memref_slice %arg2[%add3A_598, %dma_start3A_604, %multiple_of3A_594] : memref<64x8x100000xf32, #tpu.memory_space<hbm>> -> memref<1x8x128xf32, #tpu.memory_space<hbm>>
    %dma_start3A_606 = tpu.memref_squeeze %dma_start3A_605 : memref<1x8x128xf32, #tpu.memory_space<hbm>> -> memref<8x128xf32, #tpu.memory_space<hbm>>
    %dma_start3A_607 = arith.constant 0 : i32
    %dma_start3A_608 = arith.constant 0 : i32
    %dma_start3A_609 = tpu.memref_slice %arg10[%dma_start3A_599, %dma_start3A_607, %dma_start3A_608] : memref<16x8x128xf32, #tpu.memory_space<vmem>> -> memref<1x8x128xf32, #tpu.memory_space<vmem>>
    %dma_start3A_610 = tpu.memref_squeeze %dma_start3A_609 : memref<1x8x128xf32, #tpu.memory_space<vmem>> -> memref<8x128xf32, #tpu.memory_space<vmem>>
    %dma_start3A_611 = arith.constant 0 : i32
    %dma_start3A_612 = tpu.memref_slice %arg2[%add3A_598, %dma_start3A_611, %multiple_of3A_594] : memref<64x8x100000xf32, #tpu.memory_space<hbm>> -> memref<1x8x128xf32, #tpu.memory_space<hbm>>
    %dma_start3A_613 = tpu.memref_squeeze %dma_start3A_612 : memref<1x8x128xf32, #tpu.memory_space<hbm>> -> memref<8x128xf32, #tpu.memory_space<hbm>>
    tpu.enqueue_dma source(%dma_start3A_613 : memref<8x128xf32, #tpu.memory_space<hbm>>) target(%dma_start3A_610 : memref<8x128xf32, #tpu.memory_space<vmem>>) target_semaphore(%arg14 : memref<!tpu.dma_semaphore, #tpu.memory_space<semaphore_mem>>)
    %dma_start3A_614 = arith.constant 4 : i32
    %dma_start3A_615 = arith.constant 12 : i32
    %dma_start3A_616 = arith.constant 0 : i32
    %dma_start3A_617 = arith.constant 0 : i32
    %dma_start3A_618 = tpu.memref_slice %arg11[%dma_start3A_615, %dma_start3A_616, %dma_start3A_617] : memref<16x8x128xf32, #tpu.memory_space<vmem>> -> memref<1x8x128xf32, #tpu.memory_space<vmem>>
    %dma_start3A_619 = tpu.memref_squeeze %dma_start3A_618 : memref<1x8x128xf32, #tpu.memory_space<vmem>> -> memref<8x128xf32, #tpu.memory_space<vmem>>
    %dma_start3A_620 = tpu.memref_slice %arg3[%dma_start3A_614, %multiple_of3A, %multiple_of3A_594] : memref<9x64x100000xf32, #tpu.memory_space<hbm>> -> memref<1x8x128xf32, #tpu.memory_space<hbm>>
    %dma_start3A_621 = tpu.memref_squeeze %dma_start3A_620 : memref<1x8x128xf32, #tpu.memory_space<hbm>> -> memref<8x128xf32, #tpu.memory_space<hbm>>
    %dma_start3A_622 = arith.constant 0 : i32
    %dma_start3A_623 = arith.constant 0 : i32
    %dma_start3A_624 = tpu.memref_slice %arg11[%dma_start3A_615, %dma_start3A_622, %dma_start3A_623] : memref<16x8x128xf32, #tpu.memory_space<vmem>> -> memref<1x8x128xf32, #tpu.memory_space<vmem>>
    %dma_start3A_625 = tpu.memref_squeeze %dma_start3A_624 : memref<1x8x128xf32, #tpu.memory_space<vmem>> -> memref<8x128xf32, #tpu.memory_space<vmem>>
    %dma_start3A_626 = tpu.memref_slice %arg3[%dma_start3A_614, %multiple_of3A, %multiple_of3A_594] : memref<9x64x100000xf32, #tpu.memory_space<hbm>> -> memref<1x8x128xf32, #tpu.memory_space<hbm>>
    %dma_start3A_627 = tpu.memref_squeeze %dma_start3A_626 : memref<1x8x128xf32, #tpu.memory_space<hbm>> -> memref<8x128xf32, #tpu.memory_space<hbm>>
    tpu.enqueue_dma source(%dma_start3A_627 : memref<8x128xf32, #tpu.memory_space<hbm>>) target(%dma_start3A_625 : memref<8x128xf32, #tpu.memory_space<vmem>>) target_semaphore(%arg15 : memref<!tpu.dma_semaphore, #tpu.memory_space<semaphore_mem>>)
    %eq3A_628 = arith.constant 13 : i32
    %eq3A_629 = vector.broadcast %eq3A_628 : i32 to vector<16xi32>
    %eq3A_630 = arith.cmpi eq, %iota3A, %eq3A_629 : vector<16xi32>
    %jit3A_631 = arith.constant 0 : i32
    %broadcast_in_dim3A_632 = vector.broadcast %jit3A_631 : i32 to vector<16xi32>
    %select_n3A_633 = arith.select %eq3A_630, %and3A_5, %broadcast_in_dim3A_632 : vector<16xi1>, vector<16xi32>
    %reduce_max3A_634 = arith.constant true
    %reduce_max3A_635 = vector.broadcast %reduce_max3A_634 : i1 to vector<16xi1>
    %reduce_max3A_636 = arith.constant -2147483648 : i32
    %reduce_max3A_637 = vector.broadcast %reduce_max3A_636 : i32 to vector<16xi32>
    %reduce_max3A_638 = arith.xori %select_n3A_633, %reduce_max3A_637 : vector<16xi32>
    %reduce_max3A_639 = tpu.scan <max>, %reduce_max3A_638 masked %reduce_max3A_635 : vector<16xi32>, vector<16xi1> -> vector<16xi32>
    %reduce_max3A_640 = arith.xori %reduce_max3A_639, %reduce_max3A_637 : vector<16xi32>
    %reduce_max3A_641 = vector.extract %reduce_max3A_640[15] : i32 from vector<16xi32>
    %multiple_of3A_642 = tpu.assume_multiple %reduce_max3A_641, 128 : i32
    %mul3A_643 = arith.constant 2 : i32
    %mul3A_644 = arith.muli %mul3A_643, %add3A : i32
    %add3A_645 = arith.constant 1 : i32
    %add3A_646 = arith.addi %mul3A_644, %add3A_645 : i32
    %dma_start3A_647 = arith.constant 13 : i32
    %dma_start3A_648 = arith.constant 0 : i32
    %dma_start3A_649 = arith.constant 0 : i32
    %dma_start3A_650 = tpu.memref_slice %arg10[%dma_start3A_647, %dma_start3A_648, %dma_start3A_649] : memref<16x8x128xf32, #tpu.memory_space<vmem>> -> memref<1x8x128xf32, #tpu.memory_space<vmem>>
    %dma_start3A_651 = tpu.memref_squeeze %dma_start3A_650 : memref<1x8x128xf32, #tpu.memory_space<vmem>> -> memref<8x128xf32, #tpu.memory_space<vmem>>
    %dma_start3A_652 = arith.constant 0 : i32
    %dma_start3A_653 = tpu.memref_slice %arg2[%add3A_646, %dma_start3A_652, %multiple_of3A_642] : memref<64x8x100000xf32, #tpu.memory_space<hbm>> -> memref<1x8x128xf32, #tpu.memory_space<hbm>>
    %dma_start3A_654 = tpu.memref_squeeze %dma_start3A_653 : memref<1x8x128xf32, #tpu.memory_space<hbm>> -> memref<8x128xf32, #tpu.memory_space<hbm>>
    %dma_start3A_655 = arith.constant 0 : i32
    %dma_start3A_656 = arith.constant 0 : i32
    %dma_start3A_657 = tpu.memref_slice %arg10[%dma_start3A_647, %dma_start3A_655, %dma_start3A_656] : memref<16x8x128xf32, #tpu.memory_space<vmem>> -> memref<1x8x128xf32, #tpu.memory_space<vmem>>
    %dma_start3A_658 = tpu.memref_squeeze %dma_start3A_657 : memref<1x8x128xf32, #tpu.memory_space<vmem>> -> memref<8x128xf32, #tpu.memory_space<vmem>>
    %dma_start3A_659 = arith.constant 0 : i32
    %dma_start3A_660 = tpu.memref_slice %arg2[%add3A_646, %dma_start3A_659, %multiple_of3A_642] : memref<64x8x100000xf32, #tpu.memory_space<hbm>> -> memref<1x8x128xf32, #tpu.memory_space<hbm>>
    %dma_start3A_661 = tpu.memref_squeeze %dma_start3A_660 : memref<1x8x128xf32, #tpu.memory_space<hbm>> -> memref<8x128xf32, #tpu.memory_space<hbm>>
    tpu.enqueue_dma source(%dma_start3A_661 : memref<8x128xf32, #tpu.memory_space<hbm>>) target(%dma_start3A_658 : memref<8x128xf32, #tpu.memory_space<vmem>>) target_semaphore(%arg14 : memref<!tpu.dma_semaphore, #tpu.memory_space<semaphore_mem>>)
    %dma_start3A_662 = arith.constant 5 : i32
    %dma_start3A_663 = arith.constant 13 : i32
    %dma_start3A_664 = arith.constant 0 : i32
    %dma_start3A_665 = arith.constant 0 : i32
    %dma_start3A_666 = tpu.memref_slice %arg11[%dma_start3A_663, %dma_start3A_664, %dma_start3A_665] : memref<16x8x128xf32, #tpu.memory_space<vmem>> -> memref<1x8x128xf32, #tpu.memory_space<vmem>>
    %dma_start3A_667 = tpu.memref_squeeze %dma_start3A_666 : memref<1x8x128xf32, #tpu.memory_space<vmem>> -> memref<8x128xf32, #tpu.memory_space<vmem>>
    %dma_start3A_668 = tpu.memref_slice %arg3[%dma_start3A_662, %multiple_of3A, %multiple_of3A_642] : memref<9x64x100000xf32, #tpu.memory_space<hbm>> -> memref<1x8x128xf32, #tpu.memory_space<hbm>>
    %dma_start3A_669 = tpu.memref_squeeze %dma_start3A_668 : memref<1x8x128xf32, #tpu.memory_space<hbm>> -> memref<8x128xf32, #tpu.memory_space<hbm>>
    %dma_start3A_670 = arith.constant 0 : i32
    %dma_start3A_671 = arith.constant 0 : i32
    %dma_start3A_672 = tpu.memref_slice %arg11[%dma_start3A_663, %dma_start3A_670, %dma_start3A_671] : memref<16x8x128xf32, #tpu.memory_space<vmem>> -> memref<1x8x128xf32, #tpu.memory_space<vmem>>
    %dma_start3A_673 = tpu.memref_squeeze %dma_start3A_672 : memref<1x8x128xf32, #tpu.memory_space<vmem>> -> memref<8x128xf32, #tpu.memory_space<vmem>>
    %dma_start3A_674 = tpu.memref_slice %arg3[%dma_start3A_662, %multiple_of3A, %multiple_of3A_642] : memref<9x64x100000xf32, #tpu.memory_space<hbm>> -> memref<1x8x128xf32, #tpu.memory_space<hbm>>
    %dma_start3A_675 = tpu.memref_squeeze %dma_start3A_674 : memref<1x8x128xf32, #tpu.memory_space<hbm>> -> memref<8x128xf32, #tpu.memory_space<hbm>>
    tpu.enqueue_dma source(%dma_start3A_675 : memref<8x128xf32, #tpu.memory_space<hbm>>) target(%dma_start3A_673 : memref<8x128xf32, #tpu.memory_space<vmem>>) target_semaphore(%arg15 : memref<!tpu.dma_semaphore, #tpu.memory_space<semaphore_mem>>)
    %eq3A_676 = arith.constant 14 : i32
    %eq3A_677 = vector.broadcast %eq3A_676 : i32 to vector<16xi32>
    %eq3A_678 = arith.cmpi eq, %iota3A, %eq3A_677 : vector<16xi32>
    %jit3A_679 = arith.constant 0 : i32
    %broadcast_in_dim3A_680 = vector.broadcast %jit3A_679 : i32 to vector<16xi32>
    %select_n3A_681 = arith.select %eq3A_678, %and3A_5, %broadcast_in_dim3A_680 : vector<16xi1>, vector<16xi32>
    %reduce_max3A_682 = arith.constant true
    %reduce_max3A_683 = vector.broadcast %reduce_max3A_682 : i1 to vector<16xi1>
    %reduce_max3A_684 = arith.constant -2147483648 : i32
    %reduce_max3A_685 = vector.broadcast %reduce_max3A_684 : i32 to vector<16xi32>
    %reduce_max3A_686 = arith.xori %select_n3A_681, %reduce_max3A_685 : vector<16xi32>
    %reduce_max3A_687 = tpu.scan <max>, %reduce_max3A_686 masked %reduce_max3A_683 : vector<16xi32>, vector<16xi1> -> vector<16xi32>
    %reduce_max3A_688 = arith.xori %reduce_max3A_687, %reduce_max3A_685 : vector<16xi32>
    %reduce_max3A_689 = vector.extract %reduce_max3A_688[15] : i32 from vector<16xi32>
    %multiple_of3A_690 = tpu.assume_multiple %reduce_max3A_689, 128 : i32
    %mul3A_691 = arith.constant 2 : i32
    %mul3A_692 = arith.muli %mul3A_691, %add3A : i32
    %add3A_693 = arith.constant 1 : i32
    %add3A_694 = arith.addi %mul3A_692, %add3A_693 : i32
    %dma_start3A_695 = arith.constant 14 : i32
    %dma_start3A_696 = arith.constant 0 : i32
    %dma_start3A_697 = arith.constant 0 : i32
    %dma_start3A_698 = tpu.memref_slice %arg10[%dma_start3A_695, %dma_start3A_696, %dma_start3A_697] : memref<16x8x128xf32, #tpu.memory_space<vmem>> -> memref<1x8x128xf32, #tpu.memory_space<vmem>>
    %dma_start3A_699 = tpu.memref_squeeze %dma_start3A_698 : memref<1x8x128xf32, #tpu.memory_space<vmem>> -> memref<8x128xf32, #tpu.memory_space<vmem>>
    %dma_start3A_700 = arith.constant 0 : i32
    %dma_start3A_701 = tpu.memref_slice %arg2[%add3A_694, %dma_start3A_700, %multiple_of3A_690] : memref<64x8x100000xf32, #tpu.memory_space<hbm>> -> memref<1x8x128xf32, #tpu.memory_space<hbm>>
    %dma_start3A_702 = tpu.memref_squeeze %dma_start3A_701 : memref<1x8x128xf32, #tpu.memory_space<hbm>> -> memref<8x128xf32, #tpu.memory_space<hbm>>
    %dma_start3A_703 = arith.constant 0 : i32
    %dma_start3A_704 = arith.constant 0 : i32
    %dma_start3A_705 = tpu.memref_slice %arg10[%dma_start3A_695, %dma_start3A_703, %dma_start3A_704] : memref<16x8x128xf32, #tpu.memory_space<vmem>> -> memref<1x8x128xf32, #tpu.memory_space<vmem>>
    %dma_start3A_706 = tpu.memref_squeeze %dma_start3A_705 : memref<1x8x128xf32, #tpu.memory_space<vmem>> -> memref<8x128xf32, #tpu.memory_space<vmem>>
    %dma_start3A_707 = arith.constant 0 : i32
    %dma_start3A_708 = tpu.memref_slice %arg2[%add3A_694, %dma_start3A_707, %multiple_of3A_690] : memref<64x8x100000xf32, #tpu.memory_space<hbm>> -> memref<1x8x128xf32, #tpu.memory_space<hbm>>
    %dma_start3A_709 = tpu.memref_squeeze %dma_start3A_708 : memref<1x8x128xf32, #tpu.memory_space<hbm>> -> memref<8x128xf32, #tpu.memory_space<hbm>>
    tpu.enqueue_dma source(%dma_start3A_709 : memref<8x128xf32, #tpu.memory_space<hbm>>) target(%dma_start3A_706 : memref<8x128xf32, #tpu.memory_space<vmem>>) target_semaphore(%arg14 : memref<!tpu.dma_semaphore, #tpu.memory_space<semaphore_mem>>)
    %dma_start3A_710 = arith.constant 6 : i32
    %dma_start3A_711 = arith.constant 14 : i32
    %dma_start3A_712 = arith.constant 0 : i32
    %dma_start3A_713 = arith.constant 0 : i32
    %dma_start3A_714 = tpu.memref_slice %arg11[%dma_start3A_711, %dma_start3A_712, %dma_start3A_713] : memref<16x8x128xf32, #tpu.memory_space<vmem>> -> memref<1x8x128xf32, #tpu.memory_space<vmem>>
    %dma_start3A_715 = tpu.memref_squeeze %dma_start3A_714 : memref<1x8x128xf32, #tpu.memory_space<vmem>> -> memref<8x128xf32, #tpu.memory_space<vmem>>
    %dma_start3A_716 = tpu.memref_slice %arg3[%dma_start3A_710, %multiple_of3A, %multiple_of3A_690] : memref<9x64x100000xf32, #tpu.memory_space<hbm>> -> memref<1x8x128xf32, #tpu.memory_space<hbm>>
    %dma_start3A_717 = tpu.memref_squeeze %dma_start3A_716 : memref<1x8x128xf32, #tpu.memory_space<hbm>> -> memref<8x128xf32, #tpu.memory_space<hbm>>
    %dma_start3A_718 = arith.constant 0 : i32
    %dma_start3A_719 = arith.constant 0 : i32
    %dma_start3A_720 = tpu.memref_slice %arg11[%dma_start3A_711, %dma_start3A_718, %dma_start3A_719] : memref<16x8x128xf32, #tpu.memory_space<vmem>> -> memref<1x8x128xf32, #tpu.memory_space<vmem>>
    %dma_start3A_721 = tpu.memref_squeeze %dma_start3A_720 : memref<1x8x128xf32, #tpu.memory_space<vmem>> -> memref<8x128xf32, #tpu.memory_space<vmem>>
    %dma_start3A_722 = tpu.memref_slice %arg3[%dma_start3A_710, %multiple_of3A, %multiple_of3A_690] : memref<9x64x100000xf32, #tpu.memory_space<hbm>> -> memref<1x8x128xf32, #tpu.memory_space<hbm>>
    %dma_start3A_723 = tpu.memref_squeeze %dma_start3A_722 : memref<1x8x128xf32, #tpu.memory_space<hbm>> -> memref<8x128xf32, #tpu.memory_space<hbm>>
    tpu.enqueue_dma source(%dma_start3A_723 : memref<8x128xf32, #tpu.memory_space<hbm>>) target(%dma_start3A_721 : memref<8x128xf32, #tpu.memory_space<vmem>>) target_semaphore(%arg15 : memref<!tpu.dma_semaphore, #tpu.memory_space<semaphore_mem>>)
    %eq3A_724 = arith.constant 15 : i32
    %eq3A_725 = vector.broadcast %eq3A_724 : i32 to vector<16xi32>
    %eq3A_726 = arith.cmpi eq, %iota3A, %eq3A_725 : vector<16xi32>
    %jit3A_727 = arith.constant 0 : i32
    %broadcast_in_dim3A_728 = vector.broadcast %jit3A_727 : i32 to vector<16xi32>
    %select_n3A_729 = arith.select %eq3A_726, %and3A_5, %broadcast_in_dim3A_728 : vector<16xi1>, vector<16xi32>
    %reduce_max3A_730 = arith.constant true
    %reduce_max3A_731 = vector.broadcast %reduce_max3A_730 : i1 to vector<16xi1>
    %reduce_max3A_732 = arith.constant -2147483648 : i32
    %reduce_max3A_733 = vector.broadcast %reduce_max3A_732 : i32 to vector<16xi32>
    %reduce_max3A_734 = arith.xori %select_n3A_729, %reduce_max3A_733 : vector<16xi32>
    %reduce_max3A_735 = tpu.scan <max>, %reduce_max3A_734 masked %reduce_max3A_731 : vector<16xi32>, vector<16xi1> -> vector<16xi32>
    %reduce_max3A_736 = arith.xori %reduce_max3A_735, %reduce_max3A_733 : vector<16xi32>
    %reduce_max3A_737 = vector.extract %reduce_max3A_736[15] : i32 from vector<16xi32>
    %multiple_of3A_738 = tpu.assume_multiple %reduce_max3A_737, 128 : i32
    %mul3A_739 = arith.constant 2 : i32
    %mul3A_740 = arith.muli %mul3A_739, %add3A : i32
    %add3A_741 = arith.constant 1 : i32
    %add3A_742 = arith.addi %mul3A_740, %add3A_741 : i32
    %dma_start3A_743 = arith.constant 15 : i32
    %dma_start3A_744 = arith.constant 0 : i32
    %dma_start3A_745 = arith.constant 0 : i32
    %dma_start3A_746 = tpu.memref_slice %arg10[%dma_start3A_743, %dma_start3A_744, %dma_start3A_745] : memref<16x8x128xf32, #tpu.memory_space<vmem>> -> memref<1x8x128xf32, #tpu.memory_space<vmem>>
    %dma_start3A_747 = tpu.memref_squeeze %dma_start3A_746 : memref<1x8x128xf32, #tpu.memory_space<vmem>> -> memref<8x128xf32, #tpu.memory_space<vmem>>
    %dma_start3A_748 = arith.constant 0 : i32
    %dma_start3A_749 = tpu.memref_slice %arg2[%add3A_742, %dma_start3A_748, %multiple_of3A_738] : memref<64x8x100000xf32, #tpu.memory_space<hbm>> -> memref<1x8x128xf32, #tpu.memory_space<hbm>>
    %dma_start3A_750 = tpu.memref_squeeze %dma_start3A_749 : memref<1x8x128xf32, #tpu.memory_space<hbm>> -> memref<8x128xf32, #tpu.memory_space<hbm>>
    %dma_start3A_751 = arith.constant 0 : i32
    %dma_start3A_752 = arith.constant 0 : i32
    %dma_start3A_753 = tpu.memref_slice %arg10[%dma_start3A_743, %dma_start3A_751, %dma_start3A_752] : memref<16x8x128xf32, #tpu.memory_space<vmem>> -> memref<1x8x128xf32, #tpu.memory_space<vmem>>
    %dma_start3A_754 = tpu.memref_squeeze %dma_start3A_753 : memref<1x8x128xf32, #tpu.memory_space<vmem>> -> memref<8x128xf32, #tpu.memory_space<vmem>>
    %dma_start3A_755 = arith.constant 0 : i32
    %dma_start3A_756 = tpu.memref_slice %arg2[%add3A_742, %dma_start3A_755, %multiple_of3A_738] : memref<64x8x100000xf32, #tpu.memory_space<hbm>> -> memref<1x8x128xf32, #tpu.memory_space<hbm>>
    %dma_start3A_757 = tpu.memref_squeeze %dma_start3A_756 : memref<1x8x128xf32, #tpu.memory_space<hbm>> -> memref<8x128xf32, #tpu.memory_space<hbm>>
    tpu.enqueue_dma source(%dma_start3A_757 : memref<8x128xf32, #tpu.memory_space<hbm>>) target(%dma_start3A_754 : memref<8x128xf32, #tpu.memory_space<vmem>>) target_semaphore(%arg14 : memref<!tpu.dma_semaphore, #tpu.memory_space<semaphore_mem>>)
    %dma_start3A_758 = arith.constant 7 : i32
    %dma_start3A_759 = arith.constant 15 : i32
    %dma_start3A_760 = arith.constant 0 : i32
    %dma_start3A_761 = arith.constant 0 : i32
    %dma_start3A_762 = tpu.memref_slice %arg11[%dma_start3A_759, %dma_start3A_760, %dma_start3A_761] : memref<16x8x128xf32, #tpu.memory_space<vmem>> -> memref<1x8x128xf32, #tpu.memory_space<vmem>>
    %dma_start3A_763 = tpu.memref_squeeze %dma_start3A_762 : memref<1x8x128xf32, #tpu.memory_space<vmem>> -> memref<8x128xf32, #tpu.memory_space<vmem>>
    %dma_start3A_764 = tpu.memref_slice %arg3[%dma_start3A_758, %multiple_of3A, %multiple_of3A_738] : memref<9x64x100000xf32, #tpu.memory_space<hbm>> -> memref<1x8x128xf32, #tpu.memory_space<hbm>>
    %dma_start3A_765 = tpu.memref_squeeze %dma_start3A_764 : memref<1x8x128xf32, #tpu.memory_space<hbm>> -> memref<8x128xf32, #tpu.memory_space<hbm>>
    %dma_start3A_766 = arith.constant 0 : i32
    %dma_start3A_767 = arith.constant 0 : i32
    %dma_start3A_768 = tpu.memref_slice %arg11[%dma_start3A_759, %dma_start3A_766, %dma_start3A_767] : memref<16x8x128xf32, #tpu.memory_space<vmem>> -> memref<1x8x128xf32, #tpu.memory_space<vmem>>
    %dma_start3A_769 = tpu.memref_squeeze %dma_start3A_768 : memref<1x8x128xf32, #tpu.memory_space<vmem>> -> memref<8x128xf32, #tpu.memory_space<vmem>>
    %dma_start3A_770 = tpu.memref_slice %arg3[%dma_start3A_758, %multiple_of3A, %multiple_of3A_738] : memref<9x64x100000xf32, #tpu.memory_space<hbm>> -> memref<1x8x128xf32, #tpu.memory_space<hbm>>
    %dma_start3A_771 = tpu.memref_squeeze %dma_start3A_770 : memref<1x8x128xf32, #tpu.memory_space<hbm>> -> memref<8x128xf32, #tpu.memory_space<hbm>>
    tpu.enqueue_dma source(%dma_start3A_771 : memref<8x128xf32, #tpu.memory_space<hbm>>) target(%dma_start3A_769 : memref<8x128xf32, #tpu.memory_space<vmem>>) target_semaphore(%arg15 : memref<!tpu.dma_semaphore, #tpu.memory_space<semaphore_mem>>)
    %dma_wait3A = arith.constant 0 : i32
    %dma_wait3A_772 = arith.constant 0 : i32
    %dma_wait3A_773 = arith.constant 0 : i32
    %dma_wait3A_774 = tpu.memref_slice %arg10[%dma_wait3A, %dma_wait3A_772, %dma_wait3A_773] : memref<16x8x128xf32, #tpu.memory_space<vmem>> -> memref<1x8x128xf32, #tpu.memory_space<vmem>>
    %dma_wait3A_775 = tpu.memref_squeeze %dma_wait3A_774 : memref<1x8x128xf32, #tpu.memory_space<vmem>> -> memref<8x128xf32, #tpu.memory_space<vmem>>
    %dma_wait3A_776 = arith.constant 0 : i32
    %dma_wait3A_777 = tpu.memref_slice %arg2[%add3A_23, %dma_wait3A_776, %multiple_of3A_19] : memref<64x8x100000xf32, #tpu.memory_space<hbm>> -> memref<1x8x128xf32, #tpu.memory_space<hbm>>
    %dma_wait3A_778 = tpu.memref_squeeze %dma_wait3A_777 : memref<1x8x128xf32, #tpu.memory_space<hbm>> -> memref<8x128xf32, #tpu.memory_space<hbm>>
    %dma_wait3A_779 = arith.constant 0 : i32
    %dma_wait3A_780 = arith.constant 0 : i32
    %dma_wait3A_781 = tpu.memref_slice %arg10[%dma_wait3A, %dma_wait3A_779, %dma_wait3A_780] : memref<16x8x128xf32, #tpu.memory_space<vmem>> -> memref<1x8x128xf32, #tpu.memory_space<vmem>>
    %dma_wait3A_782 = tpu.memref_squeeze %dma_wait3A_781 : memref<1x8x128xf32, #tpu.memory_space<vmem>> -> memref<8x128xf32, #tpu.memory_space<vmem>>
    %dma_wait3A_783 = arith.constant 0 : i32
    %dma_wait3A_784 = tpu.memref_slice %arg2[%add3A_23, %dma_wait3A_783, %multiple_of3A_19] : memref<64x8x100000xf32, #tpu.memory_space<hbm>> -> memref<1x8x128xf32, #tpu.memory_space<hbm>>
    %dma_wait3A_785 = tpu.memref_squeeze %dma_wait3A_784 : memref<1x8x128xf32, #tpu.memory_space<hbm>> -> memref<8x128xf32, #tpu.memory_space<hbm>>
    tpu.wait_dma2 semaphore(%arg14 : memref<!tpu.dma_semaphore, #tpu.memory_space<semaphore_mem>>) src(%dma_wait3A_785 : memref<8x128xf32, #tpu.memory_space<hbm>>) dst(%dma_wait3A_782 : memref<8x128xf32, #tpu.memory_space<vmem>>)
    %dma_wait3A_786 = arith.constant 0 : i32
    %dma_wait3A_787 = arith.constant 0 : i32
    %dma_wait3A_788 = arith.constant 0 : i32
    %dma_wait3A_789 = arith.constant 0 : i32
    %dma_wait3A_790 = tpu.memref_slice %arg11[%dma_wait3A_787, %dma_wait3A_788, %dma_wait3A_789] : memref<16x8x128xf32, #tpu.memory_space<vmem>> -> memref<1x8x128xf32, #tpu.memory_space<vmem>>
    %dma_wait3A_791 = tpu.memref_squeeze %dma_wait3A_790 : memref<1x8x128xf32, #tpu.memory_space<vmem>> -> memref<8x128xf32, #tpu.memory_space<vmem>>
    %dma_wait3A_792 = tpu.memref_slice %arg3[%dma_wait3A_786, %multiple_of3A, %multiple_of3A_19] : memref<9x64x100000xf32, #tpu.memory_space<hbm>> -> memref<1x8x128xf32, #tpu.memory_space<hbm>>
    %dma_wait3A_793 = tpu.memref_squeeze %dma_wait3A_792 : memref<1x8x128xf32, #tpu.memory_space<hbm>> -> memref<8x128xf32, #tpu.memory_space<hbm>>
    %dma_wait3A_794 = arith.constant 0 : i32
    %dma_wait3A_795 = arith.constant 0 : i32
    %dma_wait3A_796 = tpu.memref_slice %arg11[%dma_wait3A_787, %dma_wait3A_794, %dma_wait3A_795] : memref<16x8x128xf32, #tpu.memory_space<vmem>> -> memref<1x8x128xf32, #tpu.memory_space<vmem>>
    %dma_wait3A_797 = tpu.memref_squeeze %dma_wait3A_796 : memref<1x8x128xf32, #tpu.memory_space<vmem>> -> memref<8x128xf32, #tpu.memory_space<vmem>>
    %dma_wait3A_798 = tpu.memref_slice %arg3[%dma_wait3A_786, %multiple_of3A, %multiple_of3A_19] : memref<9x64x100000xf32, #tpu.memory_space<hbm>> -> memref<1x8x128xf32, #tpu.memory_space<hbm>>
    %dma_wait3A_799 = tpu.memref_squeeze %dma_wait3A_798 : memref<1x8x128xf32, #tpu.memory_space<hbm>> -> memref<8x128xf32, #tpu.memory_space<hbm>>
    tpu.wait_dma2 semaphore(%arg15 : memref<!tpu.dma_semaphore, #tpu.memory_space<semaphore_mem>>) src(%dma_wait3A_799 : memref<8x128xf32, #tpu.memory_space<hbm>>) dst(%dma_wait3A_797 : memref<8x128xf32, #tpu.memory_space<vmem>>)
    %dma_wait3A_800 = arith.constant 1 : i32
    %dma_wait3A_801 = arith.constant 0 : i32
    %dma_wait3A_802 = arith.constant 0 : i32
    %dma_wait3A_803 = tpu.memref_slice %arg10[%dma_wait3A_800, %dma_wait3A_801, %dma_wait3A_802] : memref<16x8x128xf32, #tpu.memory_space<vmem>> -> memref<1x8x128xf32, #tpu.memory_space<vmem>>
    %dma_wait3A_804 = tpu.memref_squeeze %dma_wait3A_803 : memref<1x8x128xf32, #tpu.memory_space<vmem>> -> memref<8x128xf32, #tpu.memory_space<vmem>>
    %dma_wait3A_805 = arith.constant 0 : i32
    %dma_wait3A_806 = tpu.memref_slice %arg2[%add3A_70, %dma_wait3A_805, %multiple_of3A_66] : memref<64x8x100000xf32, #tpu.memory_space<hbm>> -> memref<1x8x128xf32, #tpu.memory_space<hbm>>
    %dma_wait3A_807 = tpu.memref_squeeze %dma_wait3A_806 : memref<1x8x128xf32, #tpu.memory_space<hbm>> -> memref<8x128xf32, #tpu.memory_space<hbm>>
    %dma_wait3A_808 = arith.constant 0 : i32
    %dma_wait3A_809 = arith.constant 0 : i32
    %dma_wait3A_810 = tpu.memref_slice %arg10[%dma_wait3A_800, %dma_wait3A_808, %dma_wait3A_809] : memref<16x8x128xf32, #tpu.memory_space<vmem>> -> memref<1x8x128xf32, #tpu.memory_space<vmem>>
    %dma_wait3A_811 = tpu.memref_squeeze %dma_wait3A_810 : memref<1x8x128xf32, #tpu.memory_space<vmem>> -> memref<8x128xf32, #tpu.memory_space<vmem>>
    %dma_wait3A_812 = arith.constant 0 : i32
    %dma_wait3A_813 = tpu.memref_slice %arg2[%add3A_70, %dma_wait3A_812, %multiple_of3A_66] : memref<64x8x100000xf32, #tpu.memory_space<hbm>> -> memref<1x8x128xf32, #tpu.memory_space<hbm>>
    %dma_wait3A_814 = tpu.memref_squeeze %dma_wait3A_813 : memref<1x8x128xf32, #tpu.memory_space<hbm>> -> memref<8x128xf32, #tpu.memory_space<hbm>>
    tpu.wait_dma2 semaphore(%arg14 : memref<!tpu.dma_semaphore, #tpu.memory_space<semaphore_mem>>) src(%dma_wait3A_814 : memref<8x128xf32, #tpu.memory_space<hbm>>) dst(%dma_wait3A_811 : memref<8x128xf32, #tpu.memory_space<vmem>>)
    %dma_wait3A_815 = arith.constant 1 : i32
    %dma_wait3A_816 = arith.constant 1 : i32
    %dma_wait3A_817 = arith.constant 0 : i32
    %dma_wait3A_818 = arith.constant 0 : i32
    %dma_wait3A_819 = tpu.memref_slice %arg11[%dma_wait3A_816, %dma_wait3A_817, %dma_wait3A_818] : memref<16x8x128xf32, #tpu.memory_space<vmem>> -> memref<1x8x128xf32, #tpu.memory_space<vmem>>
    %dma_wait3A_820 = tpu.memref_squeeze %dma_wait3A_819 : memref<1x8x128xf32, #tpu.memory_space<vmem>> -> memref<8x128xf32, #tpu.memory_space<vmem>>
    %dma_wait3A_821 = tpu.memref_slice %arg3[%dma_wait3A_815, %multiple_of3A, %multiple_of3A_66] : memref<9x64x100000xf32, #tpu.memory_space<hbm>> -> memref<1x8x128xf32, #tpu.memory_space<hbm>>
    %dma_wait3A_822 = tpu.memref_squeeze %dma_wait3A_821 : memref<1x8x128xf32, #tpu.memory_space<hbm>> -> memref<8x128xf32, #tpu.memory_space<hbm>>
    %dma_wait3A_823 = arith.constant 0 : i32
    %dma_wait3A_824 = arith.constant 0 : i32
    %dma_wait3A_825 = tpu.memref_slice %arg11[%dma_wait3A_816, %dma_wait3A_823, %dma_wait3A_824] : memref<16x8x128xf32, #tpu.memory_space<vmem>> -> memref<1x8x128xf32, #tpu.memory_space<vmem>>
    %dma_wait3A_826 = tpu.memref_squeeze %dma_wait3A_825 : memref<1x8x128xf32, #tpu.memory_space<vmem>> -> memref<8x128xf32, #tpu.memory_space<vmem>>
    %dma_wait3A_827 = tpu.memref_slice %arg3[%dma_wait3A_815, %multiple_of3A, %multiple_of3A_66] : memref<9x64x100000xf32, #tpu.memory_space<hbm>> -> memref<1x8x128xf32, #tpu.memory_space<hbm>>
    %dma_wait3A_828 = tpu.memref_squeeze %dma_wait3A_827 : memref<1x8x128xf32, #tpu.memory_space<hbm>> -> memref<8x128xf32, #tpu.memory_space<hbm>>
    tpu.wait_dma2 semaphore(%arg15 : memref<!tpu.dma_semaphore, #tpu.memory_space<semaphore_mem>>) src(%dma_wait3A_828 : memref<8x128xf32, #tpu.memory_space<hbm>>) dst(%dma_wait3A_826 : memref<8x128xf32, #tpu.memory_space<vmem>>)
    %dma_wait3A_829 = arith.constant 2 : i32
    %dma_wait3A_830 = arith.constant 0 : i32
    %dma_wait3A_831 = arith.constant 0 : i32
    %dma_wait3A_832 = tpu.memref_slice %arg10[%dma_wait3A_829, %dma_wait3A_830, %dma_wait3A_831] : memref<16x8x128xf32, #tpu.memory_space<vmem>> -> memref<1x8x128xf32, #tpu.memory_space<vmem>>
    %dma_wait3A_833 = tpu.memref_squeeze %dma_wait3A_832 : memref<1x8x128xf32, #tpu.memory_space<vmem>> -> memref<8x128xf32, #tpu.memory_space<vmem>>
    %dma_wait3A_834 = arith.constant 0 : i32
    %dma_wait3A_835 = tpu.memref_slice %arg2[%add3A_118, %dma_wait3A_834, %multiple_of3A_114] : memref<64x8x100000xf32, #tpu.memory_space<hbm>> -> memref<1x8x128xf32, #tpu.memory_space<hbm>>
    %dma_wait3A_836 = tpu.memref_squeeze %dma_wait3A_835 : memref<1x8x128xf32, #tpu.memory_space<hbm>> -> memref<8x128xf32, #tpu.memory_space<hbm>>
    %dma_wait3A_837 = arith.constant 0 : i32
    %dma_wait3A_838 = arith.constant 0 : i32
    %dma_wait3A_839 = tpu.memref_slice %arg10[%dma_wait3A_829, %dma_wait3A_837, %dma_wait3A_838] : memref<16x8x128xf32, #tpu.memory_space<vmem>> -> memref<1x8x128xf32, #tpu.memory_space<vmem>>
    %dma_wait3A_840 = tpu.memref_squeeze %dma_wait3A_839 : memref<1x8x128xf32, #tpu.memory_space<vmem>> -> memref<8x128xf32, #tpu.memory_space<vmem>>
    %dma_wait3A_841 = arith.constant 0 : i32
    %dma_wait3A_842 = tpu.memref_slice %arg2[%add3A_118, %dma_wait3A_841, %multiple_of3A_114] : memref<64x8x100000xf32, #tpu.memory_space<hbm>> -> memref<1x8x128xf32, #tpu.memory_space<hbm>>
    %dma_wait3A_843 = tpu.memref_squeeze %dma_wait3A_842 : memref<1x8x128xf32, #tpu.memory_space<hbm>> -> memref<8x128xf32, #tpu.memory_space<hbm>>
    tpu.wait_dma2 semaphore(%arg14 : memref<!tpu.dma_semaphore, #tpu.memory_space<semaphore_mem>>) src(%dma_wait3A_843 : memref<8x128xf32, #tpu.memory_space<hbm>>) dst(%dma_wait3A_840 : memref<8x128xf32, #tpu.memory_space<vmem>>)
    %dma_wait3A_844 = arith.constant 2 : i32
    %dma_wait3A_845 = arith.constant 2 : i32
    %dma_wait3A_846 = arith.constant 0 : i32
    %dma_wait3A_847 = arith.constant 0 : i32
    %dma_wait3A_848 = tpu.memref_slice %arg11[%dma_wait3A_845, %dma_wait3A_846, %dma_wait3A_847] : memref<16x8x128xf32, #tpu.memory_space<vmem>> -> memref<1x8x128xf32, #tpu.memory_space<vmem>>
    %dma_wait3A_849 = tpu.memref_squeeze %dma_wait3A_848 : memref<1x8x128xf32, #tpu.memory_space<vmem>> -> memref<8x128xf32, #tpu.memory_space<vmem>>
    %dma_wait3A_850 = tpu.memref_slice %arg3[%dma_wait3A_844, %multiple_of3A, %multiple_of3A_114] : memref<9x64x100000xf32, #tpu.memory_space<hbm>> -> memref<1x8x128xf32, #tpu.memory_space<hbm>>
    %dma_wait3A_851 = tpu.memref_squeeze %dma_wait3A_850 : memref<1x8x128xf32, #tpu.memory_space<hbm>> -> memref<8x128xf32, #tpu.memory_space<hbm>>
    %dma_wait3A_852 = arith.constant 0 : i32
    %dma_wait3A_853 = arith.constant 0 : i32
    %dma_wait3A_854 = tpu.memref_slice %arg11[%dma_wait3A_845, %dma_wait3A_852, %dma_wait3A_853] : memref<16x8x128xf32, #tpu.memory_space<vmem>> -> memref<1x8x128xf32, #tpu.memory_space<vmem>>
    %dma_wait3A_855 = tpu.memref_squeeze %dma_wait3A_854 : memref<1x8x128xf32, #tpu.memory_space<vmem>> -> memref<8x128xf32, #tpu.memory_space<vmem>>
    %dma_wait3A_856 = tpu.memref_slice %arg3[%dma_wait3A_844, %multiple_of3A, %multiple_of3A_114] : memref<9x64x100000xf32, #tpu.memory_space<hbm>> -> memref<1x8x128xf32, #tpu.memory_space<hbm>>
    %dma_wait3A_857 = tpu.memref_squeeze %dma_wait3A_856 : memref<1x8x128xf32, #tpu.memory_space<hbm>> -> memref<8x128xf32, #tpu.memory_space<hbm>>
    tpu.wait_dma2 semaphore(%arg15 : memref<!tpu.dma_semaphore, #tpu.memory_space<semaphore_mem>>) src(%dma_wait3A_857 : memref<8x128xf32, #tpu.memory_space<hbm>>) dst(%dma_wait3A_855 : memref<8x128xf32, #tpu.memory_space<vmem>>)
    %dma_wait3A_858 = arith.constant 3 : i32
    %dma_wait3A_859 = arith.constant 0 : i32
    %dma_wait3A_860 = arith.constant 0 : i32
    %dma_wait3A_861 = tpu.memref_slice %arg10[%dma_wait3A_858, %dma_wait3A_859, %dma_wait3A_860] : memref<16x8x128xf32, #tpu.memory_space<vmem>> -> memref<1x8x128xf32, #tpu.memory_space<vmem>>
    %dma_wait3A_862 = tpu.memref_squeeze %dma_wait3A_861 : memref<1x8x128xf32, #tpu.memory_space<vmem>> -> memref<8x128xf32, #tpu.memory_space<vmem>>
    %dma_wait3A_863 = arith.constant 0 : i32
    %dma_wait3A_864 = tpu.memref_slice %arg2[%add3A_166, %dma_wait3A_863, %multiple_of3A_162] : memref<64x8x100000xf32, #tpu.memory_space<hbm>> -> memref<1x8x128xf32, #tpu.memory_space<hbm>>
    %dma_wait3A_865 = tpu.memref_squeeze %dma_wait3A_864 : memref<1x8x128xf32, #tpu.memory_space<hbm>> -> memref<8x128xf32, #tpu.memory_space<hbm>>
    %dma_wait3A_866 = arith.constant 0 : i32
    %dma_wait3A_867 = arith.constant 0 : i32
    %dma_wait3A_868 = tpu.memref_slice %arg10[%dma_wait3A_858, %dma_wait3A_866, %dma_wait3A_867] : memref<16x8x128xf32, #tpu.memory_space<vmem>> -> memref<1x8x128xf32, #tpu.memory_space<vmem>>
    %dma_wait3A_869 = tpu.memref_squeeze %dma_wait3A_868 : memref<1x8x128xf32, #tpu.memory_space<vmem>> -> memref<8x128xf32, #tpu.memory_space<vmem>>
    %dma_wait3A_870 = arith.constant 0 : i32
    %dma_wait3A_871 = tpu.memref_slice %arg2[%add3A_166, %dma_wait3A_870, %multiple_of3A_162] : memref<64x8x100000xf32, #tpu.memory_space<hbm>> -> memref<1x8x128xf32, #tpu.memory_space<hbm>>
    %dma_wait3A_872 = tpu.memref_squeeze %dma_wait3A_871 : memref<1x8x128xf32, #tpu.memory_space<hbm>> -> memref<8x128xf32, #tpu.memory_space<hbm>>
    tpu.wait_dma2 semaphore(%arg14 : memref<!tpu.dma_semaphore, #tpu.memory_space<semaphore_mem>>) src(%dma_wait3A_872 : memref<8x128xf32, #tpu.memory_space<hbm>>) dst(%dma_wait3A_869 : memref<8x128xf32, #tpu.memory_space<vmem>>)
    %dma_wait3A_873 = arith.constant 3 : i32
    %dma_wait3A_874 = arith.constant 3 : i32
    %dma_wait3A_875 = arith.constant 0 : i32
    %dma_wait3A_876 = arith.constant 0 : i32
    %dma_wait3A_877 = tpu.memref_slice %arg11[%dma_wait3A_874, %dma_wait3A_875, %dma_wait3A_876] : memref<16x8x128xf32, #tpu.memory_space<vmem>> -> memref<1x8x128xf32, #tpu.memory_space<vmem>>
    %dma_wait3A_878 = tpu.memref_squeeze %dma_wait3A_877 : memref<1x8x128xf32, #tpu.memory_space<vmem>> -> memref<8x128xf32, #tpu.memory_space<vmem>>
    %dma_wait3A_879 = tpu.memref_slice %arg3[%dma_wait3A_873, %multiple_of3A, %multiple_of3A_162] : memref<9x64x100000xf32, #tpu.memory_space<hbm>> -> memref<1x8x128xf32, #tpu.memory_space<hbm>>
    %dma_wait3A_880 = tpu.memref_squeeze %dma_wait3A_879 : memref<1x8x128xf32, #tpu.memory_space<hbm>> -> memref<8x128xf32, #tpu.memory_space<hbm>>
    %dma_wait3A_881 = arith.constant 0 : i32
    %dma_wait3A_882 = arith.constant 0 : i32
    %dma_wait3A_883 = tpu.memref_slice %arg11[%dma_wait3A_874, %dma_wait3A_881, %dma_wait3A_882] : memref<16x8x128xf32, #tpu.memory_space<vmem>> -> memref<1x8x128xf32, #tpu.memory_space<vmem>>
    %dma_wait3A_884 = tpu.memref_squeeze %dma_wait3A_883 : memref<1x8x128xf32, #tpu.memory_space<vmem>> -> memref<8x128xf32, #tpu.memory_space<vmem>>
    %dma_wait3A_885 = tpu.memref_slice %arg3[%dma_wait3A_873, %multiple_of3A, %multiple_of3A_162] : memref<9x64x100000xf32, #tpu.memory_space<hbm>> -> memref<1x8x128xf32, #tpu.memory_space<hbm>>
    %dma_wait3A_886 = tpu.memref_squeeze %dma_wait3A_885 : memref<1x8x128xf32, #tpu.memory_space<hbm>> -> memref<8x128xf32, #tpu.memory_space<hbm>>
    tpu.wait_dma2 semaphore(%arg15 : memref<!tpu.dma_semaphore, #tpu.memory_space<semaphore_mem>>) src(%dma_wait3A_886 : memref<8x128xf32, #tpu.memory_space<hbm>>) dst(%dma_wait3A_884 : memref<8x128xf32, #tpu.memory_space<vmem>>)
    %dma_wait3A_887 = arith.constant 4 : i32
    %dma_wait3A_888 = arith.constant 0 : i32
    %dma_wait3A_889 = arith.constant 0 : i32
    %dma_wait3A_890 = tpu.memref_slice %arg10[%dma_wait3A_887, %dma_wait3A_888, %dma_wait3A_889] : memref<16x8x128xf32, #tpu.memory_space<vmem>> -> memref<1x8x128xf32, #tpu.memory_space<vmem>>
    %dma_wait3A_891 = tpu.memref_squeeze %dma_wait3A_890 : memref<1x8x128xf32, #tpu.memory_space<vmem>> -> memref<8x128xf32, #tpu.memory_space<vmem>>
    %dma_wait3A_892 = arith.constant 0 : i32
    %dma_wait3A_893 = tpu.memref_slice %arg2[%add3A_214, %dma_wait3A_892, %multiple_of3A_210] : memref<64x8x100000xf32, #tpu.memory_space<hbm>> -> memref<1x8x128xf32, #tpu.memory_space<hbm>>
    %dma_wait3A_894 = tpu.memref_squeeze %dma_wait3A_893 : memref<1x8x128xf32, #tpu.memory_space<hbm>> -> memref<8x128xf32, #tpu.memory_space<hbm>>
    %dma_wait3A_895 = arith.constant 0 : i32
    %dma_wait3A_896 = arith.constant 0 : i32
    %dma_wait3A_897 = tpu.memref_slice %arg10[%dma_wait3A_887, %dma_wait3A_895, %dma_wait3A_896] : memref<16x8x128xf32, #tpu.memory_space<vmem>> -> memref<1x8x128xf32, #tpu.memory_space<vmem>>
    %dma_wait3A_898 = tpu.memref_squeeze %dma_wait3A_897 : memref<1x8x128xf32, #tpu.memory_space<vmem>> -> memref<8x128xf32, #tpu.memory_space<vmem>>
    %dma_wait3A_899 = arith.constant 0 : i32
    %dma_wait3A_900 = tpu.memref_slice %arg2[%add3A_214, %dma_wait3A_899, %multiple_of3A_210] : memref<64x8x100000xf32, #tpu.memory_space<hbm>> -> memref<1x8x128xf32, #tpu.memory_space<hbm>>
    %dma_wait3A_901 = tpu.memref_squeeze %dma_wait3A_900 : memref<1x8x128xf32, #tpu.memory_space<hbm>> -> memref<8x128xf32, #tpu.memory_space<hbm>>
    tpu.wait_dma2 semaphore(%arg14 : memref<!tpu.dma_semaphore, #tpu.memory_space<semaphore_mem>>) src(%dma_wait3A_901 : memref<8x128xf32, #tpu.memory_space<hbm>>) dst(%dma_wait3A_898 : memref<8x128xf32, #tpu.memory_space<vmem>>)
    %dma_wait3A_902 = arith.constant 4 : i32
    %dma_wait3A_903 = arith.constant 4 : i32
    %dma_wait3A_904 = arith.constant 0 : i32
    %dma_wait3A_905 = arith.constant 0 : i32
    %dma_wait3A_906 = tpu.memref_slice %arg11[%dma_wait3A_903, %dma_wait3A_904, %dma_wait3A_905] : memref<16x8x128xf32, #tpu.memory_space<vmem>> -> memref<1x8x128xf32, #tpu.memory_space<vmem>>
    %dma_wait3A_907 = tpu.memref_squeeze %dma_wait3A_906 : memref<1x8x128xf32, #tpu.memory_space<vmem>> -> memref<8x128xf32, #tpu.memory_space<vmem>>
    %dma_wait3A_908 = tpu.memref_slice %arg3[%dma_wait3A_902, %multiple_of3A, %multiple_of3A_210] : memref<9x64x100000xf32, #tpu.memory_space<hbm>> -> memref<1x8x128xf32, #tpu.memory_space<hbm>>
    %dma_wait3A_909 = tpu.memref_squeeze %dma_wait3A_908 : memref<1x8x128xf32, #tpu.memory_space<hbm>> -> memref<8x128xf32, #tpu.memory_space<hbm>>
    %dma_wait3A_910 = arith.constant 0 : i32
    %dma_wait3A_911 = arith.constant 0 : i32
    %dma_wait3A_912 = tpu.memref_slice %arg11[%dma_wait3A_903, %dma_wait3A_910, %dma_wait3A_911] : memref<16x8x128xf32, #tpu.memory_space<vmem>> -> memref<1x8x128xf32, #tpu.memory_space<vmem>>
    %dma_wait3A_913 = tpu.memref_squeeze %dma_wait3A_912 : memref<1x8x128xf32, #tpu.memory_space<vmem>> -> memref<8x128xf32, #tpu.memory_space<vmem>>
    %dma_wait3A_914 = tpu.memref_slice %arg3[%dma_wait3A_902, %multiple_of3A, %multiple_of3A_210] : memref<9x64x100000xf32, #tpu.memory_space<hbm>> -> memref<1x8x128xf32, #tpu.memory_space<hbm>>
    %dma_wait3A_915 = tpu.memref_squeeze %dma_wait3A_914 : memref<1x8x128xf32, #tpu.memory_space<hbm>> -> memref<8x128xf32, #tpu.memory_space<hbm>>
    tpu.wait_dma2 semaphore(%arg15 : memref<!tpu.dma_semaphore, #tpu.memory_space<semaphore_mem>>) src(%dma_wait3A_915 : memref<8x128xf32, #tpu.memory_space<hbm>>) dst(%dma_wait3A_913 : memref<8x128xf32, #tpu.memory_space<vmem>>)
    %dma_wait3A_916 = arith.constant 5 : i32
    %dma_wait3A_917 = arith.constant 0 : i32
    %dma_wait3A_918 = arith.constant 0 : i32
    %dma_wait3A_919 = tpu.memref_slice %arg10[%dma_wait3A_916, %dma_wait3A_917, %dma_wait3A_918] : memref<16x8x128xf32, #tpu.memory_space<vmem>> -> memref<1x8x128xf32, #tpu.memory_space<vmem>>
    %dma_wait3A_920 = tpu.memref_squeeze %dma_wait3A_919 : memref<1x8x128xf32, #tpu.memory_space<vmem>> -> memref<8x128xf32, #tpu.memory_space<vmem>>
    %dma_wait3A_921 = arith.constant 0 : i32
    %dma_wait3A_922 = tpu.memref_slice %arg2[%add3A_262, %dma_wait3A_921, %multiple_of3A_258] : memref<64x8x100000xf32, #tpu.memory_space<hbm>> -> memref<1x8x128xf32, #tpu.memory_space<hbm>>
    %dma_wait3A_923 = tpu.memref_squeeze %dma_wait3A_922 : memref<1x8x128xf32, #tpu.memory_space<hbm>> -> memref<8x128xf32, #tpu.memory_space<hbm>>
    %dma_wait3A_924 = arith.constant 0 : i32
    %dma_wait3A_925 = arith.constant 0 : i32
    %dma_wait3A_926 = tpu.memref_slice %arg10[%dma_wait3A_916, %dma_wait3A_924, %dma_wait3A_925] : memref<16x8x128xf32, #tpu.memory_space<vmem>> -> memref<1x8x128xf32, #tpu.memory_space<vmem>>
    %dma_wait3A_927 = tpu.memref_squeeze %dma_wait3A_926 : memref<1x8x128xf32, #tpu.memory_space<vmem>> -> memref<8x128xf32, #tpu.memory_space<vmem>>
    %dma_wait3A_928 = arith.constant 0 : i32
    %dma_wait3A_929 = tpu.memref_slice %arg2[%add3A_262, %dma_wait3A_928, %multiple_of3A_258] : memref<64x8x100000xf32, #tpu.memory_space<hbm>> -> memref<1x8x128xf32, #tpu.memory_space<hbm>>
    %dma_wait3A_930 = tpu.memref_squeeze %dma_wait3A_929 : memref<1x8x128xf32, #tpu.memory_space<hbm>> -> memref<8x128xf32, #tpu.memory_space<hbm>>
    tpu.wait_dma2 semaphore(%arg14 : memref<!tpu.dma_semaphore, #tpu.memory_space<semaphore_mem>>) src(%dma_wait3A_930 : memref<8x128xf32, #tpu.memory_space<hbm>>) dst(%dma_wait3A_927 : memref<8x128xf32, #tpu.memory_space<vmem>>)
    %dma_wait3A_931 = arith.constant 5 : i32
    %dma_wait3A_932 = arith.constant 5 : i32
    %dma_wait3A_933 = arith.constant 0 : i32
    %dma_wait3A_934 = arith.constant 0 : i32
    %dma_wait3A_935 = tpu.memref_slice %arg11[%dma_wait3A_932, %dma_wait3A_933, %dma_wait3A_934] : memref<16x8x128xf32, #tpu.memory_space<vmem>> -> memref<1x8x128xf32, #tpu.memory_space<vmem>>
    %dma_wait3A_936 = tpu.memref_squeeze %dma_wait3A_935 : memref<1x8x128xf32, #tpu.memory_space<vmem>> -> memref<8x128xf32, #tpu.memory_space<vmem>>
    %dma_wait3A_937 = tpu.memref_slice %arg3[%dma_wait3A_931, %multiple_of3A, %multiple_of3A_258] : memref<9x64x100000xf32, #tpu.memory_space<hbm>> -> memref<1x8x128xf32, #tpu.memory_space<hbm>>
    %dma_wait3A_938 = tpu.memref_squeeze %dma_wait3A_937 : memref<1x8x128xf32, #tpu.memory_space<hbm>> -> memref<8x128xf32, #tpu.memory_space<hbm>>
    %dma_wait3A_939 = arith.constant 0 : i32
    %dma_wait3A_940 = arith.constant 0 : i32
    %dma_wait3A_941 = tpu.memref_slice %arg11[%dma_wait3A_932, %dma_wait3A_939, %dma_wait3A_940] : memref<16x8x128xf32, #tpu.memory_space<vmem>> -> memref<1x8x128xf32, #tpu.memory_space<vmem>>
    %dma_wait3A_942 = tpu.memref_squeeze %dma_wait3A_941 : memref<1x8x128xf32, #tpu.memory_space<vmem>> -> memref<8x128xf32, #tpu.memory_space<vmem>>
    %dma_wait3A_943 = tpu.memref_slice %arg3[%dma_wait3A_931, %multiple_of3A, %multiple_of3A_258] : memref<9x64x100000xf32, #tpu.memory_space<hbm>> -> memref<1x8x128xf32, #tpu.memory_space<hbm>>
    %dma_wait3A_944 = tpu.memref_squeeze %dma_wait3A_943 : memref<1x8x128xf32, #tpu.memory_space<hbm>> -> memref<8x128xf32, #tpu.memory_space<hbm>>
    tpu.wait_dma2 semaphore(%arg15 : memref<!tpu.dma_semaphore, #tpu.memory_space<semaphore_mem>>) src(%dma_wait3A_944 : memref<8x128xf32, #tpu.memory_space<hbm>>) dst(%dma_wait3A_942 : memref<8x128xf32, #tpu.memory_space<vmem>>)
    %dma_wait3A_945 = arith.constant 6 : i32
    %dma_wait3A_946 = arith.constant 0 : i32
    %dma_wait3A_947 = arith.constant 0 : i32
    %dma_wait3A_948 = tpu.memref_slice %arg10[%dma_wait3A_945, %dma_wait3A_946, %dma_wait3A_947] : memref<16x8x128xf32, #tpu.memory_space<vmem>> -> memref<1x8x128xf32, #tpu.memory_space<vmem>>
    %dma_wait3A_949 = tpu.memref_squeeze %dma_wait3A_948 : memref<1x8x128xf32, #tpu.memory_space<vmem>> -> memref<8x128xf32, #tpu.memory_space<vmem>>
    %dma_wait3A_950 = arith.constant 0 : i32
    %dma_wait3A_951 = tpu.memref_slice %arg2[%add3A_310, %dma_wait3A_950, %multiple_of3A_306] : memref<64x8x100000xf32, #tpu.memory_space<hbm>> -> memref<1x8x128xf32, #tpu.memory_space<hbm>>
    %dma_wait3A_952 = tpu.memref_squeeze %dma_wait3A_951 : memref<1x8x128xf32, #tpu.memory_space<hbm>> -> memref<8x128xf32, #tpu.memory_space<hbm>>
    %dma_wait3A_953 = arith.constant 0 : i32
    %dma_wait3A_954 = arith.constant 0 : i32
    %dma_wait3A_955 = tpu.memref_slice %arg10[%dma_wait3A_945, %dma_wait3A_953, %dma_wait3A_954] : memref<16x8x128xf32, #tpu.memory_space<vmem>> -> memref<1x8x128xf32, #tpu.memory_space<vmem>>
    %dma_wait3A_956 = tpu.memref_squeeze %dma_wait3A_955 : memref<1x8x128xf32, #tpu.memory_space<vmem>> -> memref<8x128xf32, #tpu.memory_space<vmem>>
    %dma_wait3A_957 = arith.constant 0 : i32
    %dma_wait3A_958 = tpu.memref_slice %arg2[%add3A_310, %dma_wait3A_957, %multiple_of3A_306] : memref<64x8x100000xf32, #tpu.memory_space<hbm>> -> memref<1x8x128xf32, #tpu.memory_space<hbm>>
    %dma_wait3A_959 = tpu.memref_squeeze %dma_wait3A_958 : memref<1x8x128xf32, #tpu.memory_space<hbm>> -> memref<8x128xf32, #tpu.memory_space<hbm>>
    tpu.wait_dma2 semaphore(%arg14 : memref<!tpu.dma_semaphore, #tpu.memory_space<semaphore_mem>>) src(%dma_wait3A_959 : memref<8x128xf32, #tpu.memory_space<hbm>>) dst(%dma_wait3A_956 : memref<8x128xf32, #tpu.memory_space<vmem>>)
    %dma_wait3A_960 = arith.constant 6 : i32
    %dma_wait3A_961 = arith.constant 6 : i32
    %dma_wait3A_962 = arith.constant 0 : i32
    %dma_wait3A_963 = arith.constant 0 : i32
    %dma_wait3A_964 = tpu.memref_slice %arg11[%dma_wait3A_961, %dma_wait3A_962, %dma_wait3A_963] : memref<16x8x128xf32, #tpu.memory_space<vmem>> -> memref<1x8x128xf32, #tpu.memory_space<vmem>>
    %dma_wait3A_965 = tpu.memref_squeeze %dma_wait3A_964 : memref<1x8x128xf32, #tpu.memory_space<vmem>> -> memref<8x128xf32, #tpu.memory_space<vmem>>
    %dma_wait3A_966 = tpu.memref_slice %arg3[%dma_wait3A_960, %multiple_of3A, %multiple_of3A_306] : memref<9x64x100000xf32, #tpu.memory_space<hbm>> -> memref<1x8x128xf32, #tpu.memory_space<hbm>>
    %dma_wait3A_967 = tpu.memref_squeeze %dma_wait3A_966 : memref<1x8x128xf32, #tpu.memory_space<hbm>> -> memref<8x128xf32, #tpu.memory_space<hbm>>
    %dma_wait3A_968 = arith.constant 0 : i32
    %dma_wait3A_969 = arith.constant 0 : i32
    %dma_wait3A_970 = tpu.memref_slice %arg11[%dma_wait3A_961, %dma_wait3A_968, %dma_wait3A_969] : memref<16x8x128xf32, #tpu.memory_space<vmem>> -> memref<1x8x128xf32, #tpu.memory_space<vmem>>
    %dma_wait3A_971 = tpu.memref_squeeze %dma_wait3A_970 : memref<1x8x128xf32, #tpu.memory_space<vmem>> -> memref<8x128xf32, #tpu.memory_space<vmem>>
    %dma_wait3A_972 = tpu.memref_slice %arg3[%dma_wait3A_960, %multiple_of3A, %multiple_of3A_306] : memref<9x64x100000xf32, #tpu.memory_space<hbm>> -> memref<1x8x128xf32, #tpu.memory_space<hbm>>
    %dma_wait3A_973 = tpu.memref_squeeze %dma_wait3A_972 : memref<1x8x128xf32, #tpu.memory_space<hbm>> -> memref<8x128xf32, #tpu.memory_space<hbm>>
    tpu.wait_dma2 semaphore(%arg15 : memref<!tpu.dma_semaphore, #tpu.memory_space<semaphore_mem>>) src(%dma_wait3A_973 : memref<8x128xf32, #tpu.memory_space<hbm>>) dst(%dma_wait3A_971 : memref<8x128xf32, #tpu.memory_space<vmem>>)
    %dma_wait3A_974 = arith.constant 7 : i32
    %dma_wait3A_975 = arith.constant 0 : i32
    %dma_wait3A_976 = arith.constant 0 : i32
    %dma_wait3A_977 = tpu.memref_slice %arg10[%dma_wait3A_974, %dma_wait3A_975, %dma_wait3A_976] : memref<16x8x128xf32, #tpu.memory_space<vmem>> -> memref<1x8x128xf32, #tpu.memory_space<vmem>>
    %dma_wait3A_978 = tpu.memref_squeeze %dma_wait3A_977 : memref<1x8x128xf32, #tpu.memory_space<vmem>> -> memref<8x128xf32, #tpu.memory_space<vmem>>
    %dma_wait3A_979 = arith.constant 0 : i32
    %dma_wait3A_980 = tpu.memref_slice %arg2[%add3A_358, %dma_wait3A_979, %multiple_of3A_354] : memref<64x8x100000xf32, #tpu.memory_space<hbm>> -> memref<1x8x128xf32, #tpu.memory_space<hbm>>
    %dma_wait3A_981 = tpu.memref_squeeze %dma_wait3A_980 : memref<1x8x128xf32, #tpu.memory_space<hbm>> -> memref<8x128xf32, #tpu.memory_space<hbm>>
    %dma_wait3A_982 = arith.constant 0 : i32
    %dma_wait3A_983 = arith.constant 0 : i32
    %dma_wait3A_984 = tpu.memref_slice %arg10[%dma_wait3A_974, %dma_wait3A_982, %dma_wait3A_983] : memref<16x8x128xf32, #tpu.memory_space<vmem>> -> memref<1x8x128xf32, #tpu.memory_space<vmem>>
    %dma_wait3A_985 = tpu.memref_squeeze %dma_wait3A_984 : memref<1x8x128xf32, #tpu.memory_space<vmem>> -> memref<8x128xf32, #tpu.memory_space<vmem>>
    %dma_wait3A_986 = arith.constant 0 : i32
    %dma_wait3A_987 = tpu.memref_slice %arg2[%add3A_358, %dma_wait3A_986, %multiple_of3A_354] : memref<64x8x100000xf32, #tpu.memory_space<hbm>> -> memref<1x8x128xf32, #tpu.memory_space<hbm>>
    %dma_wait3A_988 = tpu.memref_squeeze %dma_wait3A_987 : memref<1x8x128xf32, #tpu.memory_space<hbm>> -> memref<8x128xf32, #tpu.memory_space<hbm>>
    tpu.wait_dma2 semaphore(%arg14 : memref<!tpu.dma_semaphore, #tpu.memory_space<semaphore_mem>>) src(%dma_wait3A_988 : memref<8x128xf32, #tpu.memory_space<hbm>>) dst(%dma_wait3A_985 : memref<8x128xf32, #tpu.memory_space<vmem>>)
    %dma_wait3A_989 = arith.constant 7 : i32
    %dma_wait3A_990 = arith.constant 7 : i32
    %dma_wait3A_991 = arith.constant 0 : i32
    %dma_wait3A_992 = arith.constant 0 : i32
    %dma_wait3A_993 = tpu.memref_slice %arg11[%dma_wait3A_990, %dma_wait3A_991, %dma_wait3A_992] : memref<16x8x128xf32, #tpu.memory_space<vmem>> -> memref<1x8x128xf32, #tpu.memory_space<vmem>>
    %dma_wait3A_994 = tpu.memref_squeeze %dma_wait3A_993 : memref<1x8x128xf32, #tpu.memory_space<vmem>> -> memref<8x128xf32, #tpu.memory_space<vmem>>
    %dma_wait3A_995 = tpu.memref_slice %arg3[%dma_wait3A_989, %multiple_of3A, %multiple_of3A_354] : memref<9x64x100000xf32, #tpu.memory_space<hbm>> -> memref<1x8x128xf32, #tpu.memory_space<hbm>>
    %dma_wait3A_996 = tpu.memref_squeeze %dma_wait3A_995 : memref<1x8x128xf32, #tpu.memory_space<hbm>> -> memref<8x128xf32, #tpu.memory_space<hbm>>
    %dma_wait3A_997 = arith.constant 0 : i32
    %dma_wait3A_998 = arith.constant 0 : i32
    %dma_wait3A_999 = tpu.memref_slice %arg11[%dma_wait3A_990, %dma_wait3A_997, %dma_wait3A_998] : memref<16x8x128xf32, #tpu.memory_space<vmem>> -> memref<1x8x128xf32, #tpu.memory_space<vmem>>
    %dma_wait3A_1000 = tpu.memref_squeeze %dma_wait3A_999 : memref<1x8x128xf32, #tpu.memory_space<vmem>> -> memref<8x128xf32, #tpu.memory_space<vmem>>
    %dma_wait3A_1001 = tpu.memref_slice %arg3[%dma_wait3A_989, %multiple_of3A, %multiple_of3A_354] : memref<9x64x100000xf32, #tpu.memory_space<hbm>> -> memref<1x8x128xf32, #tpu.memory_space<hbm>>
    %dma_wait3A_1002 = tpu.memref_squeeze %dma_wait3A_1001 : memref<1x8x128xf32, #tpu.memory_space<hbm>> -> memref<8x128xf32, #tpu.memory_space<hbm>>
    tpu.wait_dma2 semaphore(%arg15 : memref<!tpu.dma_semaphore, #tpu.memory_space<semaphore_mem>>) src(%dma_wait3A_1002 : memref<8x128xf32, #tpu.memory_space<hbm>>) dst(%dma_wait3A_1000 : memref<8x128xf32, #tpu.memory_space<vmem>>)
    %dma_wait3A_1003 = arith.constant 8 : i32
    %dma_wait3A_1004 = arith.constant 0 : i32
    %dma_wait3A_1005 = arith.constant 0 : i32
    %dma_wait3A_1006 = tpu.memref_slice %arg10[%dma_wait3A_1003, %dma_wait3A_1004, %dma_wait3A_1005] : memref<16x8x128xf32, #tpu.memory_space<vmem>> -> memref<1x8x128xf32, #tpu.memory_space<vmem>>
    %dma_wait3A_1007 = tpu.memref_squeeze %dma_wait3A_1006 : memref<1x8x128xf32, #tpu.memory_space<vmem>> -> memref<8x128xf32, #tpu.memory_space<vmem>>
    %dma_wait3A_1008 = arith.constant 0 : i32
    %dma_wait3A_1009 = tpu.memref_slice %arg2[%add3A_406, %dma_wait3A_1008, %multiple_of3A_402] : memref<64x8x100000xf32, #tpu.memory_space<hbm>> -> memref<1x8x128xf32, #tpu.memory_space<hbm>>
    %dma_wait3A_1010 = tpu.memref_squeeze %dma_wait3A_1009 : memref<1x8x128xf32, #tpu.memory_space<hbm>> -> memref<8x128xf32, #tpu.memory_space<hbm>>
    %dma_wait3A_1011 = arith.constant 0 : i32
    %dma_wait3A_1012 = arith.constant 0 : i32
    %dma_wait3A_1013 = tpu.memref_slice %arg10[%dma_wait3A_1003, %dma_wait3A_1011, %dma_wait3A_1012] : memref<16x8x128xf32, #tpu.memory_space<vmem>> -> memref<1x8x128xf32, #tpu.memory_space<vmem>>
    %dma_wait3A_1014 = tpu.memref_squeeze %dma_wait3A_1013 : memref<1x8x128xf32, #tpu.memory_space<vmem>> -> memref<8x128xf32, #tpu.memory_space<vmem>>
    %dma_wait3A_1015 = arith.constant 0 : i32
    %dma_wait3A_1016 = tpu.memref_slice %arg2[%add3A_406, %dma_wait3A_1015, %multiple_of3A_402] : memref<64x8x100000xf32, #tpu.memory_space<hbm>> -> memref<1x8x128xf32, #tpu.memory_space<hbm>>
    %dma_wait3A_1017 = tpu.memref_squeeze %dma_wait3A_1016 : memref<1x8x128xf32, #tpu.memory_space<hbm>> -> memref<8x128xf32, #tpu.memory_space<hbm>>
    tpu.wait_dma2 semaphore(%arg14 : memref<!tpu.dma_semaphore, #tpu.memory_space<semaphore_mem>>) src(%dma_wait3A_1017 : memref<8x128xf32, #tpu.memory_space<hbm>>) dst(%dma_wait3A_1014 : memref<8x128xf32, #tpu.memory_space<vmem>>)
    %dma_wait3A_1018 = arith.constant 0 : i32
    %dma_wait3A_1019 = arith.constant 8 : i32
    %dma_wait3A_1020 = arith.constant 0 : i32
    %dma_wait3A_1021 = arith.constant 0 : i32
    %dma_wait3A_1022 = tpu.memref_slice %arg11[%dma_wait3A_1019, %dma_wait3A_1020, %dma_wait3A_1021] : memref<16x8x128xf32, #tpu.memory_space<vmem>> -> memref<1x8x128xf32, #tpu.memory_space<vmem>>
    %dma_wait3A_1023 = tpu.memref_squeeze %dma_wait3A_1022 : memref<1x8x128xf32, #tpu.memory_space<vmem>> -> memref<8x128xf32, #tpu.memory_space<vmem>>
    %dma_wait3A_1024 = tpu.memref_slice %arg3[%dma_wait3A_1018, %multiple_of3A, %multiple_of3A_402] : memref<9x64x100000xf32, #tpu.memory_space<hbm>> -> memref<1x8x128xf32, #tpu.memory_space<hbm>>
    %dma_wait3A_1025 = tpu.memref_squeeze %dma_wait3A_1024 : memref<1x8x128xf32, #tpu.memory_space<hbm>> -> memref<8x128xf32, #tpu.memory_space<hbm>>
    %dma_wait3A_1026 = arith.constant 0 : i32
    %dma_wait3A_1027 = arith.constant 0 : i32
    %dma_wait3A_1028 = tpu.memref_slice %arg11[%dma_wait3A_1019, %dma_wait3A_1026, %dma_wait3A_1027] : memref<16x8x128xf32, #tpu.memory_space<vmem>> -> memref<1x8x128xf32, #tpu.memory_space<vmem>>
    %dma_wait3A_1029 = tpu.memref_squeeze %dma_wait3A_1028 : memref<1x8x128xf32, #tpu.memory_space<vmem>> -> memref<8x128xf32, #tpu.memory_space<vmem>>
    %dma_wait3A_1030 = tpu.memref_slice %arg3[%dma_wait3A_1018, %multiple_of3A, %multiple_of3A_402] : memref<9x64x100000xf32, #tpu.memory_space<hbm>> -> memref<1x8x128xf32, #tpu.memory_space<hbm>>
    %dma_wait3A_1031 = tpu.memref_squeeze %dma_wait3A_1030 : memref<1x8x128xf32, #tpu.memory_space<hbm>> -> memref<8x128xf32, #tpu.memory_space<hbm>>
    tpu.wait_dma2 semaphore(%arg15 : memref<!tpu.dma_semaphore, #tpu.memory_space<semaphore_mem>>) src(%dma_wait3A_1031 : memref<8x128xf32, #tpu.memory_space<hbm>>) dst(%dma_wait3A_1029 : memref<8x128xf32, #tpu.memory_space<vmem>>)
    %dma_wait3A_1032 = arith.constant 9 : i32
    %dma_wait3A_1033 = arith.constant 0 : i32
    %dma_wait3A_1034 = arith.constant 0 : i32
    %dma_wait3A_1035 = tpu.memref_slice %arg10[%dma_wait3A_1032, %dma_wait3A_1033, %dma_wait3A_1034] : memref<16x8x128xf32, #tpu.memory_space<vmem>> -> memref<1x8x128xf32, #tpu.memory_space<vmem>>
    %dma_wait3A_1036 = tpu.memref_squeeze %dma_wait3A_1035 : memref<1x8x128xf32, #tpu.memory_space<vmem>> -> memref<8x128xf32, #tpu.memory_space<vmem>>
    %dma_wait3A_1037 = arith.constant 0 : i32
    %dma_wait3A_1038 = tpu.memref_slice %arg2[%add3A_454, %dma_wait3A_1037, %multiple_of3A_450] : memref<64x8x100000xf32, #tpu.memory_space<hbm>> -> memref<1x8x128xf32, #tpu.memory_space<hbm>>
    %dma_wait3A_1039 = tpu.memref_squeeze %dma_wait3A_1038 : memref<1x8x128xf32, #tpu.memory_space<hbm>> -> memref<8x128xf32, #tpu.memory_space<hbm>>
    %dma_wait3A_1040 = arith.constant 0 : i32
    %dma_wait3A_1041 = arith.constant 0 : i32
    %dma_wait3A_1042 = tpu.memref_slice %arg10[%dma_wait3A_1032, %dma_wait3A_1040, %dma_wait3A_1041] : memref<16x8x128xf32, #tpu.memory_space<vmem>> -> memref<1x8x128xf32, #tpu.memory_space<vmem>>
    %dma_wait3A_1043 = tpu.memref_squeeze %dma_wait3A_1042 : memref<1x8x128xf32, #tpu.memory_space<vmem>> -> memref<8x128xf32, #tpu.memory_space<vmem>>
    %dma_wait3A_1044 = arith.constant 0 : i32
    %dma_wait3A_1045 = tpu.memref_slice %arg2[%add3A_454, %dma_wait3A_1044, %multiple_of3A_450] : memref<64x8x100000xf32, #tpu.memory_space<hbm>> -> memref<1x8x128xf32, #tpu.memory_space<hbm>>
    %dma_wait3A_1046 = tpu.memref_squeeze %dma_wait3A_1045 : memref<1x8x128xf32, #tpu.memory_space<hbm>> -> memref<8x128xf32, #tpu.memory_space<hbm>>
    tpu.wait_dma2 semaphore(%arg14 : memref<!tpu.dma_semaphore, #tpu.memory_space<semaphore_mem>>) src(%dma_wait3A_1046 : memref<8x128xf32, #tpu.memory_space<hbm>>) dst(%dma_wait3A_1043 : memref<8x128xf32, #tpu.memory_space<vmem>>)
    %dma_wait3A_1047 = arith.constant 1 : i32
    %dma_wait3A_1048 = arith.constant 9 : i32
    %dma_wait3A_1049 = arith.constant 0 : i32
    %dma_wait3A_1050 = arith.constant 0 : i32
    %dma_wait3A_1051 = tpu.memref_slice %arg11[%dma_wait3A_1048, %dma_wait3A_1049, %dma_wait3A_1050] : memref<16x8x128xf32, #tpu.memory_space<vmem>> -> memref<1x8x128xf32, #tpu.memory_space<vmem>>
    %dma_wait3A_1052 = tpu.memref_squeeze %dma_wait3A_1051 : memref<1x8x128xf32, #tpu.memory_space<vmem>> -> memref<8x128xf32, #tpu.memory_space<vmem>>
    %dma_wait3A_1053 = tpu.memref_slice %arg3[%dma_wait3A_1047, %multiple_of3A, %multiple_of3A_450] : memref<9x64x100000xf32, #tpu.memory_space<hbm>> -> memref<1x8x128xf32, #tpu.memory_space<hbm>>
    %dma_wait3A_1054 = tpu.memref_squeeze %dma_wait3A_1053 : memref<1x8x128xf32, #tpu.memory_space<hbm>> -> memref<8x128xf32, #tpu.memory_space<hbm>>
    %dma_wait3A_1055 = arith.constant 0 : i32
    %dma_wait3A_1056 = arith.constant 0 : i32
    %dma_wait3A_1057 = tpu.memref_slice %arg11[%dma_wait3A_1048, %dma_wait3A_1055, %dma_wait3A_1056] : memref<16x8x128xf32, #tpu.memory_space<vmem>> -> memref<1x8x128xf32, #tpu.memory_space<vmem>>
    %dma_wait3A_1058 = tpu.memref_squeeze %dma_wait3A_1057 : memref<1x8x128xf32, #tpu.memory_space<vmem>> -> memref<8x128xf32, #tpu.memory_space<vmem>>
    %dma_wait3A_1059 = tpu.memref_slice %arg3[%dma_wait3A_1047, %multiple_of3A, %multiple_of3A_450] : memref<9x64x100000xf32, #tpu.memory_space<hbm>> -> memref<1x8x128xf32, #tpu.memory_space<hbm>>
    %dma_wait3A_1060 = tpu.memref_squeeze %dma_wait3A_1059 : memref<1x8x128xf32, #tpu.memory_space<hbm>> -> memref<8x128xf32, #tpu.memory_space<hbm>>
    tpu.wait_dma2 semaphore(%arg15 : memref<!tpu.dma_semaphore, #tpu.memory_space<semaphore_mem>>) src(%dma_wait3A_1060 : memref<8x128xf32, #tpu.memory_space<hbm>>) dst(%dma_wait3A_1058 : memref<8x128xf32, #tpu.memory_space<vmem>>)
    %dma_wait3A_1061 = arith.constant 10 : i32
    %dma_wait3A_1062 = arith.constant 0 : i32
    %dma_wait3A_1063 = arith.constant 0 : i32
    %dma_wait3A_1064 = tpu.memref_slice %arg10[%dma_wait3A_1061, %dma_wait3A_1062, %dma_wait3A_1063] : memref<16x8x128xf32, #tpu.memory_space<vmem>> -> memref<1x8x128xf32, #tpu.memory_space<vmem>>
    %dma_wait3A_1065 = tpu.memref_squeeze %dma_wait3A_1064 : memref<1x8x128xf32, #tpu.memory_space<vmem>> -> memref<8x128xf32, #tpu.memory_space<vmem>>
    %dma_wait3A_1066 = arith.constant 0 : i32
    %dma_wait3A_1067 = tpu.memref_slice %arg2[%add3A_502, %dma_wait3A_1066, %multiple_of3A_498] : memref<64x8x100000xf32, #tpu.memory_space<hbm>> -> memref<1x8x128xf32, #tpu.memory_space<hbm>>
    %dma_wait3A_1068 = tpu.memref_squeeze %dma_wait3A_1067 : memref<1x8x128xf32, #tpu.memory_space<hbm>> -> memref<8x128xf32, #tpu.memory_space<hbm>>
    %dma_wait3A_1069 = arith.constant 0 : i32
    %dma_wait3A_1070 = arith.constant 0 : i32
    %dma_wait3A_1071 = tpu.memref_slice %arg10[%dma_wait3A_1061, %dma_wait3A_1069, %dma_wait3A_1070] : memref<16x8x128xf32, #tpu.memory_space<vmem>> -> memref<1x8x128xf32, #tpu.memory_space<vmem>>
    %dma_wait3A_1072 = tpu.memref_squeeze %dma_wait3A_1071 : memref<1x8x128xf32, #tpu.memory_space<vmem>> -> memref<8x128xf32, #tpu.memory_space<vmem>>
    %dma_wait3A_1073 = arith.constant 0 : i32
    %dma_wait3A_1074 = tpu.memref_slice %arg2[%add3A_502, %dma_wait3A_1073, %multiple_of3A_498] : memref<64x8x100000xf32, #tpu.memory_space<hbm>> -> memref<1x8x128xf32, #tpu.memory_space<hbm>>
    %dma_wait3A_1075 = tpu.memref_squeeze %dma_wait3A_1074 : memref<1x8x128xf32, #tpu.memory_space<hbm>> -> memref<8x128xf32, #tpu.memory_space<hbm>>
    tpu.wait_dma2 semaphore(%arg14 : memref<!tpu.dma_semaphore, #tpu.memory_space<semaphore_mem>>) src(%dma_wait3A_1075 : memref<8x128xf32, #tpu.memory_space<hbm>>) dst(%dma_wait3A_1072 : memref<8x128xf32, #tpu.memory_space<vmem>>)
    %dma_wait3A_1076 = arith.constant 2 : i32
    %dma_wait3A_1077 = arith.constant 10 : i32
    %dma_wait3A_1078 = arith.constant 0 : i32
    %dma_wait3A_1079 = arith.constant 0 : i32
    %dma_wait3A_1080 = tpu.memref_slice %arg11[%dma_wait3A_1077, %dma_wait3A_1078, %dma_wait3A_1079] : memref<16x8x128xf32, #tpu.memory_space<vmem>> -> memref<1x8x128xf32, #tpu.memory_space<vmem>>
    %dma_wait3A_1081 = tpu.memref_squeeze %dma_wait3A_1080 : memref<1x8x128xf32, #tpu.memory_space<vmem>> -> memref<8x128xf32, #tpu.memory_space<vmem>>
    %dma_wait3A_1082 = tpu.memref_slice %arg3[%dma_wait3A_1076, %multiple_of3A, %multiple_of3A_498] : memref<9x64x100000xf32, #tpu.memory_space<hbm>> -> memref<1x8x128xf32, #tpu.memory_space<hbm>>
    %dma_wait3A_1083 = tpu.memref_squeeze %dma_wait3A_1082 : memref<1x8x128xf32, #tpu.memory_space<hbm>> -> memref<8x128xf32, #tpu.memory_space<hbm>>
    %dma_wait3A_1084 = arith.constant 0 : i32
    %dma_wait3A_1085 = arith.constant 0 : i32
    %dma_wait3A_1086 = tpu.memref_slice %arg11[%dma_wait3A_1077, %dma_wait3A_1084, %dma_wait3A_1085] : memref<16x8x128xf32, #tpu.memory_space<vmem>> -> memref<1x8x128xf32, #tpu.memory_space<vmem>>
    %dma_wait3A_1087 = tpu.memref_squeeze %dma_wait3A_1086 : memref<1x8x128xf32, #tpu.memory_space<vmem>> -> memref<8x128xf32, #tpu.memory_space<vmem>>
    %dma_wait3A_1088 = tpu.memref_slice %arg3[%dma_wait3A_1076, %multiple_of3A, %multiple_of3A_498] : memref<9x64x100000xf32, #tpu.memory_space<hbm>> -> memref<1x8x128xf32, #tpu.memory_space<hbm>>
    %dma_wait3A_1089 = tpu.memref_squeeze %dma_wait3A_1088 : memref<1x8x128xf32, #tpu.memory_space<hbm>> -> memref<8x128xf32, #tpu.memory_space<hbm>>
    tpu.wait_dma2 semaphore(%arg15 : memref<!tpu.dma_semaphore, #tpu.memory_space<semaphore_mem>>) src(%dma_wait3A_1089 : memref<8x128xf32, #tpu.memory_space<hbm>>) dst(%dma_wait3A_1087 : memref<8x128xf32, #tpu.memory_space<vmem>>)
    %dma_wait3A_1090 = arith.constant 11 : i32
    %dma_wait3A_1091 = arith.constant 0 : i32
    %dma_wait3A_1092 = arith.constant 0 : i32
    %dma_wait3A_1093 = tpu.memref_slice %arg10[%dma_wait3A_1090, %dma_wait3A_1091, %dma_wait3A_1092] : memref<16x8x128xf32, #tpu.memory_space<vmem>> -> memref<1x8x128xf32, #tpu.memory_space<vmem>>
    %dma_wait3A_1094 = tpu.memref_squeeze %dma_wait3A_1093 : memref<1x8x128xf32, #tpu.memory_space<vmem>> -> memref<8x128xf32, #tpu.memory_space<vmem>>
    %dma_wait3A_1095 = arith.constant 0 : i32
    %dma_wait3A_1096 = tpu.memref_slice %arg2[%add3A_550, %dma_wait3A_1095, %multiple_of3A_546] : memref<64x8x100000xf32, #tpu.memory_space<hbm>> -> memref<1x8x128xf32, #tpu.memory_space<hbm>>
    %dma_wait3A_1097 = tpu.memref_squeeze %dma_wait3A_1096 : memref<1x8x128xf32, #tpu.memory_space<hbm>> -> memref<8x128xf32, #tpu.memory_space<hbm>>
    %dma_wait3A_1098 = arith.constant 0 : i32
    %dma_wait3A_1099 = arith.constant 0 : i32
    %dma_wait3A_1100 = tpu.memref_slice %arg10[%dma_wait3A_1090, %dma_wait3A_1098, %dma_wait3A_1099] : memref<16x8x128xf32, #tpu.memory_space<vmem>> -> memref<1x8x128xf32, #tpu.memory_space<vmem>>
    %dma_wait3A_1101 = tpu.memref_squeeze %dma_wait3A_1100 : memref<1x8x128xf32, #tpu.memory_space<vmem>> -> memref<8x128xf32, #tpu.memory_space<vmem>>
    %dma_wait3A_1102 = arith.constant 0 : i32
    %dma_wait3A_1103 = tpu.memref_slice %arg2[%add3A_550, %dma_wait3A_1102, %multiple_of3A_546] : memref<64x8x100000xf32, #tpu.memory_space<hbm>> -> memref<1x8x128xf32, #tpu.memory_space<hbm>>
    %dma_wait3A_1104 = tpu.memref_squeeze %dma_wait3A_1103 : memref<1x8x128xf32, #tpu.memory_space<hbm>> -> memref<8x128xf32, #tpu.memory_space<hbm>>
    tpu.wait_dma2 semaphore(%arg14 : memref<!tpu.dma_semaphore, #tpu.memory_space<semaphore_mem>>) src(%dma_wait3A_1104 : memref<8x128xf32, #tpu.memory_space<hbm>>) dst(%dma_wait3A_1101 : memref<8x128xf32, #tpu.memory_space<vmem>>)
    %dma_wait3A_1105 = arith.constant 3 : i32
    %dma_wait3A_1106 = arith.constant 11 : i32
    %dma_wait3A_1107 = arith.constant 0 : i32
    %dma_wait3A_1108 = arith.constant 0 : i32
    %dma_wait3A_1109 = tpu.memref_slice %arg11[%dma_wait3A_1106, %dma_wait3A_1107, %dma_wait3A_1108] : memref<16x8x128xf32, #tpu.memory_space<vmem>> -> memref<1x8x128xf32, #tpu.memory_space<vmem>>
    %dma_wait3A_1110 = tpu.memref_squeeze %dma_wait3A_1109 : memref<1x8x128xf32, #tpu.memory_space<vmem>> -> memref<8x128xf32, #tpu.memory_space<vmem>>
    %dma_wait3A_1111 = tpu.memref_slice %arg3[%dma_wait3A_1105, %multiple_of3A, %multiple_of3A_546] : memref<9x64x100000xf32, #tpu.memory_space<hbm>> -> memref<1x8x128xf32, #tpu.memory_space<hbm>>
    %dma_wait3A_1112 = tpu.memref_squeeze %dma_wait3A_1111 : memref<1x8x128xf32, #tpu.memory_space<hbm>> -> memref<8x128xf32, #tpu.memory_space<hbm>>
    %dma_wait3A_1113 = arith.constant 0 : i32
    %dma_wait3A_1114 = arith.constant 0 : i32
    %dma_wait3A_1115 = tpu.memref_slice %arg11[%dma_wait3A_1106, %dma_wait3A_1113, %dma_wait3A_1114] : memref<16x8x128xf32, #tpu.memory_space<vmem>> -> memref<1x8x128xf32, #tpu.memory_space<vmem>>
    %dma_wait3A_1116 = tpu.memref_squeeze %dma_wait3A_1115 : memref<1x8x128xf32, #tpu.memory_space<vmem>> -> memref<8x128xf32, #tpu.memory_space<vmem>>
    %dma_wait3A_1117 = tpu.memref_slice %arg3[%dma_wait3A_1105, %multiple_of3A, %multiple_of3A_546] : memref<9x64x100000xf32, #tpu.memory_space<hbm>> -> memref<1x8x128xf32, #tpu.memory_space<hbm>>
    %dma_wait3A_1118 = tpu.memref_squeeze %dma_wait3A_1117 : memref<1x8x128xf32, #tpu.memory_space<hbm>> -> memref<8x128xf32, #tpu.memory_space<hbm>>
    tpu.wait_dma2 semaphore(%arg15 : memref<!tpu.dma_semaphore, #tpu.memory_space<semaphore_mem>>) src(%dma_wait3A_1118 : memref<8x128xf32, #tpu.memory_space<hbm>>) dst(%dma_wait3A_1116 : memref<8x128xf32, #tpu.memory_space<vmem>>)
    %dma_wait3A_1119 = arith.constant 12 : i32
    %dma_wait3A_1120 = arith.constant 0 : i32
    %dma_wait3A_1121 = arith.constant 0 : i32
    %dma_wait3A_1122 = tpu.memref_slice %arg10[%dma_wait3A_1119, %dma_wait3A_1120, %dma_wait3A_1121] : memref<16x8x128xf32, #tpu.memory_space<vmem>> -> memref<1x8x128xf32, #tpu.memory_space<vmem>>
    %dma_wait3A_1123 = tpu.memref_squeeze %dma_wait3A_1122 : memref<1x8x128xf32, #tpu.memory_space<vmem>> -> memref<8x128xf32, #tpu.memory_space<vmem>>
    %dma_wait3A_1124 = arith.constant 0 : i32
    %dma_wait3A_1125 = tpu.memref_slice %arg2[%add3A_598, %dma_wait3A_1124, %multiple_of3A_594] : memref<64x8x100000xf32, #tpu.memory_space<hbm>> -> memref<1x8x128xf32, #tpu.memory_space<hbm>>
    %dma_wait3A_1126 = tpu.memref_squeeze %dma_wait3A_1125 : memref<1x8x128xf32, #tpu.memory_space<hbm>> -> memref<8x128xf32, #tpu.memory_space<hbm>>
    %dma_wait3A_1127 = arith.constant 0 : i32
    %dma_wait3A_1128 = arith.constant 0 : i32
    %dma_wait3A_1129 = tpu.memref_slice %arg10[%dma_wait3A_1119, %dma_wait3A_1127, %dma_wait3A_1128] : memref<16x8x128xf32, #tpu.memory_space<vmem>> -> memref<1x8x128xf32, #tpu.memory_space<vmem>>
    %dma_wait3A_1130 = tpu.memref_squeeze %dma_wait3A_1129 : memref<1x8x128xf32, #tpu.memory_space<vmem>> -> memref<8x128xf32, #tpu.memory_space<vmem>>
    %dma_wait3A_1131 = arith.constant 0 : i32
    %dma_wait3A_1132 = tpu.memref_slice %arg2[%add3A_598, %dma_wait3A_1131, %multiple_of3A_594] : memref<64x8x100000xf32, #tpu.memory_space<hbm>> -> memref<1x8x128xf32, #tpu.memory_space<hbm>>
    %dma_wait3A_1133 = tpu.memref_squeeze %dma_wait3A_1132 : memref<1x8x128xf32, #tpu.memory_space<hbm>> -> memref<8x128xf32, #tpu.memory_space<hbm>>
    tpu.wait_dma2 semaphore(%arg14 : memref<!tpu.dma_semaphore, #tpu.memory_space<semaphore_mem>>) src(%dma_wait3A_1133 : memref<8x128xf32, #tpu.memory_space<hbm>>) dst(%dma_wait3A_1130 : memref<8x128xf32, #tpu.memory_space<vmem>>)
    %dma_wait3A_1134 = arith.constant 4 : i32
    %dma_wait3A_1135 = arith.constant 12 : i32
    %dma_wait3A_1136 = arith.constant 0 : i32
    %dma_wait3A_1137 = arith.constant 0 : i32
    %dma_wait3A_1138 = tpu.memref_slice %arg11[%dma_wait3A_1135, %dma_wait3A_1136, %dma_wait3A_1137] : memref<16x8x128xf32, #tpu.memory_space<vmem>> -> memref<1x8x128xf32, #tpu.memory_space<vmem>>
    %dma_wait3A_1139 = tpu.memref_squeeze %dma_wait3A_1138 : memref<1x8x128xf32, #tpu.memory_space<vmem>> -> memref<8x128xf32, #tpu.memory_space<vmem>>
    %dma_wait3A_1140 = tpu.memref_slice %arg3[%dma_wait3A_1134, %multiple_of3A, %multiple_of3A_594] : memref<9x64x100000xf32, #tpu.memory_space<hbm>> -> memref<1x8x128xf32, #tpu.memory_space<hbm>>
    %dma_wait3A_1141 = tpu.memref_squeeze %dma_wait3A_1140 : memref<1x8x128xf32, #tpu.memory_space<hbm>> -> memref<8x128xf32, #tpu.memory_space<hbm>>
    %dma_wait3A_1142 = arith.constant 0 : i32
    %dma_wait3A_1143 = arith.constant 0 : i32
    %dma_wait3A_1144 = tpu.memref_slice %arg11[%dma_wait3A_1135, %dma_wait3A_1142, %dma_wait3A_1143] : memref<16x8x128xf32, #tpu.memory_space<vmem>> -> memref<1x8x128xf32, #tpu.memory_space<vmem>>
    %dma_wait3A_1145 = tpu.memref_squeeze %dma_wait3A_1144 : memref<1x8x128xf32, #tpu.memory_space<vmem>> -> memref<8x128xf32, #tpu.memory_space<vmem>>
    %dma_wait3A_1146 = tpu.memref_slice %arg3[%dma_wait3A_1134, %multiple_of3A, %multiple_of3A_594] : memref<9x64x100000xf32, #tpu.memory_space<hbm>> -> memref<1x8x128xf32, #tpu.memory_space<hbm>>
    %dma_wait3A_1147 = tpu.memref_squeeze %dma_wait3A_1146 : memref<1x8x128xf32, #tpu.memory_space<hbm>> -> memref<8x128xf32, #tpu.memory_space<hbm>>
    tpu.wait_dma2 semaphore(%arg15 : memref<!tpu.dma_semaphore, #tpu.memory_space<semaphore_mem>>) src(%dma_wait3A_1147 : memref<8x128xf32, #tpu.memory_space<hbm>>) dst(%dma_wait3A_1145 : memref<8x128xf32, #tpu.memory_space<vmem>>)
    %dma_wait3A_1148 = arith.constant 13 : i32
    %dma_wait3A_1149 = arith.constant 0 : i32
    %dma_wait3A_1150 = arith.constant 0 : i32
    %dma_wait3A_1151 = tpu.memref_slice %arg10[%dma_wait3A_1148, %dma_wait3A_1149, %dma_wait3A_1150] : memref<16x8x128xf32, #tpu.memory_space<vmem>> -> memref<1x8x128xf32, #tpu.memory_space<vmem>>
    %dma_wait3A_1152 = tpu.memref_squeeze %dma_wait3A_1151 : memref<1x8x128xf32, #tpu.memory_space<vmem>> -> memref<8x128xf32, #tpu.memory_space<vmem>>
    %dma_wait3A_1153 = arith.constant 0 : i32
    %dma_wait3A_1154 = tpu.memref_slice %arg2[%add3A_646, %dma_wait3A_1153, %multiple_of3A_642] : memref<64x8x100000xf32, #tpu.memory_space<hbm>> -> memref<1x8x128xf32, #tpu.memory_space<hbm>>
    %dma_wait3A_1155 = tpu.memref_squeeze %dma_wait3A_1154 : memref<1x8x128xf32, #tpu.memory_space<hbm>> -> memref<8x128xf32, #tpu.memory_space<hbm>>
    %dma_wait3A_1156 = arith.constant 0 : i32
    %dma_wait3A_1157 = arith.constant 0 : i32
    %dma_wait3A_1158 = tpu.memref_slice %arg10[%dma_wait3A_1148, %dma_wait3A_1156, %dma_wait3A_1157] : memref<16x8x128xf32, #tpu.memory_space<vmem>> -> memref<1x8x128xf32, #tpu.memory_space<vmem>>
    %dma_wait3A_1159 = tpu.memref_squeeze %dma_wait3A_1158 : memref<1x8x128xf32, #tpu.memory_space<vmem>> -> memref<8x128xf32, #tpu.memory_space<vmem>>
    %dma_wait3A_1160 = arith.constant 0 : i32
    %dma_wait3A_1161 = tpu.memref_slice %arg2[%add3A_646, %dma_wait3A_1160, %multiple_of3A_642] : memref<64x8x100000xf32, #tpu.memory_space<hbm>> -> memref<1x8x128xf32, #tpu.memory_space<hbm>>
    %dma_wait3A_1162 = tpu.memref_squeeze %dma_wait3A_1161 : memref<1x8x128xf32, #tpu.memory_space<hbm>> -> memref<8x128xf32, #tpu.memory_space<hbm>>
    tpu.wait_dma2 semaphore(%arg14 : memref<!tpu.dma_semaphore, #tpu.memory_space<semaphore_mem>>) src(%dma_wait3A_1162 : memref<8x128xf32, #tpu.memory_space<hbm>>) dst(%dma_wait3A_1159 : memref<8x128xf32, #tpu.memory_space<vmem>>)
    %dma_wait3A_1163 = arith.constant 5 : i32
    %dma_wait3A_1164 = arith.constant 13 : i32
    %dma_wait3A_1165 = arith.constant 0 : i32
    %dma_wait3A_1166 = arith.constant 0 : i32
    %dma_wait3A_1167 = tpu.memref_slice %arg11[%dma_wait3A_1164, %dma_wait3A_1165, %dma_wait3A_1166] : memref<16x8x128xf32, #tpu.memory_space<vmem>> -> memref<1x8x128xf32, #tpu.memory_space<vmem>>
    %dma_wait3A_1168 = tpu.memref_squeeze %dma_wait3A_1167 : memref<1x8x128xf32, #tpu.memory_space<vmem>> -> memref<8x128xf32, #tpu.memory_space<vmem>>
    %dma_wait3A_1169 = tpu.memref_slice %arg3[%dma_wait3A_1163, %multiple_of3A, %multiple_of3A_642] : memref<9x64x100000xf32, #tpu.memory_space<hbm>> -> memref<1x8x128xf32, #tpu.memory_space<hbm>>
    %dma_wait3A_1170 = tpu.memref_squeeze %dma_wait3A_1169 : memref<1x8x128xf32, #tpu.memory_space<hbm>> -> memref<8x128xf32, #tpu.memory_space<hbm>>
    %dma_wait3A_1171 = arith.constant 0 : i32
    %dma_wait3A_1172 = arith.constant 0 : i32
    %dma_wait3A_1173 = tpu.memref_slice %arg11[%dma_wait3A_1164, %dma_wait3A_1171, %dma_wait3A_1172] : memref<16x8x128xf32, #tpu.memory_space<vmem>> -> memref<1x8x128xf32, #tpu.memory_space<vmem>>
    %dma_wait3A_1174 = tpu.memref_squeeze %dma_wait3A_1173 : memref<1x8x128xf32, #tpu.memory_space<vmem>> -> memref<8x128xf32, #tpu.memory_space<vmem>>
    %dma_wait3A_1175 = tpu.memref_slice %arg3[%dma_wait3A_1163, %multiple_of3A, %multiple_of3A_642] : memref<9x64x100000xf32, #tpu.memory_space<hbm>> -> memref<1x8x128xf32, #tpu.memory_space<hbm>>
    %dma_wait3A_1176 = tpu.memref_squeeze %dma_wait3A_1175 : memref<1x8x128xf32, #tpu.memory_space<hbm>> -> memref<8x128xf32, #tpu.memory_space<hbm>>
    tpu.wait_dma2 semaphore(%arg15 : memref<!tpu.dma_semaphore, #tpu.memory_space<semaphore_mem>>) src(%dma_wait3A_1176 : memref<8x128xf32, #tpu.memory_space<hbm>>) dst(%dma_wait3A_1174 : memref<8x128xf32, #tpu.memory_space<vmem>>)
    %dma_wait3A_1177 = arith.constant 14 : i32
    %dma_wait3A_1178 = arith.constant 0 : i32
    %dma_wait3A_1179 = arith.constant 0 : i32
    %dma_wait3A_1180 = tpu.memref_slice %arg10[%dma_wait3A_1177, %dma_wait3A_1178, %dma_wait3A_1179] : memref<16x8x128xf32, #tpu.memory_space<vmem>> -> memref<1x8x128xf32, #tpu.memory_space<vmem>>
    %dma_wait3A_1181 = tpu.memref_squeeze %dma_wait3A_1180 : memref<1x8x128xf32, #tpu.memory_space<vmem>> -> memref<8x128xf32, #tpu.memory_space<vmem>>
    %dma_wait3A_1182 = arith.constant 0 : i32
    %dma_wait3A_1183 = tpu.memref_slice %arg2[%add3A_694, %dma_wait3A_1182, %multiple_of3A_690] : memref<64x8x100000xf32, #tpu.memory_space<hbm>> -> memref<1x8x128xf32, #tpu.memory_space<hbm>>
    %dma_wait3A_1184 = tpu.memref_squeeze %dma_wait3A_1183 : memref<1x8x128xf32, #tpu.memory_space<hbm>> -> memref<8x128xf32, #tpu.memory_space<hbm>>
    %dma_wait3A_1185 = arith.constant 0 : i32
    %dma_wait3A_1186 = arith.constant 0 : i32
    %dma_wait3A_1187 = tpu.memref_slice %arg10[%dma_wait3A_1177, %dma_wait3A_1185, %dma_wait3A_1186] : memref<16x8x128xf32, #tpu.memory_space<vmem>> -> memref<1x8x128xf32, #tpu.memory_space<vmem>>
    %dma_wait3A_1188 = tpu.memref_squeeze %dma_wait3A_1187 : memref<1x8x128xf32, #tpu.memory_space<vmem>> -> memref<8x128xf32, #tpu.memory_space<vmem>>
    %dma_wait3A_1189 = arith.constant 0 : i32
    %dma_wait3A_1190 = tpu.memref_slice %arg2[%add3A_694, %dma_wait3A_1189, %multiple_of3A_690] : memref<64x8x100000xf32, #tpu.memory_space<hbm>> -> memref<1x8x128xf32, #tpu.memory_space<hbm>>
    %dma_wait3A_1191 = tpu.memref_squeeze %dma_wait3A_1190 : memref<1x8x128xf32, #tpu.memory_space<hbm>> -> memref<8x128xf32, #tpu.memory_space<hbm>>
    tpu.wait_dma2 semaphore(%arg14 : memref<!tpu.dma_semaphore, #tpu.memory_space<semaphore_mem>>) src(%dma_wait3A_1191 : memref<8x128xf32, #tpu.memory_space<hbm>>) dst(%dma_wait3A_1188 : memref<8x128xf32, #tpu.memory_space<vmem>>)
    %dma_wait3A_1192 = arith.constant 6 : i32
    %dma_wait3A_1193 = arith.constant 14 : i32
    %dma_wait3A_1194 = arith.constant 0 : i32
    %dma_wait3A_1195 = arith.constant 0 : i32
    %dma_wait3A_1196 = tpu.memref_slice %arg11[%dma_wait3A_1193, %dma_wait3A_1194, %dma_wait3A_1195] : memref<16x8x128xf32, #tpu.memory_space<vmem>> -> memref<1x8x128xf32, #tpu.memory_space<vmem>>
    %dma_wait3A_1197 = tpu.memref_squeeze %dma_wait3A_1196 : memref<1x8x128xf32, #tpu.memory_space<vmem>> -> memref<8x128xf32, #tpu.memory_space<vmem>>
    %dma_wait3A_1198 = tpu.memref_slice %arg3[%dma_wait3A_1192, %multiple_of3A, %multiple_of3A_690] : memref<9x64x100000xf32, #tpu.memory_space<hbm>> -> memref<1x8x128xf32, #tpu.memory_space<hbm>>
    %dma_wait3A_1199 = tpu.memref_squeeze %dma_wait3A_1198 : memref<1x8x128xf32, #tpu.memory_space<hbm>> -> memref<8x128xf32, #tpu.memory_space<hbm>>
    %dma_wait3A_1200 = arith.constant 0 : i32
    %dma_wait3A_1201 = arith.constant 0 : i32
    %dma_wait3A_1202 = tpu.memref_slice %arg11[%dma_wait3A_1193, %dma_wait3A_1200, %dma_wait3A_1201] : memref<16x8x128xf32, #tpu.memory_space<vmem>> -> memref<1x8x128xf32, #tpu.memory_space<vmem>>
    %dma_wait3A_1203 = tpu.memref_squeeze %dma_wait3A_1202 : memref<1x8x128xf32, #tpu.memory_space<vmem>> -> memref<8x128xf32, #tpu.memory_space<vmem>>
    %dma_wait3A_1204 = tpu.memref_slice %arg3[%dma_wait3A_1192, %multiple_of3A, %multiple_of3A_690] : memref<9x64x100000xf32, #tpu.memory_space<hbm>> -> memref<1x8x128xf32, #tpu.memory_space<hbm>>
    %dma_wait3A_1205 = tpu.memref_squeeze %dma_wait3A_1204 : memref<1x8x128xf32, #tpu.memory_space<hbm>> -> memref<8x128xf32, #tpu.memory_space<hbm>>
    tpu.wait_dma2 semaphore(%arg15 : memref<!tpu.dma_semaphore, #tpu.memory_space<semaphore_mem>>) src(%dma_wait3A_1205 : memref<8x128xf32, #tpu.memory_space<hbm>>) dst(%dma_wait3A_1203 : memref<8x128xf32, #tpu.memory_space<vmem>>)
    %dma_wait3A_1206 = arith.constant 15 : i32
    %dma_wait3A_1207 = arith.constant 0 : i32
    %dma_wait3A_1208 = arith.constant 0 : i32
    %dma_wait3A_1209 = tpu.memref_slice %arg10[%dma_wait3A_1206, %dma_wait3A_1207, %dma_wait3A_1208] : memref<16x8x128xf32, #tpu.memory_space<vmem>> -> memref<1x8x128xf32, #tpu.memory_space<vmem>>
    %dma_wait3A_1210 = tpu.memref_squeeze %dma_wait3A_1209 : memref<1x8x128xf32, #tpu.memory_space<vmem>> -> memref<8x128xf32, #tpu.memory_space<vmem>>
    %dma_wait3A_1211 = arith.constant 0 : i32
    %dma_wait3A_1212 = tpu.memref_slice %arg2[%add3A_742, %dma_wait3A_1211, %multiple_of3A_738] : memref<64x8x100000xf32, #tpu.memory_space<hbm>> -> memref<1x8x128xf32, #tpu.memory_space<hbm>>
    %dma_wait3A_1213 = tpu.memref_squeeze %dma_wait3A_1212 : memref<1x8x128xf32, #tpu.memory_space<hbm>> -> memref<8x128xf32, #tpu.memory_space<hbm>>
    %dma_wait3A_1214 = arith.constant 0 : i32
    %dma_wait3A_1215 = arith.constant 0 : i32
    %dma_wait3A_1216 = tpu.memref_slice %arg10[%dma_wait3A_1206, %dma_wait3A_1214, %dma_wait3A_1215] : memref<16x8x128xf32, #tpu.memory_space<vmem>> -> memref<1x8x128xf32, #tpu.memory_space<vmem>>
    %dma_wait3A_1217 = tpu.memref_squeeze %dma_wait3A_1216 : memref<1x8x128xf32, #tpu.memory_space<vmem>> -> memref<8x128xf32, #tpu.memory_space<vmem>>
    %dma_wait3A_1218 = arith.constant 0 : i32
    %dma_wait3A_1219 = tpu.memref_slice %arg2[%add3A_742, %dma_wait3A_1218, %multiple_of3A_738] : memref<64x8x100000xf32, #tpu.memory_space<hbm>> -> memref<1x8x128xf32, #tpu.memory_space<hbm>>
    %dma_wait3A_1220 = tpu.memref_squeeze %dma_wait3A_1219 : memref<1x8x128xf32, #tpu.memory_space<hbm>> -> memref<8x128xf32, #tpu.memory_space<hbm>>
    tpu.wait_dma2 semaphore(%arg14 : memref<!tpu.dma_semaphore, #tpu.memory_space<semaphore_mem>>) src(%dma_wait3A_1220 : memref<8x128xf32, #tpu.memory_space<hbm>>) dst(%dma_wait3A_1217 : memref<8x128xf32, #tpu.memory_space<vmem>>)
    %dma_wait3A_1221 = arith.constant 7 : i32
    %dma_wait3A_1222 = arith.constant 15 : i32
    %dma_wait3A_1223 = arith.constant 0 : i32
    %dma_wait3A_1224 = arith.constant 0 : i32
    %dma_wait3A_1225 = tpu.memref_slice %arg11[%dma_wait3A_1222, %dma_wait3A_1223, %dma_wait3A_1224] : memref<16x8x128xf32, #tpu.memory_space<vmem>> -> memref<1x8x128xf32, #tpu.memory_space<vmem>>
    %dma_wait3A_1226 = tpu.memref_squeeze %dma_wait3A_1225 : memref<1x8x128xf32, #tpu.memory_space<vmem>> -> memref<8x128xf32, #tpu.memory_space<vmem>>
    %dma_wait3A_1227 = tpu.memref_slice %arg3[%dma_wait3A_1221, %multiple_of3A, %multiple_of3A_738] : memref<9x64x100000xf32, #tpu.memory_space<hbm>> -> memref<1x8x128xf32, #tpu.memory_space<hbm>>
    %dma_wait3A_1228 = tpu.memref_squeeze %dma_wait3A_1227 : memref<1x8x128xf32, #tpu.memory_space<hbm>> -> memref<8x128xf32, #tpu.memory_space<hbm>>
    %dma_wait3A_1229 = arith.constant 0 : i32
    %dma_wait3A_1230 = arith.constant 0 : i32
    %dma_wait3A_1231 = tpu.memref_slice %arg11[%dma_wait3A_1222, %dma_wait3A_1229, %dma_wait3A_1230] : memref<16x8x128xf32, #tpu.memory_space<vmem>> -> memref<1x8x128xf32, #tpu.memory_space<vmem>>
    %dma_wait3A_1232 = tpu.memref_squeeze %dma_wait3A_1231 : memref<1x8x128xf32, #tpu.memory_space<vmem>> -> memref<8x128xf32, #tpu.memory_space<vmem>>
    %dma_wait3A_1233 = tpu.memref_slice %arg3[%dma_wait3A_1221, %multiple_of3A, %multiple_of3A_738] : memref<9x64x100000xf32, #tpu.memory_space<hbm>> -> memref<1x8x128xf32, #tpu.memory_space<hbm>>
    %dma_wait3A_1234 = tpu.memref_squeeze %dma_wait3A_1233 : memref<1x8x128xf32, #tpu.memory_space<hbm>> -> memref<8x128xf32, #tpu.memory_space<hbm>>
    tpu.wait_dma2 semaphore(%arg15 : memref<!tpu.dma_semaphore, #tpu.memory_space<semaphore_mem>>) src(%dma_wait3A_1234 : memref<8x128xf32, #tpu.memory_space<hbm>>) dst(%dma_wait3A_1232 : memref<8x128xf32, #tpu.memory_space<vmem>>)
    %and3A_1235 = arith.constant 127 : i32
    %and3A_1236 = vector.broadcast %and3A_1235 : i32 to vector<16xi32>
    %and3A_1237 = arith.andi %get3A_3, %and3A_1236 : vector<16xi32>
    %rem3A = arith.constant 8 : i32
    %rem3A_1238 = vector.broadcast %rem3A : i32 to vector<16xi32>
    %rem3A_1239 = arith.remsi %iota3A, %rem3A_1238 : vector<16xi32>
    %mul3A_1240 = arith.constant 2 : i32
    %mul3A_1241 = arith.muli %mul3A_1240, %add3A : i32
    %rem3A_1242 = arith.constant 8 : i32
    %rem3A_1243 = arith.remsi %mul3A_1241, %rem3A_1242 : i32
    %div3A = arith.constant 8 : i32
    %div3A_1244 = vector.broadcast %div3A : i32 to vector<16xi32>
    %div3A_1245 = arith.divsi %iota3A, %div3A_1244 : vector<16xi32>
    %add3A_1246 = vector.broadcast %rem3A_1243 : i32 to vector<16xi32>
    %add3A_1247 = arith.addi %add3A_1246, %div3A_1245 : vector<16xi32>
    %gather3A = tpu.vector_load_idx %arg10[%iota3A, %rem3A_1239, %and3A_1237] : memref<16x8x128xf32, #tpu.memory_space<vmem>>[vector<16xi32>, vector<16xi32>, vector<16xi32>], vector<16xf32>,
    %gather3A_1248 = tpu.vector_load_idx %arg11[%iota3A, %add3A_1247, %and3A_1237] : memref<16x8x128xf32, #tpu.memory_space<vmem>>[vector<16xi32>, vector<16xi32>, vector<16xi32>], vector<16xf32>,
    %get3A_1249 = arith.constant 0 : index
    %get3A_1250 = tpu.vector_load %arg9[%get3A_1249] {strides = array<i32>} : memref<16xf32, #tpu.memory_space<vmem>>, vector<16xf32>,
    %max3A = arith.constant 1.000000e-10 : f32
    %max3A_1251 = vector.broadcast %max3A : f32 to vector<16xf32>
    %max3A_1252 = arith.maximumf %gather3A, %max3A_1251 : vector<16xf32>
    %div3A_1253 = arith.divf %gather3A_1248, %max3A_1252 : vector<16xf32>
    %lt3A = arith.cmpf olt, %get3A_1250, %div3A_1253 : vector<16xf32>
    %jit3A_1254 = arith.constant 1 : i32
    %jit3A_1255 = arith.constant 0 : i32
    %broadcast_in_dim3A_1256 = vector.broadcast %jit3A_1254 : i32 to vector<16xi32>
    %broadcast_in_dim3A_1257 = vector.broadcast %jit3A_1255 : i32 to vector<16xi32>
    %select_n3A_1258 = arith.select %lt3A, %broadcast_in_dim3A_1256, %broadcast_in_dim3A_1257 : vector<16xi1>, vector<16xi32>
    %rem3A_1259 = arith.constant 8 : i32
    %rem3A_1260 = vector.broadcast %rem3A_1259 : i32 to vector<16xi32>
    %rem3A_1261 = arith.remsi %iota3A, %rem3A_1260 : vector<16xi32>
    %jit3A_1262 = arith.constant 99 : i32
    %broadcast_in_dim3A_1263 = vector.broadcast %jit3A_1262 : i32 to vector<16xi32>
    %select_n3A_1264 = arith.select %lt3A, %broadcast_in_dim3A_1263, %rem3A_1261 : vector<16xi1>, vector<16xi32>
    %xor3A = arith.constant 1 : i32
    %xor3A_1265 = vector.broadcast %xor3A : i32 to vector<16xi32>
    %xor3A_1266 = arith.xori %iota3A, %xor3A_1265 : vector<16xi32>
    %broadcast_in_dim3A_1267 = vector.shape_cast %xor3A_1266 : vector<16xi32> to vector<16x1xi32>
    %gather3A_1268 = vector.shape_cast %broadcast_in_dim3A_1267 : vector<16x1xi32> to vector<16xi32>
    %gather3A_1269 = tpu.dynamic_gather %select_n3A_1258[%gather3A_1268] in [0] : vector<16xi32>, vector<16xi32> -> vector<16xi32>
    %add3A_1270 = arith.addi %select_n3A_1258, %gather3A_1269 : vector<16xi32>
    %broadcast_in_dim3A_1271 = vector.shape_cast %xor3A_1266 : vector<16xi32> to vector<16x1xi32>
    %gather3A_1272 = vector.shape_cast %broadcast_in_dim3A_1271 : vector<16x1xi32> to vector<16xi32>
    %gather3A_1273 = tpu.dynamic_gather %select_n3A_1264[%gather3A_1272] in [0] : vector<16xi32>, vector<16xi32> -> vector<16xi32>
    %min3A = arith.minsi %select_n3A_1264, %gather3A_1273 : vector<16xi32>
    %xor3A_1274 = arith.constant 2 : i32
    %xor3A_1275 = vector.broadcast %xor3A_1274 : i32 to vector<16xi32>
    %xor3A_1276 = arith.xori %iota3A, %xor3A_1275 : vector<16xi32>
    %broadcast_in_dim3A_1277 = vector.shape_cast %xor3A_1276 : vector<16xi32> to vector<16x1xi32>
    %gather3A_1278 = vector.shape_cast %broadcast_in_dim3A_1277 : vector<16x1xi32> to vector<16xi32>
    %gather3A_1279 = tpu.dynamic_gather %add3A_1270[%gather3A_1278] in [0] : vector<16xi32>, vector<16xi32> -> vector<16xi32>
    %add3A_1280 = arith.addi %add3A_1270, %gather3A_1279 : vector<16xi32>
    %broadcast_in_dim3A_1281 = vector.shape_cast %xor3A_1276 : vector<16xi32> to vector<16x1xi32>
    %gather3A_1282 = vector.shape_cast %broadcast_in_dim3A_1281 : vector<16x1xi32> to vector<16xi32>
    %gather3A_1283 = tpu.dynamic_gather %min3A[%gather3A_1282] in [0] : vector<16xi32>, vector<16xi32> -> vector<16xi32>
    %min3A_1284 = arith.minsi %min3A, %gather3A_1283 : vector<16xi32>
    %xor3A_1285 = arith.constant 4 : i32
    %xor3A_1286 = vector.broadcast %xor3A_1285 : i32 to vector<16xi32>
    %xor3A_1287 = arith.xori %iota3A, %xor3A_1286 : vector<16xi32>
    %broadcast_in_dim3A_1288 = vector.shape_cast %xor3A_1287 : vector<16xi32> to vector<16x1xi32>
    %gather3A_1289 = vector.shape_cast %broadcast_in_dim3A_1288 : vector<16x1xi32> to vector<16xi32>
    %gather3A_1290 = tpu.dynamic_gather %add3A_1280[%gather3A_1289] in [0] : vector<16xi32>, vector<16xi32> -> vector<16xi32>
    %add3A_1291 = arith.addi %add3A_1280, %gather3A_1290 : vector<16xi32>
    %broadcast_in_dim3A_1292 = vector.shape_cast %xor3A_1287 : vector<16xi32> to vector<16x1xi32>
    %gather3A_1293 = vector.shape_cast %broadcast_in_dim3A_1292 : vector<16x1xi32> to vector<16xi32>
    %gather3A_1294 = tpu.dynamic_gather %min3A_1284[%gather3A_1293] in [0] : vector<16xi32>, vector<16xi32> -> vector<16xi32>
    %min3A_1295 = arith.minsi %min3A_1284, %gather3A_1294 : vector<16xi32>
    %min3A_1296 = arith.constant 8 : i32
    %min3A_1297 = vector.broadcast %min3A_1296 : i32 to vector<16xi32>
    %min3A_1298 = arith.minsi %min3A_1295, %min3A_1297 : vector<16xi32>
    %rem3A_1299 = arith.constant 2 : i32
    %rem3A_1300 = vector.broadcast %rem3A_1299 : i32 to vector<16xi32>
    %rem3A_1301 = arith.remsi %iota3A, %rem3A_1300 : vector<16xi32>
    %mul3A_1302 = arith.constant 8 : i32
    %mul3A_1303 = vector.broadcast %mul3A_1302 : i32 to vector<16xi32>
    %mul3A_1304 = arith.muli %rem3A_1301, %mul3A_1303 : vector<16xi32>
    %broadcast_in_dim3A_1305 = vector.shape_cast %mul3A_1304 : vector<16xi32> to vector<16x1xi32>
    %gather3A_1306 = vector.shape_cast %broadcast_in_dim3A_1305 : vector<16x1xi32> to vector<16xi32>
    %gather3A_1307 = tpu.dynamic_gather %add3A_1291[%gather3A_1306] in [0] : vector<16xi32>, vector<16xi32> -> vector<16xi32>
    %swap3A = arith.constant 0 : index
    %swap3A_1308 = tpu.vector_load %arg12[%swap3A] {strides = array<i32>} : memref<16xi32, #tpu.memory_space<vmem>>, vector<16xi32>,
    tpu.vector_store %arg12[%swap3A], %gather3A_1307 {strides = array<i32>} : memref<16xi32, #tpu.memory_space<vmem>>, vector<16xi32>,
    %broadcast_in_dim3A_1309 = vector.shape_cast %mul3A_1304 : vector<16xi32> to vector<16x1xi32>
    %gather3A_1310 = vector.shape_cast %broadcast_in_dim3A_1309 : vector<16x1xi32> to vector<16xi32>
    %gather3A_1311 = tpu.dynamic_gather %min3A_1298[%gather3A_1310] in [0] : vector<16xi32>, vector<16xi32> -> vector<16xi32>
    %swap3A_1312 = arith.constant 0 : index
    %swap3A_1313 = tpu.vector_load %arg13[%swap3A_1312] {strides = array<i32>} : memref<16xi32, #tpu.memory_space<vmem>>, vector<16xi32>,
    tpu.vector_store %arg13[%swap3A_1312], %gather3A_1311 {strides = array<i32>} : memref<16xi32, #tpu.memory_space<vmem>>, vector<16xi32>,
    "tpu.region"() ({
      %run_scoped3A = tpu.sem_alloc : memref<!tpu.dma_semaphore, #tpu.memory_space<semaphore_mem>>
      %dma_start3A_1314 = arith.constant 0 : i32
      %dma_start3A_1315 = tpu.memref_slice %arg6[%add3A, %dma_start3A_1314] : memref<32x16xi32, #tpu.memory_space<hbm>> -> memref<1x16xi32, #tpu.memory_space<hbm>>
      %dma_start3A_1316 = tpu.memref_squeeze %dma_start3A_1315 : memref<1x16xi32, #tpu.memory_space<hbm>> -> memref<16xi32, #tpu.memory_space<hbm>>
      %dma_start3A_1317 = arith.constant 0 : i32
      %dma_start3A_1318 = tpu.memref_slice %arg6[%add3A, %dma_start3A_1317] : memref<32x16xi32, #tpu.memory_space<hbm>> -> memref<1x16xi32, #tpu.memory_space<hbm>>
      %dma_start3A_1319 = tpu.memref_squeeze %dma_start3A_1318 : memref<1x16xi32, #tpu.memory_space<hbm>> -> memref<16xi32, #tpu.memory_space<hbm>>
      tpu.enqueue_dma source(%arg12 : memref<16xi32, #tpu.memory_space<vmem>>) target(%dma_start3A_1319 : memref<16xi32, #tpu.memory_space<hbm>>) target_semaphore(%run_scoped3A : memref<!tpu.dma_semaphore, #tpu.memory_space<semaphore_mem>>)
      %dma_wait3A_1320 = arith.constant 0 : i32
      %dma_wait3A_1321 = tpu.memref_slice %arg6[%add3A, %dma_wait3A_1320] : memref<32x16xi32, #tpu.memory_space<hbm>> -> memref<1x16xi32, #tpu.memory_space<hbm>>
      %dma_wait3A_1322 = tpu.memref_squeeze %dma_wait3A_1321 : memref<1x16xi32, #tpu.memory_space<hbm>> -> memref<16xi32, #tpu.memory_space<hbm>>
      %dma_wait3A_1323 = arith.constant 0 : i32
      %dma_wait3A_1324 = tpu.memref_slice %arg6[%add3A, %dma_wait3A_1323] : memref<32x16xi32, #tpu.memory_space<hbm>> -> memref<1x16xi32, #tpu.memory_space<hbm>>
      %dma_wait3A_1325 = tpu.memref_squeeze %dma_wait3A_1324 : memref<1x16xi32, #tpu.memory_space<hbm>> -> memref<16xi32, #tpu.memory_space<hbm>>
      tpu.wait_dma2 semaphore(%run_scoped3A : memref<!tpu.dma_semaphore, #tpu.memory_space<semaphore_mem>>) src(%arg12 : memref<16xi32, #tpu.memory_space<vmem>>) dst(%dma_wait3A_1325 : memref<16xi32, #tpu.memory_space<hbm>>)
      tpu.yield
    }) : () -> ()
    "tpu.region"() ({
      %run_scoped3A = tpu.sem_alloc : memref<!tpu.dma_semaphore, #tpu.memory_space<semaphore_mem>>
      %dma_start3A_1314 = arith.constant 0 : i32
      %dma_start3A_1315 = tpu.memref_slice %arg7[%add3A, %dma_start3A_1314] : memref<32x16xi32, #tpu.memory_space<hbm>> -> memref<1x16xi32, #tpu.memory_space<hbm>>
      %dma_start3A_1316 = tpu.memref_squeeze %dma_start3A_1315 : memref<1x16xi32, #tpu.memory_space<hbm>> -> memref<16xi32, #tpu.memory_space<hbm>>
      %dma_start3A_1317 = arith.constant 0 : i32
      %dma_start3A_1318 = tpu.memref_slice %arg7[%add3A, %dma_start3A_1317] : memref<32x16xi32, #tpu.memory_space<hbm>> -> memref<1x16xi32, #tpu.memory_space<hbm>>
      %dma_start3A_1319 = tpu.memref_squeeze %dma_start3A_1318 : memref<1x16xi32, #tpu.memory_space<hbm>> -> memref<16xi32, #tpu.memory_space<hbm>>
      tpu.enqueue_dma source(%arg13 : memref<16xi32, #tpu.memory_space<vmem>>) target(%dma_start3A_1319 : memref<16xi32, #tpu.memory_space<hbm>>) target_semaphore(%run_scoped3A : memref<!tpu.dma_semaphore, #tpu.memory_space<semaphore_mem>>)
      %dma_wait3A_1320 = arith.constant 0 : i32
      %dma_wait3A_1321 = tpu.memref_slice %arg7[%add3A, %dma_wait3A_1320] : memref<32x16xi32, #tpu.memory_space<hbm>> -> memref<1x16xi32, #tpu.memory_space<hbm>>
      %dma_wait3A_1322 = tpu.memref_squeeze %dma_wait3A_1321 : memref<1x16xi32, #tpu.memory_space<hbm>> -> memref<16xi32, #tpu.memory_space<hbm>>
      %dma_wait3A_1323 = arith.constant 0 : i32
      %dma_wait3A_1324 = tpu.memref_slice %arg7[%add3A, %dma_wait3A_1323] : memref<32x16xi32, #tpu.memory_space<hbm>> -> memref<1x16xi32, #tpu.memory_space<hbm>>
      %dma_wait3A_1325 = tpu.memref_squeeze %dma_wait3A_1324 : memref<1x16xi32, #tpu.memory_space<hbm>> -> memref<16xi32, #tpu.memory_space<hbm>>
      tpu.wait_dma2 semaphore(%run_scoped3A : memref<!tpu.dma_semaphore, #tpu.memory_space<semaphore_mem>>) src(%arg13 : memref<16xi32, #tpu.memory_space<vmem>>) dst(%dma_wait3A_1325 : memref<16xi32, #tpu.memory_space<hbm>>)
      tpu.yield
    }) : () -> ()
    return
  }
}

module attributes {stable_mosaic.version = 14 : i64} {
  func.func @_tc_sample_body(%arg0: i32, %arg1: memref<64xi32, #tpu.memory_space<smem>>, %arg2: memref<64xi32, #tpu.memory_space<smem>>, %arg3: memref<9x64x100000xf32, #tpu.memory_space<hbm>>, %arg4: memref<64x8x100000xf32, #tpu.memory_space<hbm>>, %arg5: memref<1x8x12500xf32, #tpu.memory_space<vmem>>, %arg6: memref<8x12500xf32, #tpu.memory_space<vmem>>, %arg7: memref<1x1x9xi32, #tpu.memory_space<vmem>>, %arg8: memref<1x1x9xi32, #tpu.memory_space<vmem>>, %arg9: memref<4x100000xf32, #tpu.memory_space<vmem>>, %arg10: memref<4x100000xf32, #tpu.memory_space<vmem>>, %arg11: memref<!tpu.dma_semaphore, #tpu.memory_space<semaphore_mem>>, %arg12: memref<!tpu.dma_semaphore, #tpu.memory_space<semaphore_mem>>) attributes {dimension_semantics = [#tpu.dimension_semantics<arbitrary>], iteration_bounds = array<i64: 64>, scalar_prefetch = 2 : i64, scratch_operands = 4 : i64, tpu.core_type = #tpu.core_type<tc>, window_params = [{}, {}, {transform_indices = @transform_2, window_bounds = array<i64: 1, 8, 12500>}, {pipeline_mode = #tpu.pipeline_mode<synchronous>, transform_indices = @transform_3, window_bounds = array<i64: 8, 12500>}, {transform_indices = @transform_4, window_bounds = array<i64: 1, 1, 9>}, {transform_indices = @transform_5, window_bounds = array<i64: 1, 1, 9>}]} {
    %eq3A = arith.constant 0 : i32
    %eq3A_0 = arith.cmpi eq, %arg0, %eq3A : i32
    %convert_element_type3A = arith.extui %eq3A_0 : i1 to i32
    %cond3A = arith.constant 0 : i32
    %cond3A_1 = arith.cmpi ne, %convert_element_type3A, %cond3A : i32
    scf.if %cond3A_1 {
      %rem3A_158 = arith.constant 0 : i32
      %rem3A_159 = arith.constant 4 : i32
      %rem3A_160 = arith.remsi %rem3A_158, %rem3A_159 : i32
      %get3A_161 = arith.constant 0 : index
      %get3A_162 = memref.load %arg1[%get3A_161] : memref<64xi32, #tpu.memory_space<smem>>
      %get3A_163 = arith.constant 0 : index
      %get3A_164 = memref.load %arg2[%get3A_163] : memref<64xi32, #tpu.memory_space<smem>>
      %dma_start3A = arith.constant 0 : i32
      %dma_start3A_165 = tpu.memref_slice %arg9[%rem3A_160, %dma_start3A] : memref<4x100000xf32, #tpu.memory_space<vmem>> -> memref<1x100000xf32, #tpu.memory_space<vmem>>
      %dma_start3A_166 = arith.constant 0 : i32
      %dma_start3A_167 = arith.constant 0 : i32
      %dma_start3A_168 = tpu.memref_slice %arg3[%get3A_162, %dma_start3A_166, %dma_start3A_167] : memref<9x64x100000xf32, #tpu.memory_space<hbm>> -> memref<1x1x100000xf32, #tpu.memory_space<hbm>>
      %dma_start3A_169 = tpu.memref_squeeze %dma_start3A_168 : memref<1x1x100000xf32, #tpu.memory_space<hbm>> -> memref<1x100000xf32, #tpu.memory_space<hbm>>
      tpu.enqueue_dma source(%dma_start3A_169 : memref<1x100000xf32, #tpu.memory_space<hbm>>) target(%dma_start3A_165 : memref<1x100000xf32, #tpu.memory_space<vmem>>) target_semaphore(%arg11 : memref<!tpu.dma_semaphore, #tpu.memory_space<semaphore_mem>>)
      %dma_start3A_170 = arith.constant 0 : i32
      %dma_start3A_171 = arith.constant 0 : i32
      %dma_start3A_172 = tpu.memref_slice %arg10[%rem3A_160, %dma_start3A_171] : memref<4x100000xf32, #tpu.memory_space<vmem>> -> memref<1x100000xf32, #tpu.memory_space<vmem>>
      %dma_start3A_173 = arith.constant 0 : i32
      %dma_start3A_174 = tpu.memref_slice %arg4[%dma_start3A_170, %get3A_164, %dma_start3A_173] : memref<64x8x100000xf32, #tpu.memory_space<hbm>> -> memref<1x1x100000xf32, #tpu.memory_space<hbm>>
      %dma_start3A_175 = tpu.memref_squeeze %dma_start3A_174 : memref<1x1x100000xf32, #tpu.memory_space<hbm>> -> memref<1x100000xf32, #tpu.memory_space<hbm>>
      tpu.enqueue_dma source(%dma_start3A_175 : memref<1x100000xf32, #tpu.memory_space<hbm>>) target(%dma_start3A_172 : memref<1x100000xf32, #tpu.memory_space<vmem>>) target_semaphore(%arg12 : memref<!tpu.dma_semaphore, #tpu.memory_space<semaphore_mem>>)
      %rem3A_176 = arith.constant 1 : i32
      %rem3A_177 = arith.constant 4 : i32
      %rem3A_178 = arith.remsi %rem3A_176, %rem3A_177 : i32
      %get3A_179 = arith.constant 1 : index
      %get3A_180 = memref.load %arg1[%get3A_179] : memref<64xi32, #tpu.memory_space<smem>>
      %get3A_181 = arith.constant 1 : index
      %get3A_182 = memref.load %arg2[%get3A_181] : memref<64xi32, #tpu.memory_space<smem>>
      %dma_start3A_183 = arith.constant 0 : i32
      %dma_start3A_184 = tpu.memref_slice %arg9[%rem3A_178, %dma_start3A_183] : memref<4x100000xf32, #tpu.memory_space<vmem>> -> memref<1x100000xf32, #tpu.memory_space<vmem>>
      %dma_start3A_185 = arith.constant 1 : i32
      %dma_start3A_186 = arith.constant 0 : i32
      %dma_start3A_187 = tpu.memref_slice %arg3[%get3A_180, %dma_start3A_185, %dma_start3A_186] : memref<9x64x100000xf32, #tpu.memory_space<hbm>> -> memref<1x1x100000xf32, #tpu.memory_space<hbm>>
      %dma_start3A_188 = tpu.memref_squeeze %dma_start3A_187 : memref<1x1x100000xf32, #tpu.memory_space<hbm>> -> memref<1x100000xf32, #tpu.memory_space<hbm>>
      tpu.enqueue_dma source(%dma_start3A_188 : memref<1x100000xf32, #tpu.memory_space<hbm>>) target(%dma_start3A_184 : memref<1x100000xf32, #tpu.memory_space<vmem>>) target_semaphore(%arg11 : memref<!tpu.dma_semaphore, #tpu.memory_space<semaphore_mem>>)
      %dma_start3A_189 = arith.constant 1 : i32
      %dma_start3A_190 = arith.constant 0 : i32
      %dma_start3A_191 = tpu.memref_slice %arg10[%rem3A_178, %dma_start3A_190] : memref<4x100000xf32, #tpu.memory_space<vmem>> -> memref<1x100000xf32, #tpu.memory_space<vmem>>
      %dma_start3A_192 = arith.constant 0 : i32
      %dma_start3A_193 = tpu.memref_slice %arg4[%dma_start3A_189, %get3A_182, %dma_start3A_192] : memref<64x8x100000xf32, #tpu.memory_space<hbm>> -> memref<1x1x100000xf32, #tpu.memory_space<hbm>>
      %dma_start3A_194 = tpu.memref_squeeze %dma_start3A_193 : memref<1x1x100000xf32, #tpu.memory_space<hbm>> -> memref<1x100000xf32, #tpu.memory_space<hbm>>
      tpu.enqueue_dma source(%dma_start3A_194 : memref<1x100000xf32, #tpu.memory_space<hbm>>) target(%dma_start3A_191 : memref<1x100000xf32, #tpu.memory_space<vmem>>) target_semaphore(%arg12 : memref<!tpu.dma_semaphore, #tpu.memory_space<semaphore_mem>>)
      %rem3A_195 = arith.constant 2 : i32
      %rem3A_196 = arith.constant 4 : i32
      %rem3A_197 = arith.remsi %rem3A_195, %rem3A_196 : i32
      %get3A_198 = arith.constant 2 : index
      %get3A_199 = memref.load %arg1[%get3A_198] : memref<64xi32, #tpu.memory_space<smem>>
      %get3A_200 = arith.constant 2 : index
      %get3A_201 = memref.load %arg2[%get3A_200] : memref<64xi32, #tpu.memory_space<smem>>
      %dma_start3A_202 = arith.constant 0 : i32
      %dma_start3A_203 = tpu.memref_slice %arg9[%rem3A_197, %dma_start3A_202] : memref<4x100000xf32, #tpu.memory_space<vmem>> -> memref<1x100000xf32, #tpu.memory_space<vmem>>
      %dma_start3A_204 = arith.constant 2 : i32
      %dma_start3A_205 = arith.constant 0 : i32
      %dma_start3A_206 = tpu.memref_slice %arg3[%get3A_199, %dma_start3A_204, %dma_start3A_205] : memref<9x64x100000xf32, #tpu.memory_space<hbm>> -> memref<1x1x100000xf32, #tpu.memory_space<hbm>>
      %dma_start3A_207 = tpu.memref_squeeze %dma_start3A_206 : memref<1x1x100000xf32, #tpu.memory_space<hbm>> -> memref<1x100000xf32, #tpu.memory_space<hbm>>
      tpu.enqueue_dma source(%dma_start3A_207 : memref<1x100000xf32, #tpu.memory_space<hbm>>) target(%dma_start3A_203 : memref<1x100000xf32, #tpu.memory_space<vmem>>) target_semaphore(%arg11 : memref<!tpu.dma_semaphore, #tpu.memory_space<semaphore_mem>>)
      %dma_start3A_208 = arith.constant 2 : i32
      %dma_start3A_209 = arith.constant 0 : i32
      %dma_start3A_210 = tpu.memref_slice %arg10[%rem3A_197, %dma_start3A_209] : memref<4x100000xf32, #tpu.memory_space<vmem>> -> memref<1x100000xf32, #tpu.memory_space<vmem>>
      %dma_start3A_211 = arith.constant 0 : i32
      %dma_start3A_212 = tpu.memref_slice %arg4[%dma_start3A_208, %get3A_201, %dma_start3A_211] : memref<64x8x100000xf32, #tpu.memory_space<hbm>> -> memref<1x1x100000xf32, #tpu.memory_space<hbm>>
      %dma_start3A_213 = tpu.memref_squeeze %dma_start3A_212 : memref<1x1x100000xf32, #tpu.memory_space<hbm>> -> memref<1x100000xf32, #tpu.memory_space<hbm>>
      tpu.enqueue_dma source(%dma_start3A_213 : memref<1x100000xf32, #tpu.memory_space<hbm>>) target(%dma_start3A_210 : memref<1x100000xf32, #tpu.memory_space<vmem>>) target_semaphore(%arg12 : memref<!tpu.dma_semaphore, #tpu.memory_space<semaphore_mem>>)
    } else {
    }
    %lt3A = arith.constant 61 : i32
    %lt3A_2 = arith.cmpi slt, %arg0, %lt3A : i32
    %convert_element_type3A_3 = arith.extui %lt3A_2 : i1 to i32
    %cond3A_4 = arith.constant 0 : i32
    %cond3A_5 = arith.cmpi ne, %convert_element_type3A_3, %cond3A_4 : i32
    scf.if %cond3A_5 {
      %add3A_158 = arith.constant 4 : i32
      %add3A_159 = arith.addi %arg0, %add3A_158 : i32
      %sub3A_160 = arith.constant 1 : i32
      %sub3A_161 = arith.subi %add3A_159, %sub3A_160 : i32
      %rem3A_162 = arith.constant 4 : i32
      %rem3A_163 = arith.remsi %sub3A_161, %rem3A_162 : i32
      %get3A_164 = arith.index_cast %sub3A_161 : i32 to index
      %get3A_165 = memref.load %arg1[%get3A_164] : memref<64xi32, #tpu.memory_space<smem>>
      %get3A_166 = arith.index_cast %sub3A_161 : i32 to index
      %get3A_167 = memref.load %arg2[%get3A_166] : memref<64xi32, #tpu.memory_space<smem>>
      %dma_start3A = arith.constant 0 : i32
      %dma_start3A_168 = tpu.memref_slice %arg9[%rem3A_163, %dma_start3A] : memref<4x100000xf32, #tpu.memory_space<vmem>> -> memref<1x100000xf32, #tpu.memory_space<vmem>>
      %dma_start3A_169 = arith.constant 0 : i32
      %dma_start3A_170 = tpu.memref_slice %arg3[%get3A_165, %sub3A_161, %dma_start3A_169] : memref<9x64x100000xf32, #tpu.memory_space<hbm>> -> memref<1x1x100000xf32, #tpu.memory_space<hbm>>
      %dma_start3A_171 = tpu.memref_squeeze %dma_start3A_170 : memref<1x1x100000xf32, #tpu.memory_space<hbm>> -> memref<1x100000xf32, #tpu.memory_space<hbm>>
      tpu.enqueue_dma source(%dma_start3A_171 : memref<1x100000xf32, #tpu.memory_space<hbm>>) target(%dma_start3A_168 : memref<1x100000xf32, #tpu.memory_space<vmem>>) target_semaphore(%arg11 : memref<!tpu.dma_semaphore, #tpu.memory_space<semaphore_mem>>)
      %dma_start3A_172 = arith.constant 0 : i32
      %dma_start3A_173 = tpu.memref_slice %arg10[%rem3A_163, %dma_start3A_172] : memref<4x100000xf32, #tpu.memory_space<vmem>> -> memref<1x100000xf32, #tpu.memory_space<vmem>>
      %dma_start3A_174 = arith.constant 0 : i32
      %dma_start3A_175 = tpu.memref_slice %arg4[%sub3A_161, %get3A_167, %dma_start3A_174] : memref<64x8x100000xf32, #tpu.memory_space<hbm>> -> memref<1x1x100000xf32, #tpu.memory_space<hbm>>
      %dma_start3A_176 = tpu.memref_squeeze %dma_start3A_175 : memref<1x1x100000xf32, #tpu.memory_space<hbm>> -> memref<1x100000xf32, #tpu.memory_space<hbm>>
      tpu.enqueue_dma source(%dma_start3A_176 : memref<1x100000xf32, #tpu.memory_space<hbm>>) target(%dma_start3A_173 : memref<1x100000xf32, #tpu.memory_space<vmem>>) target_semaphore(%arg12 : memref<!tpu.dma_semaphore, #tpu.memory_space<semaphore_mem>>)
    } else {
    }
    %rem3A = arith.constant 4 : i32
    %rem3A_6 = arith.remsi %arg0, %rem3A : i32
    %get3A = arith.index_cast %arg0 : i32 to index
    %get3A_7 = memref.load %arg1[%get3A] : memref<64xi32, #tpu.memory_space<smem>>
    %get3A_8 = arith.index_cast %arg0 : i32 to index
    %get3A_9 = memref.load %arg2[%get3A_8] : memref<64xi32, #tpu.memory_space<smem>>
    %dma_wait3A = arith.constant 0 : i32
    %dma_wait3A_10 = tpu.memref_slice %arg9[%rem3A_6, %dma_wait3A] : memref<4x100000xf32, #tpu.memory_space<vmem>> -> memref<1x100000xf32, #tpu.memory_space<vmem>>
    %dma_wait3A_11 = arith.constant 0 : i32
    %dma_wait3A_12 = tpu.memref_slice %arg3[%get3A_7, %arg0, %dma_wait3A_11] : memref<9x64x100000xf32, #tpu.memory_space<hbm>> -> memref<1x1x100000xf32, #tpu.memory_space<hbm>>
    %dma_wait3A_13 = tpu.memref_squeeze %dma_wait3A_12 : memref<1x1x100000xf32, #tpu.memory_space<hbm>> -> memref<1x100000xf32, #tpu.memory_space<hbm>>
    tpu.wait_dma2 semaphore(%arg11 : memref<!tpu.dma_semaphore, #tpu.memory_space<semaphore_mem>>) src(%dma_wait3A_13 : memref<1x100000xf32, #tpu.memory_space<hbm>>) dst(%dma_wait3A_10 : memref<1x100000xf32, #tpu.memory_space<vmem>>)
    %dma_wait3A_14 = arith.constant 0 : i32
    %dma_wait3A_15 = tpu.memref_slice %arg10[%rem3A_6, %dma_wait3A_14] : memref<4x100000xf32, #tpu.memory_space<vmem>> -> memref<1x100000xf32, #tpu.memory_space<vmem>>
    %dma_wait3A_16 = arith.constant 0 : i32
    %dma_wait3A_17 = tpu.memref_slice %arg4[%arg0, %get3A_9, %dma_wait3A_16] : memref<64x8x100000xf32, #tpu.memory_space<hbm>> -> memref<1x1x100000xf32, #tpu.memory_space<hbm>>
    %dma_wait3A_18 = tpu.memref_squeeze %dma_wait3A_17 : memref<1x1x100000xf32, #tpu.memory_space<hbm>> -> memref<1x100000xf32, #tpu.memory_space<hbm>>
    tpu.wait_dma2 semaphore(%arg12 : memref<!tpu.dma_semaphore, #tpu.memory_space<semaphore_mem>>) src(%dma_wait3A_18 : memref<1x100000xf32, #tpu.memory_space<hbm>>) dst(%dma_wait3A_15 : memref<1x100000xf32, #tpu.memory_space<vmem>>)
    %get3A_19 = arith.index_cast %arg0 : i32 to index
    %get3A_20 = memref.load %arg1[%get3A_19] : memref<64xi32, #tpu.memory_space<smem>>
    %lt3A_21 = arith.constant 8 : i32
    %lt3A_22 = arith.cmpi slt, %get3A_20, %lt3A_21 : i32
    %get3A_23 = arith.index_cast %rem3A_6 : i32 to index
    %get3A_24 = arith.constant 0 : index
    %get3A_25 = vector.load %arg9[%get3A_23, %get3A_24] : memref<4x100000xf32, #tpu.memory_space<vmem>>, vector<1x12500xf32>
    %get3A_26 = vector.shape_cast %get3A_25 : vector<1x12500xf32> to vector<12500xf32>
    %get3A_27 = arith.index_cast %rem3A_6 : i32 to index
    %get3A_28 = arith.constant 12500 : index
    %get3A_29 = vector.load %arg9[%get3A_27, %get3A_28] : memref<4x100000xf32, #tpu.memory_space<vmem>>, vector<1x12500xf32>
    %get3A_30 = vector.shape_cast %get3A_29 : vector<1x12500xf32> to vector<12500xf32>
    %get3A_31 = arith.index_cast %rem3A_6 : i32 to index
    %get3A_32 = arith.constant 25000 : index
    %get3A_33 = vector.load %arg9[%get3A_31, %get3A_32] : memref<4x100000xf32, #tpu.memory_space<vmem>>, vector<1x12500xf32>
    %get3A_34 = vector.shape_cast %get3A_33 : vector<1x12500xf32> to vector<12500xf32>
    %get3A_35 = arith.index_cast %rem3A_6 : i32 to index
    %get3A_36 = arith.constant 37500 : index
    %get3A_37 = vector.load %arg9[%get3A_35, %get3A_36] : memref<4x100000xf32, #tpu.memory_space<vmem>>, vector<1x12500xf32>
    %get3A_38 = vector.shape_cast %get3A_37 : vector<1x12500xf32> to vector<12500xf32>
    %get3A_39 = arith.index_cast %rem3A_6 : i32 to index
    %get3A_40 = arith.constant 50000 : index
    %get3A_41 = vector.load %arg9[%get3A_39, %get3A_40] : memref<4x100000xf32, #tpu.memory_space<vmem>>, vector<1x12500xf32>
    %get3A_42 = vector.shape_cast %get3A_41 : vector<1x12500xf32> to vector<12500xf32>
    %get3A_43 = arith.index_cast %rem3A_6 : i32 to index
    %get3A_44 = arith.constant 62500 : index
    %get3A_45 = vector.load %arg9[%get3A_43, %get3A_44] : memref<4x100000xf32, #tpu.memory_space<vmem>>, vector<1x12500xf32>
    %get3A_46 = vector.shape_cast %get3A_45 : vector<1x12500xf32> to vector<12500xf32>
    %get3A_47 = arith.index_cast %rem3A_6 : i32 to index
    %get3A_48 = arith.constant 75000 : index
    %get3A_49 = vector.load %arg9[%get3A_47, %get3A_48] : memref<4x100000xf32, #tpu.memory_space<vmem>>, vector<1x12500xf32>
    %get3A_50 = vector.shape_cast %get3A_49 : vector<1x12500xf32> to vector<12500xf32>
    %get3A_51 = arith.index_cast %rem3A_6 : i32 to index
    %get3A_52 = arith.constant 87500 : index
    %get3A_53 = vector.load %arg9[%get3A_51, %get3A_52] : memref<4x100000xf32, #tpu.memory_space<vmem>>, vector<1x12500xf32>
    %get3A_54 = vector.shape_cast %get3A_53 : vector<1x12500xf32> to vector<12500xf32>
    %stack3A = vector.shape_cast %get3A_26 : vector<12500xf32> to vector<1x12500xf32>
    %stack3A_55 = vector.shape_cast %get3A_30 : vector<12500xf32> to vector<1x12500xf32>
    %stack3A_56 = vector.shape_cast %get3A_34 : vector<12500xf32> to vector<1x12500xf32>
    %stack3A_57 = vector.shape_cast %get3A_38 : vector<12500xf32> to vector<1x12500xf32>
    %stack3A_58 = vector.shape_cast %get3A_42 : vector<12500xf32> to vector<1x12500xf32>
    %stack3A_59 = vector.shape_cast %get3A_46 : vector<12500xf32> to vector<1x12500xf32>
    %stack3A_60 = vector.shape_cast %get3A_50 : vector<12500xf32> to vector<1x12500xf32>
    %stack3A_61 = vector.shape_cast %get3A_54 : vector<12500xf32> to vector<1x12500xf32>
    %stack3A_62 = tpu.concatenate %stack3A, %stack3A_55, %stack3A_56, %stack3A_57, %stack3A_58, %stack3A_59, %stack3A_60, %stack3A_61 in 0 : vector<1x12500xf32>, vector<1x12500xf32>, vector<1x12500xf32>, vector<1x12500xf32>, vector<1x12500xf32>, vector<1x12500xf32>, vector<1x12500xf32>, vector<1x12500xf32> -> vector<8x12500xf32>
    %get3A_63 = arith.index_cast %rem3A_6 : i32 to index
    %get3A_64 = arith.constant 0 : index
    %get3A_65 = vector.load %arg10[%get3A_63, %get3A_64] : memref<4x100000xf32, #tpu.memory_space<vmem>>, vector<1x12500xf32>
    %get3A_66 = vector.shape_cast %get3A_65 : vector<1x12500xf32> to vector<12500xf32>
    %get3A_67 = arith.index_cast %rem3A_6 : i32 to index
    %get3A_68 = arith.constant 12500 : index
    %get3A_69 = vector.load %arg10[%get3A_67, %get3A_68] : memref<4x100000xf32, #tpu.memory_space<vmem>>, vector<1x12500xf32>
    %get3A_70 = vector.shape_cast %get3A_69 : vector<1x12500xf32> to vector<12500xf32>
    %get3A_71 = arith.index_cast %rem3A_6 : i32 to index
    %get3A_72 = arith.constant 25000 : index
    %get3A_73 = vector.load %arg10[%get3A_71, %get3A_72] : memref<4x100000xf32, #tpu.memory_space<vmem>>, vector<1x12500xf32>
    %get3A_74 = vector.shape_cast %get3A_73 : vector<1x12500xf32> to vector<12500xf32>
    %get3A_75 = arith.index_cast %rem3A_6 : i32 to index
    %get3A_76 = arith.constant 37500 : index
    %get3A_77 = vector.load %arg10[%get3A_75, %get3A_76] : memref<4x100000xf32, #tpu.memory_space<vmem>>, vector<1x12500xf32>
    %get3A_78 = vector.shape_cast %get3A_77 : vector<1x12500xf32> to vector<12500xf32>
    %get3A_79 = arith.index_cast %rem3A_6 : i32 to index
    %get3A_80 = arith.constant 50000 : index
    %get3A_81 = vector.load %arg10[%get3A_79, %get3A_80] : memref<4x100000xf32, #tpu.memory_space<vmem>>, vector<1x12500xf32>
    %get3A_82 = vector.shape_cast %get3A_81 : vector<1x12500xf32> to vector<12500xf32>
    %get3A_83 = arith.index_cast %rem3A_6 : i32 to index
    %get3A_84 = arith.constant 62500 : index
    %get3A_85 = vector.load %arg10[%get3A_83, %get3A_84] : memref<4x100000xf32, #tpu.memory_space<vmem>>, vector<1x12500xf32>
    %get3A_86 = vector.shape_cast %get3A_85 : vector<1x12500xf32> to vector<12500xf32>
    %get3A_87 = arith.index_cast %rem3A_6 : i32 to index
    %get3A_88 = arith.constant 75000 : index
    %get3A_89 = vector.load %arg10[%get3A_87, %get3A_88] : memref<4x100000xf32, #tpu.memory_space<vmem>>, vector<1x12500xf32>
    %get3A_90 = vector.shape_cast %get3A_89 : vector<1x12500xf32> to vector<12500xf32>
    %get3A_91 = arith.index_cast %rem3A_6 : i32 to index
    %get3A_92 = arith.constant 87500 : index
    %get3A_93 = vector.load %arg10[%get3A_91, %get3A_92] : memref<4x100000xf32, #tpu.memory_space<vmem>>, vector<1x12500xf32>
    %get3A_94 = vector.shape_cast %get3A_93 : vector<1x12500xf32> to vector<12500xf32>
    %stack3A_95 = vector.shape_cast %get3A_66 : vector<12500xf32> to vector<1x12500xf32>
    %stack3A_96 = vector.shape_cast %get3A_70 : vector<12500xf32> to vector<1x12500xf32>
    %stack3A_97 = vector.shape_cast %get3A_74 : vector<12500xf32> to vector<1x12500xf32>
    %stack3A_98 = vector.shape_cast %get3A_78 : vector<12500xf32> to vector<1x12500xf32>
    %stack3A_99 = vector.shape_cast %get3A_82 : vector<12500xf32> to vector<1x12500xf32>
    %stack3A_100 = vector.shape_cast %get3A_86 : vector<12500xf32> to vector<1x12500xf32>
    %stack3A_101 = vector.shape_cast %get3A_90 : vector<12500xf32> to vector<1x12500xf32>
    %stack3A_102 = vector.shape_cast %get3A_94 : vector<12500xf32> to vector<1x12500xf32>
    %stack3A_103 = tpu.concatenate %stack3A_95, %stack3A_96, %stack3A_97, %stack3A_98, %stack3A_99, %stack3A_100, %stack3A_101, %stack3A_102 in 0 : vector<1x12500xf32>, vector<1x12500xf32>, vector<1x12500xf32>, vector<1x12500xf32>, vector<1x12500xf32>, vector<1x12500xf32>, vector<1x12500xf32>, vector<1x12500xf32> -> vector<8x12500xf32>
    %get3A_104 = arith.constant 0 : index
    %get3A_105 = arith.constant 0 : index
    %get3A_106 = arith.constant 0 : index
    %get3A_107 = vector.load %arg5[%get3A_104, %get3A_105, %get3A_106] : memref<1x8x12500xf32, #tpu.memory_space<vmem>>, vector<1x8x12500xf32>
    %get3A_108 = vector.shape_cast %get3A_107 : vector<1x8x12500xf32> to vector<8x12500xf32>
    %sub3A = arith.subf %stack3A_62, %stack3A_103 : vector<8x12500xf32>
    %max3A = arith.constant 0.000000e+00 : f32
    %max3A_109 = vector.broadcast %max3A : f32 to vector<8x12500xf32>
    %max3A_110 = arith.maximumf %sub3A, %max3A_109 : vector<8x12500xf32>
    %reduce_sum3A = vector.shape_cast %max3A_110 : vector<8x12500xf32> to vector<1x8x12500xf32>
    %reduce_sum3A_111 = arith.constant dense<0.000000e+00> : vector<1xf32>
    %reduce_sum3A_112 = vector.multi_reduction <add>, %reduce_sum3A, %reduce_sum3A_111 [1, 2] : vector<1x8x12500xf32> to vector<1xf32>
    %reduce_sum3A_113 = vector.shape_cast %reduce_sum3A_112 : vector<1xf32> to vector<1x1x1xf32>
    %reduce_sum3A_114 = vector.extract %reduce_sum3A_113[0, 0, 0] : f32 from vector<1x1x1xf32>
    %max3A_115 = arith.constant 1.000000e-10 : f32
    %max3A_116 = arith.maximumf %reduce_sum3A_114, %max3A_115 : f32
    %div3A = arith.constant 1.000000e+00 : f32
    %div3A_117 = arith.divf %div3A, %max3A_116 : f32
    %jit3A = arith.constant 1.000000e+00 : f32
    %select_n3A = arith.select %lt3A_22, %div3A_117, %jit3A : f32
    %select_n3A_118 = arith.select %lt3A_22, %max3A_110, %stack3A_62 : vector<8x12500xf32>
    %mul3A = vector.broadcast %select_n3A : f32 to vector<8x12500xf32>
    %mul3A_119 = arith.mulf %select_n3A_118, %mul3A : vector<8x12500xf32>
    %add3A = arith.constant 1.000000e-10 : f32
    %add3A_120 = vector.broadcast %add3A : f32 to vector<8x12500xf32>
    %add3A_121 = arith.addf %mul3A_119, %add3A_120 : vector<8x12500xf32>
    %mul3A_122 = arith.mulf %add3A_121, %get3A_108 : vector<8x12500xf32>
    %reduce_max3A = vector.shape_cast %mul3A_122 : vector<8x12500xf32> to vector<1x8x12500xf32>
    %reduce_max3A_123 = arith.constant dense<0xFF800000> : vector<1xf32>
    %reduce_max3A_124 = vector.multi_reduction <maximumf>, %reduce_max3A, %reduce_max3A_123 [1, 2] : vector<1x8x12500xf32> to vector<1xf32>
    %reduce_max3A_125 = vector.shape_cast %reduce_max3A_124 : vector<1xf32> to vector<1x1x1xf32>
    %reduce_max3A_126 = vector.extract %reduce_max3A_125[0, 0, 0] : f32 from vector<1x1x1xf32>
    %eq3A_127 = vector.broadcast %reduce_max3A_126 : f32 to vector<8x12500xf32>
    %eq3A_128 = arith.cmpf oeq, %mul3A_122, %eq3A_127 : vector<8x12500xf32>
    %get3A_129 = arith.constant 0 : index
    %get3A_130 = arith.constant 0 : index
    %get3A_131 = vector.load %arg6[%get3A_129, %get3A_130] : memref<8x12500xf32, #tpu.memory_space<vmem>>, vector<8x12500xf32>
    %jit3A_132 = arith.constant 1.000000e+05 : f32
    %broadcast_in_dim3A = vector.broadcast %jit3A_132 : f32 to vector<8x12500xf32>
    %select_n3A_133 = arith.select %eq3A_128, %get3A_131, %broadcast_in_dim3A : vector<8x12500xi1>, vector<8x12500xf32>
    %reduce_min3A = vector.shape_cast %select_n3A_133 : vector<8x12500xf32> to vector<1x8x12500xf32>
    %reduce_min3A_134 = arith.constant dense<0x7F800000> : vector<1xf32>
    %reduce_min3A_135 = vector.multi_reduction <minimumf>, %reduce_min3A, %reduce_min3A_134 [1, 2] : vector<1x8x12500xf32> to vector<1xf32>
    %reduce_min3A_136 = vector.shape_cast %reduce_min3A_135 : vector<1xf32> to vector<1x1x1xf32>
    %reduce_min3A_137 = vector.extract %reduce_min3A_136[0, 0, 0] : f32 from vector<1x1x1xf32>
    %convert_element_type3A_138 = arith.fptosi %reduce_min3A_137 : f32 to i32
    %get3A_139 = arith.constant 0 : index
    %get3A_140 = arith.constant 0 : index
    %get3A_141 = arith.constant 0 : index
    %get3A_142 = vector.load %arg7[%get3A_139, %get3A_140, %get3A_141] : memref<1x1x9xi32, #tpu.memory_space<vmem>>, vector<1x1x9xi32>
    %get3A_143 = vector.shape_cast %get3A_142 : vector<1x1x9xi32> to vector<1x9xi32>
    %iota3A = tpu.iota {dimensions = array<i32: 1>} : vector<1x9xi32>
    %lt3A_144 = vector.broadcast %get3A_20 : i32 to vector<1x9xi32>
    %lt3A_145 = arith.cmpi slt, %iota3A, %lt3A_144 : vector<1x9xi32>
    %jit3A_146 = arith.constant -1 : i32
    %broadcast_in_dim3A_147 = vector.broadcast %jit3A_146 : i32 to vector<1x9xi32>
    %select_n3A_148 = arith.select %lt3A_145, %get3A_143, %broadcast_in_dim3A_147 : vector<1x9xi1>, vector<1x9xi32>
    %eq3A_149 = vector.broadcast %get3A_20 : i32 to vector<1x9xi32>
    %eq3A_150 = arith.cmpi eq, %iota3A, %eq3A_149 : vector<1x9xi32>
    %broadcast_in_dim3A_151 = vector.broadcast %convert_element_type3A_138 : i32 to vector<1x9xi32>
    %select_n3A_152 = arith.select %eq3A_150, %broadcast_in_dim3A_151, %select_n3A_148 : vector<1x9xi1>, vector<1x9xi32>
    %swap3A = arith.constant 0 : index
    %swap3A_153 = arith.constant 0 : index
    %swap3A_154 = arith.constant 0 : index
    %swap3A_155 = vector.load %arg8[%swap3A, %swap3A_153, %swap3A_154] : memref<1x1x9xi32, #tpu.memory_space<vmem>>, vector<1x1x9xi32>
    %swap3A_156 = vector.shape_cast %swap3A_155 : vector<1x1x9xi32> to vector<1x9xi32>
    %swap3A_157 = vector.shape_cast %select_n3A_152 : vector<1x9xi32> to vector<1x1x9xi32>
    tpu.vector_store %arg8[%swap3A, %swap3A_153, %swap3A_154], %swap3A_157 {strides = array<i32>} : memref<1x1x9xi32, #tpu.memory_space<vmem>>, vector<1x1x9xi32>,
    return
  }
  func.func @transform_2(%arg0: i32, %arg1: memref<64xi32, #tpu.memory_space<smem>>, %arg2: memref<64xi32, #tpu.memory_space<smem>>) -> (i32, i32, i32) {
    %c0_i32 = arith.constant 0 : i32
    %c0_i32_0 = arith.constant 0 : i32
    %c0_i32_1 = arith.constant 0 : i32
    return %arg0, %c0_i32, %c0_i32_0 : i32, i32, i32
  }
  func.func @transform_3(%arg0: i32, %arg1: memref<64xi32, #tpu.memory_space<smem>>, %arg2: memref<64xi32, #tpu.memory_space<smem>>) -> (i32, i32) {
    %c0_i32 = arith.constant 0 : i32
    %c0_i32_0 = arith.constant 0 : i32
    %c0_i32_1 = arith.constant 0 : i32
    return %c0_i32, %c0_i32_0 : i32, i32
  }
  func.func @transform_4(%arg0: i32, %arg1: memref<64xi32, #tpu.memory_space<smem>>, %arg2: memref<64xi32, #tpu.memory_space<smem>>) -> (i32, i32, i32) {
    %c0_i32 = arith.constant 0 : i32
    %c0_i32_0 = arith.constant 0 : i32
    %c0_i32_1 = arith.constant 0 : i32
    return %arg0, %c0_i32, %c0_i32_0 : i32, i32, i32
  }
  func.func @transform_5(%arg0: i32, %arg1: memref<64xi32, #tpu.memory_space<smem>>, %arg2: memref<64xi32, #tpu.memory_space<smem>>) -> (i32, i32, i32) {
    %c0_i32 = arith.constant 0 : i32
    %c0_i32_0 = arith.constant 0 : i32
    %c0_i32_1 = arith.constant 0 : i32
    return %arg0, %c0_i32, %c0_i32_0 : i32, i32, i32
  }
}

</mosaic_0001>

<sc_bundles>
// kernel: kernel.4.cloned.1.call-start
scs
__scs_entry_jumppad:
0x0: {  	(pc) =	sbr.rel $0x88, $3  }
0x1: {  	(tag) =	ssettag $0x0;
	lr =	simm.s32 $0x1  }
0x2: {  	[smem:$0x3F9E] =	sst lr;
	_ =	strace $0xD0000000  }
0x3: {  	_ = 	snop  }
0x4: {  	_ = 	snop  }
0x5: {  	_ = 	snop  }
0x6: {  	_ = 	snop  }
0x7: {  	_ = 	snop  }
__scs_overlays_trampoline_lowered:
0x8: {  	[smem:$0x3FAD] =	sst s0  }
0x9: {  	[smem:$0x3FAE] =	sst s1  }
0xa: {  	[smem:$0x3FAF] =	sst s2  }
0xb: {  	[smem:$0x3FB0] =	sst s3  }
0xc: {  	[smem:$0x3FB1] =	sst s4  }
0xd: {  	[smem:$0x3FB2] =	sst s5  }
0xe: {  	[smem:$0x3FB3] =	sst s6  }
0xf: {  	[smem:$0x3FB4] =	sst s7  }
0x10: {  	[smem:$0x3FB5] =	sst s8  }
0x11: {  	[smem:$0x3FB6] =	sst s9;
	s0 =	simm.s32 @!p0 $0x0  }
0x12: {  	s1 =	sld [smem:$0x3F9C];
	s0 =	simm.s32 @p0 $0x1  }
0x13: {  	[smem:$0x3FB7] =	sst s0;
	s0 =	simm.s32 @!p1 $0x0  }
0x14: {  	s2 =	sld [smem:$0x3F9B];
	s0 =	simm.s32 @p1 $0x1  }
0x15: {  	[smem:$0x3FB8] =	sst s0;
	s0 =	simm.s32 @!p2 $0x0  }
0x16: {  	s3 =	sld [smem:$0x3FDB];
	s0 =	simm.s32 @p2 $0x1  }
0x17: {  	s4 =	simm.s32 $0x1BF5;
	[smem:$0x3FBA] =	sst s0  }
0x18: {  	s0 =	sld [smem:$0x3F9D];
	_ =	swait.ge [sflag:s4], $0x0  }
0x19: {  	s7 =	sld [smem:$0x3F9E]  }
0x1a: {  	s8 =	sadd.s32 $0xFFFFE003, lr  }
0x1b: {  	s9 =	sadd.s32 $0xFFFFFEF7, lr;
	s5 =	simm.s32 $0xFFFFFFFF;
	p2 =	slt.u32 s8, $0xFFFFF086  }
0x1c: {  	p1 =	slt.u32 s9, $0xF7A;
	s5 =	simm.s32 @!p2 $0x0  }
0x1d: {  	s5 =	simm.s32 @p1 $0x1;
	p0 =	seq.s32 s7, s2  }
0x1e: {  	s7 =	smul.u32 @!p0 $0xF7A, s2;
	p2 =	seq.s32 @!p0 s5, $0x0  }
0x1f: {  	s9 =	smul.u32 $0xF7A, s1;
	s8 =	simm.s32 @!p0 $0x1BF5;
	p2 =	por !p2, p0  }
0x20: {  	[sflag:s8] =	ssyncset.s32 @!p0 $0xFFFFF086;
	s6 =	sadd.s32 @!p0 s3, s7;
	s7 =	simm.s32 @!p0 $0x108  }
0x21: {  	s3 =	sadd.s32 s3, s9;
	s6 =	sadd.s32 @!p0 $0x88, s6;
	s7 =	simm.s32 @p2 $0x1082  }
0x22: {  	[simem:s7], [sflag:s8] =	dma.local @!p0 [hbm:s6], $0xF7A  }
0x23: {  	s9 =	sor.u32 $0xD0000000, s2;
	s6 =	simm.s32 $0x108;
	_ =	swait.ge @!p0 [sflag:s8], $0x0  }
0x24: {  	s3 =	sadd.s32 $0x88, s3;
	s6 =	simm.s32 @!p1 $0x1082;
	[sflag:s4] =	ssyncset.s32 $0xFFFFF086  }
0x25: {  	[simem:s6], [sflag:s4] =	dma.local [hbm:s3], $0xF7A  }
0x26: {  	[smem:$0x3F9E] =	sst s1;
	(tag) =	ssettag s2;
	_ =	strace s9  }
0x27: {  	s1 =	sld [smem:$0x3FAE]  }
0x28: {  	s2 =	sld [smem:$0x3FAF]  }
0x29: {  	s4 =	sld [smem:$0x3FB1]  }
0x2a: {  	p0 =	seq.s32 s5, $0x0;
	s5 =	sld [smem:$0x3FB2]  }
0x2b: {  	s6 =	sld [smem:$0x3FB3]  }
0x2c: {  	s7 =	sld [smem:$0x3FB4]  }
0x2d: {  	s3 =	simm.s32 $0x108;
	s8 =	sld [smem:$0x3FB5]  }
0x2e: {  	s3 =	simm.s32 @!p0 $0x1082;
	s9 =	sld [smem:$0x3FB6]  }
0x2f: {  	lr =	sadd.s32 s0, s3;
	s0 =	sld [smem:$0x3FAD]  }
0x30: {  	s3 =	sld [smem:$0x3FB0]  }
0x31: {  	[smem:$0x3FB9] =	sst s10  }
0x32: {  	s10 =	sld [smem:$0x3FB7];
	_ =	sdelay $0x3  }
0x33: {  	p0 =	seq.s32 s10, $0x1;
	s10 =	sld [smem:$0x3FB9];
	_ =	sdelay $0x3  }
0x34: {  	[smem:$0x3FB9] =	sst s10  }
0x35: {  	s10 =	sld [smem:$0x3FB8];
	_ =	sdelay $0x3  }
0x36: {  	p1 =	seq.s32 s10, $0x1;
	s10 =	sld [smem:$0x3FB9];
	_ =	sdelay $0x3  }
0x37: {  	[smem:$0x3FB9] =	sst s10  }
0x38: {  	s10 =	sld [smem:$0x3FBA]  }
0x39: {  	_ = 	snop;
	(pc) =	sbr.ind lr, $3  }
0x3a: {  	_ = 	snop  }
0x3b: {  	_ = 	snop  }
0x3c: {  	p2 =	seq.s32 s10, $0x1;
	s10 =	sld [smem:$0x3FB9]  }
0x3d: {  	_ =	shalt  }
0x3e: {  	_ =	shalt  }
0x3f: {  	_ =	shalt  }
0x40: {  	_ =	shalt  }
0x41: {  	_ =	shalt  }
0x42: {  	_ =	shalt  }
0x43: {  	_ =	shalt  }
0x44: {  	_ =	shalt  }
0x45: {  	_ =	shalt  }
0x46: {  	_ =	shalt  }
0x47: {  	_ =	shalt  }
0x48: {  	_ =	shalt  }
0x49: {  	_ =	shalt  }
0x4a: {  	_ =	shalt  }
0x4b: {  	_ =	shalt  }
0x4c: {  	_ =	shalt  }
0x4d: {  	_ =	shalt  }
0x4e: {  	_ =	shalt  }
0x4f: {  	_ =	shalt  }
0x50: {  	_ =	shalt  }
0x51: {  	_ =	shalt  }
0x52: {  	_ =	shalt  }
0x53: {  	_ =	shalt  }
0x54: {  	_ =	shalt  }
0x55: {  	_ =	shalt  }
0x56: {  	_ =	shalt  }
0x57: {  	_ =	shalt  }
0x58: {  	_ =	shalt  }
0x59: {  	_ =	shalt  }
0x5a: {  	_ =	shalt  }
0x5b: {  	_ =	shalt  }
0x5c: {  	_ =	shalt  }
0x5d: {  	_ =	shalt  }
0x5e: {  	_ =	shalt  }
0x5f: {  	_ =	shalt  }
0x60: {  	_ =	shalt  }
0x61: {  	_ =	shalt  }
0x62: {  	_ =	shalt  }
0x63: {  	_ =	shalt  }
0x64: {  	_ =	shalt  }
0x65: {  	_ =	shalt  }
0x66: {  	_ =	shalt  }
0x67: {  	_ =	shalt  }
0x68: {  	_ =	shalt  }
0x69: {  	_ =	shalt  }
0x6a: {  	_ =	shalt  }
0x6b: {  	_ =	shalt  }
0x6c: {  	_ =	shalt  }
0x6d: {  	_ =	shalt  }
0x6e: {  	_ =	shalt  }
0x6f: {  	_ =	shalt  }
0x70: {  	_ =	shalt  }
0x71: {  	_ =	shalt  }
0x72: {  	_ =	shalt  }
0x73: {  	_ =	shalt  }
0x74: {  	_ =	shalt  }
0x75: {  	_ =	shalt  }
0x76: {  	_ =	shalt  }
0x77: {  	_ =	shalt  }
0x78: {  	_ =	shalt  }
0x79: {  	_ =	shalt  }
0x7a: {  	_ =	shalt  }
0x7b: {  	_ =	shalt  }
0x7c: {  	_ =	shalt  }
0x7d: {  	_ =	shalt  }
0x7e: {  	_ =	shalt  }
0x7f: {  	_ =	shalt  }
0x80: {  	_ =	shalt  }
0x81: {  	_ =	shalt  }
0x82: {  	_ =	shalt  }
0x83: {  	_ =	shalt  }
0x84: {  	_ =	shalt  }
0x85: {  	_ =	shalt  }
0x86: {  	_ =	shalt  }
0x87: {  	_ =	shalt  }
.Lfunc_end0:
.L_simem_size_0:
called_computation_lowered:
.L_overlay_start_0:
0x88: {  	s2 =	sld [smem:$0x3FD9]  }
0x89: {  	s3 =	sld [smem:$0x3FFE];
	_ =	sdelay $0x1  }
0x8a: {  	s1 =	srdreg.scid  }
0x8b: {  	s0 =	sand.u32 $0x1, s1  }
0x8c: {  	s14 =	sshll.u32 s0, $0xA;
	s2 =	sadd.s32 s3, s2  }
0x8d: {  	s2 =	sadd.s32 s2, s14  }
0x8e: {  	[smem:$0x3FC5] =	sst s2  }
0x8f: {  	_ = 	snop  }
0x90: {  	s2 =	sld [smem:$0x3FD0];
	_ =	sdelay $0x1  }
0x91: {  	s15 =	sld [smem:$0x3FC8]  }
0x92: {  	s5 =	simm.s32 $0xA;
	s6 =	simm.s32 $0x10;
	s4 =	sld [smem:$0x3FC7]  }
0x93: {  	[smem:s6], [sflag:s5] =	dma.local [hbm:s2], $0x1  }
0x94: {  	_ =	swait.eq [sflag:s5], $0x1  }
0x95: {  	[sflag:s5] =	ssyncset.done $0x0  }
0x96: {  	[sflag:s5] =	ssyncadd.s32 $0xFFFFFFFF  }
0x97: {  	s16 =	sld [smem:$0x10];
	(tm) =	ssettm $0x1  }
0x98: {  	s17 =	sld [smem:$0x3FFB];
	_ =	sdelay $0x3  }
0x99: {  	_ =	strace s17  }
0x9a: {  	s5 =	sld [smem:$0x3FFC];
	_ =	sdelay $0x3  }
0x9b: {  	_ =	strace s5  }
0x9c: {  	s5 =	sld [smem:$0x3FFD];
	_ =	sdelay $0x3  }
0x9d: {  	_ =	strace s5  }
0x9e: {  	_ =	strace $0x8FFFFFFF  }
0x9f: {  	s18 =	sld [smem:$0x3FDB];
	_ =	sdelay $0x1  }
0xa0: {  	s19 =	simm.s32 $_scs_section_size  }
0xa1: {  	s7 =	simm.s32 $_size__tile_overlayer_lowered;
	s8 =	simm.s32 $_tile_overlayer_lowered  }
0xa2: {  	s22 =	simm.s32 $0x1BFF;
	s21 =	sshll.u32 s8, $0x1;
	s5 =	sadd.s32 s19, s18  }
0xa3: {  	s9 =	simm.s32 $0x0;
	s20 =	sshll.u32 s7, $0x1;
	s7 =	sadd.s32 s21, s5  }
0xa4: {  	[timem:s9], [sflag:s22] =	dma.local [hbm:s7], s20  }
0xa5: {  	_ =	swait.ge [sflag:s22], s20  }
0xa6: {  	s6 =	ssub.s32 $0x0, s20;
	[sflag:s22] =	ssyncset.done $0x0  }
0xa7: {  	[sflag:s22] =	ssyncadd.s32 s6;
	_ =	sdelay $0x1  }
0xa8: {  	s23 =	simm.s32 $0x1B8B  }
0xa9: {  	_ =	swait.ge [sflag:s23], $0x1  }
0xaa: {  	[sflag:s23] =	ssyncset.done $0x0  }
0xab: {  	s25 =	simm.s32 $0x1B8E;
	s24 =	sld [smem:$0x3FFE];
	[sflag:s23] =	ssyncadd.s32 $0xFFFFFFFF  }
0xac: {  	s26 =	simm.s32 $execute0_lowered;
	[smem:$0x3FD2] =	sst s25  }
0xad: {  	s7 =	sshll.u32 s26, $0x1;
	_ =	strace $0x80000046;
	[dreg:$0x1] =	wrdreg $0xFFFFFFFF  }
0xae: {  	s28 =	simm.s32 $_size_execute0_lowered;
	s5 =	sadd.s32 s5, s7;
	[dreg:$0x0] =	wrdreg $0x0  }
0xaf: {  	s7 =	sshll.u32 s28, $0x1;
	[dreg:$0x2] =	wrdreg s5  }
0xb0: {  	[dreg:$0x3] =	wrdreg s7  }
0xb1: {  	[dreg:$0x4] =	wrdreg $0xC0  }
0xb2: {  	_ =	task [dreg:s9], $0x5FFFF  }
0xb3: {  	[dreg:$0x1] =	wrdreg $0xFFFFFFFF  }
0xb4: {  	[dreg:$0x0] =	wrdreg $0x60  }
0xb5: {  	[dreg:$0x2] =	wrdreg s15  }
0xb6: {  	[dreg:$0x3] =	wrdreg s4  }
0xb7: {  	[dreg:$0x4] =	wrdreg s16  }
0xb8: {  	[dreg:$0x5] =	wrdreg s24  }
0xb9: {  	[dreg:$0x6] =	wrdreg $0x9  }
0xba: {  	_ =	task.clear_ibuf [dreg:s9], $0x7FFFF;
	_ =	strace $0x90000046  }
0xbb: {  	s29 =	simm.s32 $0x9;
	_ =	strace $0x80000048  }
0xbc: {  	_ =	swait.ge [sflag:s29], $0x1  }
0xbd: {  	[sflag:s29] =	ssyncadd.s32 $0xFFFFFFFF  }
0xbe: {  	_ =	strace $0x90000048  }
0xbf: {  	_ =	sfence  }
0xc0: {  	s30 =	sld [smem:$0x0];
	_ =	sdelay $0x2  }
0xc1: {  	s31 =	sshll.u32 s1, $0xD;
	s1 =	sshrl.u32 s1, $0x2  }
0xc2: {  	s3 =	sand.u32 $0x4000, s31;
	s1 =	sadd.s32 s1, s30  }
0xc3: {  	s0 =	sor.u32 s3, s0;
	s1 =	sshll.u32 s1, $0x11  }
0xc4: {  	s0 =	sor.u32 s1, s0  }
0xc5: {  	s0 =	sadd.s32 $0x8F2B, s0  }
0xc6: {  	[sflag:s0] =	ssyncadd.remote.s32 $0x1  }
0xc7: {  	_ =	sfence.sel $0xFFFF  }
0xc8: {  	[dreg:$0x0] =	wrdreg $0xFFFFFFFF;
	(pc) =	sbr.abs _section_cstart, $3  }
0xc9: {  	[dreg:$0x1] =	wrdreg $0xFFFFFFFF  }
0xca: {  	_ =	task.clear_ibuf [dreg:s9], $0x2FFFF;
	_ =	strace $0x9FFFFFFF  }
0xcb: {  	(tm) =	ssettm $0x7FFFFFFF  }
tec
execute0_lowered:
.L_overlay_start_1:
0x0: {  	(tag) =	ssettag $0x1  }
0x1: {  	s11 =	rddreg [dreg:$0x0]  }
0x2: {  	s12 =	rddreg [dreg:$0x1]  }
0x3: {  	s3 =	rddreg [dreg:$0x2]  }
0x4: {  	s5 =	rddreg [dreg:$0x3];
	s2 =	simm.s32 $0x0  }
0x5: {  	s10 =	simm.s32 $0x80;
	[smem:$0x7FF] =	sst s2  }
0x6: {  	s13 =	simm.s32 $0x500;
	_ =	strace $0x80000047;
	[dreg:$0x9] =	wrdreg s10  }
0x7: {  	s14 =	simm.s32 $0x4500;
	[dreg:$0xa] =	wrdreg s13  }
0x8: {  	s15 =	simm.s32 $0x900;
	[dreg:$0xb] =	wrdreg s14  }
0x9: {  	s16 =	simm.s32 $0x4900;
	[dreg:$0xc] =	wrdreg s15  }
0xa: {  	s17 =	simm.s32 $0xD00;
	[dreg:$0xd] =	wrdreg s16  }
0xb: {  	s18 =	simm.s32 $0x4D00;
	[dreg:$0xe] =	wrdreg s17  }
0xc: {  	s19 =	simm.s32 $0x1100;
	[dreg:$0xf] =	wrdreg s18  }
0xd: {  	s21 =	simm.s32 $0x5100;
	[dreg:$0x10] =	wrdreg s19  }
0xe: {  	s22 =	simm.s32 $0x1500;
	[dreg:$0x11] =	wrdreg s21  }
0xf: {  	s23 =	simm.s32 $0x5500;
	[dreg:$0x12] =	wrdreg s22  }
0x10: {  	s24 =	simm.s32 $0x1900;
	[dreg:$0x13] =	wrdreg s23  }
0x11: {  	s25 =	simm.s32 $0x5900;
	[dreg:$0x14] =	wrdreg s24  }
0x12: {  	s26 =	simm.s32 $0x1D00;
	[dreg:$0x15] =	wrdreg s25  }
0x13: {  	s28 =	simm.s32 $0x5D00;
	[dreg:$0x16] =	wrdreg s26  }
0x14: {  	s29 =	simm.s32 $0x2100;
	[dreg:$0x17] =	wrdreg s28  }
0x15: {  	s30 =	simm.s32 $0x6100;
	[dreg:$0x18] =	wrdreg s29  }
0x16: {  	s31 =	simm.s32 $0x2500;
	[dreg:$0x19] =	wrdreg s30  }
0x17: {  	[dreg:$0x1a] =	wrdreg s31;
	s10 =	simm.s32 $0x3100  }
0x18: {  	s13 =	simm.s32 $0x7100;
	[smem:$0x7F1] =	sst s10  }
0x19: {  	s14 =	simm.s32 $0x3500;
	[smem:$0x7F2] =	sst s13  }
0x1a: {  	s0 =	srdreg.scid;
	s15 =	simm.s32 $0x7500;
	[smem:$0x7F4] =	sst s14  }
0x1b: {  	s4 =	stileid.u32;
	s16 =	simm.s32 $0x3900;
	[smem:$0x7F5] =	sst s15  }
0x1c: {  	s20 =	sand.u32 $0x1, s0;
	s17 =	simm.s32 $0x7900;
	[smem:$0x7F7] =	sst s16  }
0x1d: {  	s6 =	sshll.u32 s4, $0x1;
	s18 =	simm.s32 $0x3D00;
	[smem:$0x7F9] =	sst s17  }
0x1e: {  	s0 =	sor.u32 s20, s6;
	s19 =	simm.s32 $0x7D00;
	[smem:$0x7FA] =	sst s18  }
0x1f: {  	s21 =	simm.s32 $0x8100;
	s23 =	simm.s32 $0x8180;
	[smem:$0x7FD] =	sst s19  }
0x20: {  	s1 =	sshll.u32 s0, $0x1;
	s7 =	sshll.u32 s0, $0x4;
	[smem:$0x7EA] =	sst s21  }
0x21: {  	[smem:$0x7EB] =	sst s23;
	s6 =	sadd.s32 s1, s5;
	s3 =	sadd.s32 s3, s1  }
0x22: {  	s5 =	sadd.s32 s7, s5;
	[dreg:$0x5] =	wrdreg s3;
	s7 =	sadd.s32 $0x2000, s6  }
0x23: {  	s8 =	sadd.s32 $0x2400, s5;
	[dreg:$0x6] =	wrdreg s7  }
0x24: {  	s9 =	sadd.s32 $0x2200, s5;
	[dreg:$0x7] =	wrdreg s8  }
0x25: {  	s5 =	simm.s32 $0x6500;
	[dreg:$0x8] =	wrdreg s9  }
0x26: {  	s6 =	simm.s32 $0x2900;
	[dreg:$0x1b] =	wrdreg s5  }
0x27: {  	[dreg:$0x1c] =	wrdreg s6  }
0x28: {  	s7 =	simm.s32 $0x6900;
	s22 =	rddreg [dreg:$0x5]  }
0x29: {  	s8 =	simm.s32 $0x2D00;
	[dreg:$0x1d] =	wrdreg s7  }
0x2a: {  	s9 =	simm.s32 $0x6D00;
	[dreg:$0x1e] =	wrdreg s8  }
0x2b: {  	s24 =	simm.s32 $0x3;
	[dreg:$0x1f] =	wrdreg s9  }
0x2c: {  	[tilespmem:s2], [sflag:$0x3] =	stream.linear.gather [hbm4b:s22+s2], $0x10, $0x38;
	[tilespmem:$0x8200] =	vst v63  }
0x2d: {  	_ =	swait.ge [sflag:s24], $0x10  }
0x2e: {  	s25 =	rddreg [dreg:$0x6];
	[sflag:s24] =	ssyncset.done $0x0  }
0x2f: {  	s26 =	rddreg [dreg:$0x9];
	[sflag:s24] =	ssyncadd.s32 $0xFFFFFFF0  }
0x30: {  	[tilespmem:s26], [sflag:$0x3] =	stream.linear.gather [hbm4b:s25+s2], $0x10, $0x38;
	[tilespmem:$0x8200] =	vst v63  }
0x31: {  	_ =	swait.ge [sflag:s24], $0x10  }
0x32: {  	[sflag:s24] =	ssyncset.done $0x0  }
0x33: {  	[sflag:s24] =	ssyncadd.s32 $0xFFFFFFF0  }
0x34: {  	v1 =	vld [tilespmem:$0x0];
	_ =	sdelay $0x4  }
0x35: {  	vm0 =	vmmov $0x1;
	v0 =	vand.u32 $0xFFFFFF80, v1  }
0x36: {  	v2 =	vnsel vm0, $0x0, v0  }
0x37: {  	v2 =	vxor.u32 $0x80000000, v2  }
0x38: {  	vm1 =	vcmask $0x308;
	(xrf0) =	vmax.scan.msk.u32 $0xffff, v2  }
0x39: {  	v2 =	vsel vm1, $0x0, v0  }
0x3a: {  	v2 =	vxor.u32 $0x80000000, v2  }
0x3b: {  	(xrf0) =	vmax.scan.msk.u32 $0xffff, v2  }
0x3c: {  	vm1 =	vcmask $0x70C  }
0x3d: {  	v2 =	vsel vm1, $0x0, v0  }
0x3e: {  	v2 =	vxor.u32 $0x80000000, v2;
	v3, _, _ =	vpop (xrf0)  }
0x3f: {  	(xrf0) =	vmax.scan.msk.u32 $0xffff, v2;
	(v2sf) =	vpush v3, $0xF;
	_ =	sdelay $0x1  }
0x40: {  	v2, _, _ =	vpop (xrf0)  }
0x41: {  	(v2sf) =	vpush v2, $0xF  }
0x42: {  	vm3 =	vcmask $0xB10  }
0x43: {  	v2 =	vsel vm3, $0x0, v0  }
0x44: {  	v2 =	vxor.u32 $0x80000000, v2;
	v3, _, _ =	vpop (xrf0)  }
0x45: {  	(xrf0) =	vmax.scan.msk.u32 $0xffff, v2;
	(v2sf) =	vpush v3, $0xF  }
0x46: {  	vm4 =	vcmask $0xF14  }
0x47: {  	v2 =	vsel vm4, $0x0, v0  }
0x48: {  	v2 =	vxor.u32 $0x80000000, v2;
	_ =	sdelay $0x2  }
0x49: {  	s28 =	sshrl.u32 s4, $0x1;
	(xrf0) =	vmax.scan.msk.u32 $0xffff, v2;
	v2, _, _ =	vpop (xrf0)  }
0x4a: {  	vm5 =	vcmask $0x1318;
	s4 =	smul.u32 $0xC3800, s28;
	(v2sf) =	vpush v2, $0xF  }
0x4b: {  	s17 =	simm.s32 $0x100;
	s21 =	simm.s32 $0x4100;
	v2 =	vsel vm5, $0x0, v0;
	s29 =	spop (v2sf)  }
0x4c: {  	s13 =	sadd.s32 $0x61C000, s4;
	s7 =	smul.u32 $0x187000, s0;
	v2 =	vxor.u32 $0x80000000, v2;
	s30 =	sshll.u32 s29, $0x3  }
0x4d: {  	s14 =	sadd.s32 $0xC38000, s4;
	s15 =	sadd.s32 $0x1254000, s4;
	s3 =	sand.u32 $0xFFFFFC00, s30  }
0x4e: {  	s9 =	rddreg [dreg:$0xa];
	s18 =	spop (v2sf);
	s8 =	sadd.s32 s7, s3  }
0x4f: {  	(xrf0) =	vmax.scan.msk.u32 $0xffff, v2;
	v2, _, _ =	vpop (xrf0);
	s6 =	sshll.u32 s18, $0x3;
	s3 =	sadd.s32 s4, s3;
	s8 =	sshrl.u32 s8, $0x3  }
0x50: {  	vm6 =	vcmask $0x171C;
	(v2sf) =	vpush v2, $0xF;
	s6 =	sand.u32 $0xFFFFFC00, s6;
	s3 =	sshrl.u32 s3, $0x3;
	s8 =	sadd.s32 s11, s8  }
0x51: {  	v2 =	vsel vm6, $0x0, v0;
	[tilespmem:s17], [sflag:$0x1] =	stream.linear.gather [hbm4b:s8+s2], $0x400, $0x38;
	[tilespmem:$0x8200] =	vst v63  }
0x52: {  	v2 =	vxor.u32 $0x80000000, v2;
	s10 =	sadd.s32 s7, s6;
	s3 =	sadd.s32 s12, s3;
	s19 =	spop (v2sf)  }
0x53: {  	s6 =	sadd.s32 s6, s13;
	s10 =	sshrl.u32 s10, $0x3;
	s8 =	sshll.u32 s19, $0x3  }
0x54: {  	[tilespmem:s21], [sflag:$0x2] =	stream.linear.gather [hbm4b:s3+s2], $0x400, $0x38;
	[tilespmem:$0x8200] =	vst v63  }
0x55: {  	(xrf0) =	vmax.scan.msk.u32 $0xffff, v2;
	v2, _, _ =	vpop (xrf0);
	s6 =	sshrl.u32 s6, $0x3;
	s22 =	sadd.s32 s11, s10;
	s8 =	sand.u32 $0xFFFFFC00, s8  }
0x56: {  	vm7 =	vcmask $0x1B20;
	(v2sf) =	vpush v2, $0xF;
	[tilespmem:s9], [sflag:$0x1] =	stream.linear.gather [hbm4b:s22+s2], $0x400, $0x38;
	[tilespmem:$0x8200] =	vst v63  }
0x57: {  	s31 =	rddreg [dreg:$0xb];
	s6 =	sadd.s32 s12, s6;
	v2 =	vsel vm7, $0x0, v0;
	s25 =	sadd.s32 s7, s8  }
0x58: {  	v2 =	vxor.u32 $0x80000000, v2;
	[tilespmem:s31], [sflag:$0x2] =	stream.linear.gather [hbm4b:s6+s2], $0x400, $0x38;
	[tilespmem:$0x8200] =	vst v63  }
0x59: {  	s24 =	rddreg [dreg:$0xc];
	s26 =	spop (v2sf);
	s6 =	sshrl.u32 s25, $0x3  }
0x5a: {  	(xrf0) =	vmax.scan.msk.u32 $0xffff, v2;
	s8 =	sadd.s32 s8, s14;
	s9 =	sshll.u32 s26, $0x3;
	s6 =	sadd.s32 s11, s6  }
0x5b: {  	v2, _, _ =	vpop (xrf0);
	[tilespmem:s24], [sflag:$0x1] =	stream.linear.gather [hbm4b:s6+s2], $0x400, $0x38;
	[tilespmem:$0x8200] =	vst v63  }
0x5c: {  	s16 =	sadd.s32 $0x1870000, s4;
	s8 =	sshrl.u32 s8, $0x3;
	(v2sf) =	vpush v2, $0xF;
	s29 =	sand.u32 $0xFFFFFC00, s9  }
0x5d: {  	s23 =	rddreg [dreg:$0xd];
	s8 =	sadd.s32 s12, s8;
	s9 =	sadd.s32 s7, s29  }
0x5e: {  	[tilespmem:s23], [sflag:$0x2] =	stream.linear.gather [hbm4b:s8+s2], $0x400, $0x38;
	[tilespmem:$0x8200] =	vst v63  }
0x5f: {  	s30 =	rddreg [dreg:$0xe];
	s9 =	sshrl.u32 s9, $0x3;
	s31 =	spop (v2sf)  }
0x60: {  	vm8 =	vcmask $0x1F24;
	s6 =	sadd.s32 s29, s15;
	s9 =	sadd.s32 s11, s9;
	s8 =	sshll.u32 s31, $0x3  }
0x61: {  	v3 =	vsel vm8, $0x0, v0;
	v2, _, _ =	vpop (xrf0);
	[tilespmem:s30], [sflag:$0x1] =	stream.linear.gather [hbm4b:s9+s2], $0x400, $0x38;
	[tilespmem:$0x8200] =	vst v63  }
0x62: {  	s28 =	rddreg [dreg:$0xf];
	s6 =	sshrl.u32 s6, $0x3;
	(v2sf) =	vpush v2, $0xF;
	v2 =	vxor.u32 $0x80000000, v3;
	s8 =	sand.u32 $0xFFFFFC00, s8  }
0x63: {  	s18 =	rddreg [dreg:$0x10];
	s6 =	sadd.s32 s12, s6;
	(xrf0) =	vmax.scan.msk.u32 $0xffff, v2;
	s19 =	sadd.s32 s7, s8  }
0x64: {  	[tilespmem:s28], [sflag:$0x2] =	stream.linear.gather [hbm4b:s6+s2], $0x400, $0x38;
	[tilespmem:$0x8200] =	vst v63  }
0x65: {  	s23 =	sadd.s32 s8, s16;
	s24 =	sshrl.u32 s19, $0x3;
	s22 =	spop (v2sf)  }
0x66: {  	s6 =	sshrl.u32 s23, $0x3;
	s8 =	sadd.s32 s11, s24;
	s5 =	sshll.u32 s22, $0x3  }
0x67: {  	[tilespmem:s18], [sflag:$0x1] =	stream.linear.gather [hbm4b:s8+s2], $0x400, $0x38;
	[tilespmem:$0x8200] =	vst v63  }
0x68: {  	s0 =	rddreg [dreg:$0x11];
	s6 =	sadd.s32 s12, s6;
	s5 =	sand.u32 $0xFFFFFC00, s5  }
0x69: {  	vm9 =	vcmask $0x2328;
	[tilespmem:s0], [sflag:$0x2] =	stream.linear.gather [hbm4b:s6+s2], $0x400, $0x38;
	[tilespmem:$0x8200] =	vst v63  }
0x6a: {  	s10 =	sadd.s32 $0x1E8C000, s4;
	s26 =	rddreg [dreg:$0x12];
	v2 =	vsel vm9, $0x0, v0;
	v3, _, _ =	vpop (xrf0);
	s28 =	sadd.s32 s7, s5  }
0x6b: {  	v2 =	vxor.u32 $0x80000000, v2;
	(v2sf) =	vpush v3, $0xF;
	s5 =	sadd.s32 s5, s10;
	s6 =	sshrl.u32 s28, $0x3;
	s29 =	spop (v2sf)  }
0x6c: {  	(xrf0) =	vmax.scan.msk.u32 $0xffff, v2;
	s5 =	sshrl.u32 s5, $0x3;
	s6 =	sadd.s32 s11, s6;
	s8 =	sshll.u32 s29, $0x3  }
0x6d: {  	[tilespmem:s26], [sflag:$0x1] =	stream.linear.gather [hbm4b:s6+s2], $0x400, $0x38;
	[tilespmem:$0x8200] =	vst v63  }
0x6e: {  	s25 =	rddreg [dreg:$0x13];
	s5 =	sadd.s32 s12, s5;
	s31 =	sand.u32 $0xFFFFFC00, s8  }
0x6f: {  	[tilespmem:s25], [sflag:$0x2] =	stream.linear.gather [hbm4b:s5+s2], $0x400, $0x38;
	[tilespmem:$0x8200] =	vst v63  }
0x70: {  	s9 =	sadd.s32 $0x24A8000, s4;
	s18 =	rddreg [dreg:$0x14];
	s8 =	sadd.s32 s7, s31  }
0x71: {  	vm10 =	vcmask $0x272C;
	s6 =	sadd.s32 s31, s9;
	s8 =	sshrl.u32 s8, $0x3;
	s19 =	spop (v2sf)  }
0x72: {  	v2 =	vsel vm10, $0x0, v0;
	v3, _, _ =	vpop (xrf0);
	s6 =	sshrl.u32 s6, $0x3;
	s8 =	sadd.s32 s11, s8;
	s5 =	sshll.u32 s19, $0x3  }
0x73: {  	v2 =	vxor.u32 $0x80000000, v2;
	(v2sf) =	vpush v3, $0xF;
	[tilespmem:s18], [sflag:$0x1] =	stream.linear.gather [hbm4b:s8+s2], $0x400, $0x38;
	[tilespmem:$0x8200] =	vst v63  }
0x74: {  	s30 =	rddreg [dreg:$0x15];
	(xrf0) =	vmax.scan.msk.u32 $0xffff, v2;
	s6 =	sadd.s32 s12, s6;
	s5 =	sand.u32 $0xFFFFFC00, s5  }
0x75: {  	[tilespmem:s30], [sflag:$0x2] =	stream.linear.gather [hbm4b:s6+s2], $0x400, $0x38;
	[tilespmem:$0x8200] =	vst v63  }
0x76: {  	s23 =	sadd.s32 s7, s5;
	s6 =	sadd.s32 $0x2AC4000, s4  }
0x77: {  	s24 =	sshrl.u32 s23, $0x3;
	s5 =	sadd.s32 s5, s6  }
0x78: {  	s22 =	rddreg [dreg:$0x16];
	s0 =	sadd.s32 s11, s24;
	s5 =	sshrl.u32 s5, $0x3  }
0x79: {  	vm11 =	vcmask $0x2B30;
	[tilespmem:s22], [sflag:$0x1] =	stream.linear.gather [hbm4b:s0+s2], $0x400, $0x38;
	[tilespmem:$0x8200] =	vst v63  }
0x7a: {  	v2 =	vsel vm11, $0x0, v0;
	s25 =	rddreg [dreg:$0x17];
	v3, _, _ =	vpop (xrf0);
	s5 =	sadd.s32 s12, s5;
	s26 =	spop (v2sf)  }
0x7b: {  	v2 =	vxor.u32 $0x80000000, v2;
	(v2sf) =	vpush v3, $0xF;
	[tilespmem:s25], [sflag:$0x2] =	stream.linear.gather [hbm4b:s5+s2], $0x400, $0x38;
	[tilespmem:$0x8200] =	vst v63  }
0x7c: {  	(xrf0) =	vmax.scan.msk.u32 $0xffff, v2;
	s3 =	sshll.u32 s26, $0x3  }
0x7d: {  	[smem:$0x7EC] =	sst s7;
	s7 =	sadd.s32 $0xC3800, s7;
	s3 =	sand.u32 $0xFFFFFC00, s3  }
0x7e: {  	s29 =	sadd.s32 s7, s3  }
0x7f: {  	s5 =	sshrl.u32 s29, $0x3  }
0x80: {  	vm12 =	vcmask $0x2F34;
	s28 =	rddreg [dreg:$0x18];
	s3 =	sadd.s32 s4, s3;
	s5 =	sadd.s32 s11, s5  }
0x81: {  	v2 =	vsel vm12, $0x0, v0;
	[tilespmem:s28], [sflag:$0x1] =	stream.linear.gather [hbm4b:s5+s2], $0x400, $0x38;
	[tilespmem:$0x8200] =	vst v63  }
0x82: {  	v2 =	vxor.u32 $0x80000000, v2;
	v3, _, _ =	vpop (xrf0);
	s3 =	sshrl.u32 s3, $0x3;
	s31 =	spop (v2sf)  }
0x83: {  	s30 =	rddreg [dreg:$0x19];
	(xrf0) =	vmax.scan.msk.u32 $0xffff, v2;
	s3 =	sadd.s32 s12, s3;
	(v2sf) =	vpush v3, $0xF;
	s5 =	sshll.u32 s31, $0x3  }
0x84: {  	[tilespmem:s30], [sflag:$0x2] =	stream.linear.gather [hbm4b:s3+s2], $0x400, $0x38;
	[tilespmem:$0x8200] =	vst v63  }
0x85: {  	s5 =	sand.u32 $0xFFFFFC00, s5  }
0x86: {  	s8 =	sadd.s32 s7, s5  }
0x87: {  	[smem:$0x7ED] =	sst s4;
	s5 =	sadd.s32 s5, s13;
	s3 =	sshrl.u32 s8, $0x3  }
0x88: {  	s4 =	rddreg [dreg:$0x1a];
	s5 =	sshrl.u32 s5, $0x3;
	s3 =	sadd.s32 s11, s3  }
0x89: {  	vm13 =	vcmask $0x3338;
	[tilespmem:s4], [sflag:$0x1] =	stream.linear.gather [hbm4b:s3+s2], $0x400, $0x38;
	[tilespmem:$0x8200] =	vst v63  }
0x8a: {  	s18 =	rddreg [dreg:$0x1b];
	v2 =	vsel vm13, $0x0, v0;
	v3, _, _ =	vpop (xrf0);
	s5 =	sadd.s32 s12, s5;
	s19 =	spop (v2sf)  }
0x8b: {  	v2 =	vxor.u32 $0x80000000, v2;
	(v2sf) =	vpush v3, $0xF;
	[tilespmem:s18], [sflag:$0x2] =	stream.linear.gather [hbm4b:s5+s2], $0x400, $0x38;
	[tilespmem:$0x8200] =	vst v63  }
0x8c: {  	(xrf0) =	vmax.scan.msk.u32 $0xffff, v2;
	s3 =	sshll.u32 s19, $0x3  }
0x8d: {  	s3 =	sand.u32 $0xFFFFFC00, s3  }
0x8e: {  	s23 =	sadd.s32 s7, s3  }
0x8f: {  	s5 =	sshrl.u32 s23, $0x3  }
0x90: {  	vm14 =	vcmask $0x373C;
	s22 =	rddreg [dreg:$0x1c];
	s3 =	sadd.s32 s3, s14;
	s5 =	sadd.s32 s11, s5  }
0x91: {  	v2 =	vsel vm14, $0x0, v0;
	[tilespmem:s22], [sflag:$0x1] =	stream.linear.gather [hbm4b:s5+s2], $0x400, $0x38;
	[tilespmem:$0x8200] =	vst v63  }
0x92: {  	v2 =	vxor.u32 $0x80000000, v2;
	v3, _, _ =	vpop (xrf0);
	s3 =	sshrl.u32 s3, $0x3;
	s25 =	spop (v2sf)  }
0x93: {  	s24 =	rddreg [dreg:$0x1d];
	(xrf0) =	vmax.scan.msk.u32 $0xffff, v2;
	s3 =	sadd.s32 s12, s3;
	(v2sf) =	vpush v3, $0xF;
	s5 =	sshll.u32 s25, $0x3  }
0x94: {  	[tilespmem:s24], [sflag:$0x2] =	stream.linear.gather [hbm4b:s3+s2], $0x400, $0x38;
	[tilespmem:$0x8200] =	vst v63  }
0x95: {  	s5 =	sand.u32 $0xFFFFFC00, s5  }
0x96: {  	s28 =	sadd.s32 s7, s5  }
0x97: {  	s5 =	sadd.s32 s5, s15;
	s3 =	sshrl.u32 s28, $0x3  }
0x98: {  	s26 =	rddreg [dreg:$0x1e];
	s5 =	sshrl.u32 s5, $0x3;
	s3 =	sadd.s32 s11, s3  }
0x99: {  	vm15 =	vmmov $0x7fff;
	[tilespmem:s26], [sflag:$0x1] =	stream.linear.gather [hbm4b:s3+s2], $0x400, $0x38;
	[tilespmem:$0x8200] =	vst v63  }
0x9a: {  	s29 =	rddreg [dreg:$0x1f];
	v0 =	vsel vm15, $0x0, v0;
	v2, _, _ =	vpop (xrf0);
	s5 =	sadd.s32 s12, s5;
	s30 =	spop (v2sf)  }
0x9b: {  	v0 =	vxor.u32 $0x80000000, v0;
	(v2sf) =	vpush v2, $0xF;
	[tilespmem:s29], [sflag:$0x2] =	stream.linear.gather [hbm4b:s5+s2], $0x400, $0x38;
	[tilespmem:$0x8200] =	vst v63  }
0x9c: {  	(xrf0) =	vmax.scan.msk.u32 $0xffff, v0;
	s3 =	sshll.u32 s30, $0x3  }
0x9d: {  	s3 =	sand.u32 $0xFFFFFC00, s3  }
0x9e: {  	s31 =	sld [smem:$0x7F1];
	s4 =	sadd.s32 s7, s3  }
0x9f: {  	s5 =	sshrl.u32 s4, $0x3  }
0xa0: {  	s8 =	sld [smem:$0x7F2];
	s3 =	sadd.s32 s3, s16;
	s5 =	sadd.s32 s11, s5  }
0xa1: {  	[tilespmem:s31], [sflag:$0x1] =	stream.linear.gather [hbm4b:s5+s2], $0x400, $0x38;
	[tilespmem:$0x8200] =	vst v63  }
0xa2: {  	[smem:$0x7EE] =	sst s13;
	v0, _, _ =	vpop (xrf0);
	s3 =	sshrl.u32 s3, $0x3;
	s13 =	spop (v2sf)  }
0xa3: {  	[smem:$0x7EF] =	sst s14;
	s3 =	sadd.s32 s12, s3;
	(v2sf) =	vpush v0, $0xF;
	s5 =	sshll.u32 s13, $0x3  }
0xa4: {  	[tilespmem:s8], [sflag:$0x2] =	stream.linear.gather [hbm4b:s3+s2], $0x400, $0x38;
	[tilespmem:$0x8200] =	vst v63  }
0xa5: {  	[smem:$0x7F0] =	sst s15;
	s5 =	sand.u32 $0xFFFFFC00, s5  }
0xa6: {  	s14 =	sld [smem:$0x7F4];
	s15 =	sadd.s32 s7, s5  }
0xa7: {  	[smem:$0x7F3] =	sst s16;
	s5 =	sadd.s32 s5, s10;
	s3 =	sshrl.u32 s15, $0x3  }
0xa8: {  	s16 =	sld [smem:$0x7F5];
	s5 =	sshrl.u32 s5, $0x3;
	s3 =	sadd.s32 s11, s3  }
0xa9: {  	[tilespmem:s14], [sflag:$0x1] =	stream.linear.gather [hbm4b:s3+s2], $0x400, $0x38;
	[tilespmem:$0x8200] =	vst v63  }
0xaa: {  	s5 =	sadd.s32 s12, s5;
	s18 =	spop (v2sf)  }
0xab: {  	[tilespmem:s16], [sflag:$0x2] =	stream.linear.gather [hbm4b:s5+s2], $0x400, $0x38;
	[tilespmem:$0x8200] =	vst v63  }
0xac: {  	s3 =	sshll.u32 s18, $0x3  }
0xad: {  	s3 =	sand.u32 $0xFFFFFC00, s3  }
0xae: {  	s19 =	sld [smem:$0x7F7];
	s22 =	sadd.s32 s7, s3  }
0xaf: {  	s5 =	sshrl.u32 s22, $0x3  }
0xb0: {  	s24 =	sld [smem:$0x7F9];
	s3 =	sadd.s32 s3, s9;
	s5 =	sadd.s32 s11, s5  }
0xb1: {  	[tilespmem:s19], [sflag:$0x1] =	stream.linear.gather [hbm4b:s5+s2], $0x400, $0x38;
	[tilespmem:$0x8200] =	vst v63  }
0xb2: {  	s3 =	sshrl.u32 s3, $0x3;
	s23 =	spop (v2sf)  }
0xb3: {  	[smem:$0x7F6] =	sst s10;
	s3 =	sadd.s32 s12, s3;
	s0 =	sshll.u32 s23, $0x3  }
0xb4: {  	[tilespmem:s24], [sflag:$0x2] =	stream.linear.gather [hbm4b:s3+s2], $0x400, $0x38;
	[tilespmem:$0x8200] =	vst v63  }
0xb5: {  	[smem:$0x7F8] =	sst s9;
	s0 =	sand.u32 $0xFFFFFC00, s0  }
0xb6: {  	s25 =	sld [smem:$0x7FA];
	s26 =	sadd.s32 s7, s0  }
0xb7: {  	[smem:$0x7FB] =	sst s7;
	s0 =	sadd.s32 s0, s6;
	s5 =	sshrl.u32 s26, $0x3  }
0xb8: {  	s28 =	sld [smem:$0x7FD];
	s0 =	sshrl.u32 s0, $0x3;
	s5 =	sadd.s32 s11, s5  }
0xb9: {  	[tilespmem:s25], [sflag:$0x1] =	stream.linear.gather [hbm4b:s5+s2], $0x400, $0x38;
	[tilespmem:$0x8200] =	vst v63  }
0xba: {  	[smem:$0x7FC] =	sst s6;
	s18 =	simm.s32 $0x1;
	s0 =	sadd.s32 s12, s0  }
0xbb: {  	[tilespmem:s28], [sflag:$0x2] =	stream.linear.gather [hbm4b:s0+s2], $0x400, $0x38;
	[tilespmem:$0x8200] =	vst v63  }
0xbc: {  	_ =	swait.ge [sflag:s18], $0x400  }
0xbd: {  	[sflag:s18] =	ssyncset.done $0x0  }
0xbe: {  	s19 =	simm.s32 $0x2;
	[sflag:s18] =	ssyncadd.s32 $0xFFFFFC00  }
0xbf: {  	_ =	swait.ge [sflag:s19], $0x400  }
0xc0: {  	[sflag:s19] =	ssyncset.done $0x0  }
0xc1: {  	[sflag:s19] =	ssyncadd.s32 $0xFFFFFC00  }
0xc2: {  	_ =	swait.ge [sflag:s18], $0x400  }
0xc3: {  	[sflag:s18] =	ssyncset.done $0x0  }
0xc4: {  	[sflag:s18] =	ssyncadd.s32 $0xFFFFFC00  }
0xc5: {  	_ =	swait.ge [sflag:s19], $0x400  }
0xc6: {  	[sflag:s19] =	ssyncset.done $0x0  }
0xc7: {  	[sflag:s19] =	ssyncadd.s32 $0xFFFFFC00  }
0xc8: {  	_ =	swait.ge [sflag:s18], $0x400  }
0xc9: {  	[sflag:s18] =	ssyncset.done $0x0  }
0xca: {  	[sflag:s18] =	ssyncadd.s32 $0xFFFFFC00  }
0xcb: {  	_ =	swait.ge [sflag:s19], $0x400  }
0xcc: {  	[sflag:s19] =	ssyncset.done $0x0  }
0xcd: {  	[sflag:s19] =	ssyncadd.s32 $0xFFFFFC00  }
0xce: {  	_ =	swait.ge [sflag:s18], $0x400  }
0xcf: {  	[sflag:s18] =	ssyncset.done $0x0  }
0xd0: {  	[sflag:s18] =	ssyncadd.s32 $0xFFFFFC00  }
0xd1: {  	_ =	swait.ge [sflag:s19], $0x400  }
0xd2: {  	[sflag:s19] =	ssyncset.done $0x0  }
0xd3: {  	[sflag:s19] =	ssyncadd.s32 $0xFFFFFC00  }
0xd4: {  	_ =	swait.ge [sflag:s18], $0x400  }
0xd5: {  	[sflag:s18] =	ssyncset.done $0x0  }
0xd6: {  	[sflag:s18] =	ssyncadd.s32 $0xFFFFFC00  }
0xd7: {  	_ =	swait.ge [sflag:s19], $0x400  }
0xd8: {  	[sflag:s19] =	ssyncset.done $0x0  }
0xd9: {  	[sflag:s19] =	ssyncadd.s32 $0xFFFFFC00  }
0xda: {  	_ =	swait.ge [sflag:s18], $0x400  }
0xdb: {  	[sflag:s18] =	ssyncset.done $0x0  }
0xdc: {  	[sflag:s18] =	ssyncadd.s32 $0xFFFFFC00  }
0xdd: {  	_ =	swait.ge [sflag:s19], $0x400  }
0xde: {  	[sflag:s19] =	ssyncset.done $0x0  }
0xdf: {  	[sflag:s19] =	ssyncadd.s32 $0xFFFFFC00  }
0xe0: {  	_ =	swait.ge [sflag:s18], $0x400  }
0xe1: {  	[sflag:s18] =	ssyncset.done $0x0  }
0xe2: {  	[sflag:s18] =	ssyncadd.s32 $0xFFFFFC00  }
0xe3: {  	_ =	swait.ge [sflag:s19], $0x400  }
0xe4: {  	[sflag:s19] =	ssyncset.done $0x0  }
0xe5: {  	[sflag:s19] =	ssyncadd.s32 $0xFFFFFC00  }
0xe6: {  	_ =	swait.ge [sflag:s18], $0x400  }
0xe7: {  	[sflag:s18] =	ssyncset.done $0x0  }
0xe8: {  	[sflag:s18] =	ssyncadd.s32 $0xFFFFFC00  }
0xe9: {  	_ =	swait.ge [sflag:s19], $0x400  }
0xea: {  	[sflag:s19] =	ssyncset.done $0x0  }
0xeb: {  	[sflag:s19] =	ssyncadd.s32 $0xFFFFFC00  }
0xec: {  	_ =	swait.ge [sflag:s18], $0x400  }
0xed: {  	[sflag:s18] =	ssyncset.done $0x0  }
0xee: {  	[sflag:s18] =	ssyncadd.s32 $0xFFFFFC00  }
0xef: {  	_ =	swait.ge [sflag:s19], $0x400  }
0xf0: {  	[sflag:s19] =	ssyncset.done $0x0  }
0xf1: {  	[sflag:s19] =	ssyncadd.s32 $0xFFFFFC00  }
0xf2: {  	_ =	swait.ge [sflag:s18], $0x400  }
0xf3: {  	[sflag:s18] =	ssyncset.done $0x0  }
0xf4: {  	[sflag:s18] =	ssyncadd.s32 $0xFFFFFC00  }
0xf5: {  	_ =	swait.ge [sflag:s19], $0x400  }
0xf6: {  	[sflag:s19] =	ssyncset.done $0x0  }
0xf7: {  	[sflag:s19] =	ssyncadd.s32 $0xFFFFFC00  }
0xf8: {  	_ =	swait.ge [sflag:s18], $0x400  }
0xf9: {  	[sflag:s18] =	ssyncset.done $0x0  }
0xfa: {  	[sflag:s18] =	ssyncadd.s32 $0xFFFFFC00  }
0xfb: {  	_ =	swait.ge [sflag:s19], $0x400  }
0xfc: {  	[sflag:s19] =	ssyncset.done $0x0  }
0xfd: {  	[sflag:s19] =	ssyncadd.s32 $0xFFFFFC00  }
0xfe: {  	_ =	swait.ge [sflag:s18], $0x400  }
0xff: {  	[sflag:s18] =	ssyncset.done $0x0  }
0x100: {  	[sflag:s18] =	ssyncadd.s32 $0xFFFFFC00  }
0x101: {  	_ =	swait.ge [sflag:s19], $0x400  }
0x102: {  	[sflag:s19] =	ssyncset.done $0x0  }
0x103: {  	[sflag:s19] =	ssyncadd.s32 $0xFFFFFC00  }
0x104: {  	_ =	swait.ge [sflag:s18], $0x400  }
0x105: {  	[sflag:s18] =	ssyncset.done $0x0  }
0x106: {  	[sflag:s18] =	ssyncadd.s32 $0xFFFFFC00  }
0x107: {  	vm2 =	vmmov vm1;
	vm1 =	vcmask $0x300;
	v0 =	vimm.s32 $0x3F80;
	_ =	swait.ge [sflag:s19], $0x400  }
0x108: {  	v0 =	vsel vm1, $0x0, v0;
	vm1 =	vcmask $0x704;
	[sflag:s19] =	ssyncset.done $0x0  }
0x109: {  	v0 =	vsel vm1, $0x480, v0;
	vm1 =	vcmask $0xB08;
	[sflag:s19] =	ssyncadd.s32 $0xFFFFFC00  }
0x10a: {  	v0 =	vsel vm1, $0x900, v0;
	vm1 =	vcmask $0xF0C;
	_ =	swait.ge [sflag:s18], $0x400  }
0x10b: {  	v0 =	vsel vm1, $0xD80, v0;
	vm1 =	vcmask $0x1310;
	[sflag:s18] =	ssyncset.done $0x0  }
0x10c: {  	v0 =	vsel vm1, $0x1200, v0;
	vm1 =	vcmask $0x1714;
	[sflag:s18] =	ssyncadd.s32 $0xFFFFFC00  }
0x10d: {  	v0 =	vsel vm1, $0x1680, v0;
	vm1 =	vcmask $0x1B18;
	_ =	swait.ge [sflag:s19], $0x400  }
0x10e: {  	v0 =	vsel vm1, $0x1B00, v0;
	vm1 =	vcmask $0x1F1C;
	[sflag:s19] =	ssyncset.done $0x0  }
0x10f: {  	v0 =	vsel vm1, $0x1F80, v0;
	vm1 =	vcmask $0x2320;
	[sflag:s19] =	ssyncadd.s32 $0xFFFFFC00  }
0x110: {  	v0 =	vsel vm1, $0x2000, v0;
	vm1 =	vcmask $0x2724;
	_ =	swait.ge [sflag:s18], $0x400  }
0x111: {  	v0 =	vsel vm1, $0x2480, v0;
	vm1 =	vcmask $0x2B28;
	[sflag:s18] =	ssyncset.done $0x0  }
0x112: {  	v0 =	vsel vm1, $0x2900, v0;
	vm1 =	vcmask $0x2F2C;
	[sflag:s18] =	ssyncadd.s32 $0xFFFFFC00  }
0x113: {  	v0 =	vsel vm1, $0x2D80, v0;
	vm1 =	vcmask $0x3330;
	_ =	swait.ge [sflag:s19], $0x400  }
0x114: {  	v0 =	vsel vm1, $0x3200, v0;
	vm1 =	vcmask $0x3734;
	[sflag:s19] =	ssyncset.done $0x0  }
0x115: {  	v0 =	vsel vm1, $0x3680, v0;
	vm1 =	vcmask $0x3B38;
	[sflag:s19] =	ssyncadd.s32 $0xFFFFFC00  }
0x116: {  	v2 =	vand.u32 $0x7F, v1;
	v0 =	vsel vm1, $0x3B00, v0;
	_ =	swait.ge [sflag:s18], $0x400  }
0x117: {  	v1 =	vor.u32 v0, v2;
	[sflag:s18] =	ssyncset.done $0x0  }
0x118: {  	[sflag:s18] =	ssyncadd.s32 $0xFFFFFC00  }
0x119: {  	_ =	swait.ge [sflag:s19], $0x400  }
0x11a: {  	[sflag:s19] =	ssyncset.done $0x0  }
0x11b: {  	[sflag:s19] =	ssyncadd.s32 $0xFFFFFC00  }
0x11c: {  	v7 =	vlaneseq.u32;
	v3 =	vld.idx.msk [tilespmem:v1+s17+$0x0], $0xffff  }
0x11d: {  	s29 =	sand.u32 $0x6, s1;
	v1 =	vshrl.u32 v7, $0x3  }
0x11e: {  	v4 =	vmov s29;
	v1 =	vmul.u32 $0x80, v1  }
0x11f: {  	v5 =	vmul.u32 $0x400, v7;
	v4 =	vshll.u32 v4, $0x7  }
0x120: {  	v1 =	vor.u32 v1, v4  }
0x121: {  	v1 =	vor.u32 v5, v1;
	v3 =	vmax.f32 v3, $1.000000010e-10  }
0x122: {  	v2 =	vor.u32 v1, v2;
	(erf) = vrcp.f32 v3;
	_ =	sdelay $0x2  }
0x123: {  	v4 =	vimm.s32 $0x67452301;
	v3 =	vimm.s32 $0xEFCDAB89  }
0x124: {  	v4 =	vunpack.c.l.s4.s8 v4;
	v3 =	vunpack.c.l.s4.s8 v3  }
0x125: {  	v5 =	vld.idx.msk [tilespmem:v2+s21+$0x0], $0xffff  }
0x126: {  	v2 =	vunpack.c.0.s8.s32 v3;
	v3 =	vunpack.c.0.s8.s32 v4;
	v4 =	vimm.s32 $0xDCFE98BA  }
0x127: {  	v8 =	vimm.s32 $0x54761032;
	v6 =	vld [tilespmem:$0x80]  }
0x128: {  	v8 =	vunpack.c.l.s4.s8 v8  }
0x129: {  	v10 =	vunpack.c.l.s4.s8 v4;
	v9 =	vcombine.low v3, v2;
	v4 =	vpop (erf)  }
0x12a: {  	v11 =	vimm.s32 $0x32107654;
	v8 =	vunpack.c.0.s8.s32 v8;
	v5 =	vmul.f32 v4, v5  }
0x12b: {  	v2 =	vimm.s32 $0x0;
	v3 =	vand.u32 $0x7, v7;
	v4 =	vand.u32 $0xF, v9  }
0x12c: {  	v9 =	vunpack.c.0.s8.s32 v10;
	v10 =	vimm.s32 $0xBA98FEDC;
	vm1 =	vlt.f32 v6, v5  }
0x12d: {  	v5 =	vunpack.c.l.s4.s8 v10;
	v6 =	vunpack.c.l.s4.s8 v11;
	v10 =	vsel vm1, $0x1, v2  }
0x12e: {  	s30 =	ssub.s32 $0x2, s20;
	v8 =	vcombine.low v8, v9;
	v11 =	vsel vm1, $0x63, v3;
	v9 =	vperm.xlane v10, v4  }
0x12f: {  	s31 =	sshrl.u32 s30, $0x1;
	v12 =	vunpack.c.0.s8.s32 v5;
	v6 =	vunpack.c.0.s8.s32 v6;
	v13 =	vperm.xlane v11, v4  }
0x130: {  	s0 =	ssub.s32 s30, s31;
	v5 =	vand.u32 $0xF, v8;
	v8 =	vadd.s32 v10, v9  }
0x131: {  	s0 =	smax.u32 s0, $0x1;
	v6 =	vcombine.low v6, v12;
	vm1 =	vlt.s32 v11, v13;
	v9 =	vperm.xlane v8, v5  }
0x132: {  	p0 =	sne.s32 s0, $0x1;
	v10 =	vsel vm1, v11, v13  }
.Ltmp0:
0x133: {  	v6 =	vand.u32 $0xF, v6;
	v11 =	vperm.xlane v10, v5;
	v9 =	vadd.s32 v9, v8;
	(pc) =	sbr.rel @!p0 .LBB2_2-.Ltmp0, $4  }
0x134: {  	v7 =	vand.u32 $0x1, v7;
	v63 =	vperm.xlane v9, v6  }
0x135: {  	v7 =	vmul.u32 $0x8, v7;
	vm1 =	vlt.s32 v10, v11  }
0x136: {  	v8 =	vsel vm1, v10, v11;
	v9 =	vadd.s32 v63, v9  }
0x137: {  	s12 =	sadd.s32 $0xFFFFFFFF, s0;
	v10 =	vperm.xlane v8, v6;
	v9 =	vperm.xlane v9, v7  }
.LBB2_1:
0x138: {  	_ = 	snop  }
0x139: {  	vm1 =	vlt.s32 v8, v10  }
0x13a: {  	v8 =	vsel vm1, v8, v10  }
0x13b: {  	vm1 =	vlt.s32 v8, $0x8  }
0x13c: {  	v8 =	vnsel vm1, $0x8, v8  }
0x13d: {  	s0 =	sld [smem:$0x7EA];
	v8 =	vperm.xlane v8, v7  }
0x13e: {  	[tilespmem:$0x8100] =	vst v9  }
0x13f: {  	s1 =	rddreg [dreg:$0x7];
	s3 =	simm.s32 $0x3;
	[tilespmem:$0x8180] =	vst v8  }
0x140: {  	[hbm4b:s1+s2] =	stream.linear.scatter [tilespmem:s0], [sflag:$0x3], $0x80, $0x38;
	[tilespmem:$0x8200] =	vst v63  }
0x141: {  	_ =	swait.ge [sflag:s3], $0x80  }
0x142: {  	s8 =	sld [smem:$0x7EB]  }
0x143: {  	[sflag:s3] =	ssyncset.done $0x0  }
0x144: {  	s7 =	rddreg [dreg:$0x8];
	[sflag:s3] =	ssyncadd.s32 $0xFFFFFF80  }
0x145: {  	[hbm4b:s7+s2] =	stream.linear.scatter [tilespmem:s8], [sflag:$0x3], $0x80, $0x38;
	[tilespmem:$0x8200] =	vst v63  }
0x146: {  	_ =	swait.ge [sflag:s3], $0x80  }
0x147: {  	[sflag:s3] =	ssyncset.done $0x0  }
0x148: {  	s9 =	rddreg [dreg:$0x5];
	[sflag:s3] =	ssyncadd.s32 $0xFFFFFF80  }
0x149: {  	[tilespmem:s2], [sflag:$0x3] =	stream.linear.gather [hbm4b:s9+s2], $0x10, $0x38;
	[tilespmem:$0x8200] =	vst v63  }
0x14a: {  	_ =	swait.ge [sflag:s3], $0x10  }
0x14b: {  	s10 =	rddreg [dreg:$0x6];
	[sflag:s3] =	ssyncset.done $0x0  }
0x14c: {  	s11 =	rddreg [dreg:$0x9];
	[sflag:s3] =	ssyncadd.s32 $0xFFFFFFF0  }
0x14d: {  	[tilespmem:s11], [sflag:$0x3] =	stream.linear.gather [hbm4b:s10+s2], $0x10, $0x38;
	[tilespmem:$0x8200] =	vst v63  }
0x14e: {  	_ =	swait.ge [sflag:s3], $0x10  }
0x14f: {  	s13 =	sld [smem:$0x7FA]  }
0x150: {  	s14 =	sld [smem:$0x7F7]  }
0x151: {  	s15 =	sld [smem:$0x7F5]  }
0x152: {  	s16 =	sld [smem:$0x7F4]  }
0x153: {  	s17 =	sld [smem:$0x7F2]  }
0x154: {  	s20 =	sld [smem:$0x7F1]  }
0x155: {  	s21 =	rddreg [dreg:$0x1f]  }
0x156: {  	[sflag:s3] =	ssyncset.done $0x0;
	s22 =	rddreg [dreg:$0x1e]  }
0x157: {  	s23 =	rddreg [dreg:$0x1d];
	[sflag:s3] =	ssyncadd.s32 $0xFFFFFFF0  }
0x158: {  	s24 =	rddreg [dreg:$0x1c];
	v8 =	vld [tilespmem:$0x0]  }
0x159: {  	s25 =	rddreg [dreg:$0x1b]  }
0x15a: {  	s26 =	rddreg [dreg:$0x1a]  }
0x15b: {  	s1 =	rddreg [dreg:$0x19]  }
0x15c: {  	s8 =	rddreg [dreg:$0x17]  }
0x15d: {  	s6 =	rddreg [dreg:$0x16];
	v9 =	vand.u32 $0xFFFFFF80, v8  }
0x15e: {  	vm1 =	vcmask $0x308;
	s9 =	rddreg [dreg:$0x15];
	v10 =	vnsel vm0, $0x0, v9  }
0x15f: {  	s10 =	rddreg [dreg:$0x14];
	v11 =	vsel vm1, $0x0, v9;
	v10 =	vxor.u32 $0x80000000, v10  }
0x160: {  	s11 =	rddreg [dreg:$0x13];
	v11 =	vxor.u32 $0x80000000, v11;
	(xrf0) =	vmax.scan.msk.u32 $0xffff, v10  }
0x161: {  	s5 =	rddreg [dreg:$0xf];
	v12 =	vsel vm2, $0x0, v9;
	(xrf0) =	vmax.scan.msk.u32 $0xffff, v11  }
0x162: {  	s30 =	sld [smem:$0x7EC];
	v12 =	vxor.u32 $0x80000000, v12  }
0x163: {  	s0 =	sld [smem:$0x7ED];
	(xrf0) =	vmax.scan.msk.u32 $0xffff, v12  }
0x164: {  	s31 =	sld [smem:$0x7EE]  }
0x165: {  	[smem:$0x7E3] =	sst s21  }
0x166: {  	[smem:$0x7E2] =	sst s22;
	v19, _, _ =	vpop (xrf0)  }
0x167: {  	[smem:$0x7E1] =	sst s23;
	(v2sf) =	vpush v19, $0xF;
	v50, _, _ =	vpop (xrf0)  }
0x168: {  	[smem:$0x7E0] =	sst s24;
	(v2sf) =	vpush v50, $0xF  }
0x169: {  	[smem:$0x7DF] =	sst s25;
	v52, _, _ =	vpop (xrf0)  }
0x16a: {  	[smem:$0x7DE] =	sst s26;
	v13 =	vsel vm3, $0x0, v9;
	(v2sf) =	vpush v52, $0xF  }
0x16b: {  	s3 =	rddreg [dreg:$0xe];
	v10 =	vxor.u32 $0x80000000, v13  }
0x16c: {  	s21 =	rddreg [dreg:$0xd];
	(xrf0) =	vmax.scan.msk.u32 $0xffff, v10  }
0x16d: {  	s22 =	rddreg [dreg:$0xc]  }
0x16e: {  	s23 =	rddreg [dreg:$0xb]  }
0x16f: {  	s25 =	rddreg [dreg:$0xa]  }
0x170: {  	s29 =	rddreg [dreg:$0x0]  }
0x171: {  	[smem:$0x7E8] =	sst s14;
	v14 =	vsel vm4, $0x0, v9  }
0x172: {  	[smem:$0x7E7] =	sst s15;
	v40 =	vxor.u32 $0x80000000, v14;
	v53, _, _ =	vpop (xrf0)  }
0x173: {  	[smem:$0x7E6] =	sst s16;
	(xrf0) =	vmax.scan.msk.u32 $0xffff, v40;
	(v2sf) =	vpush v53, $0xF  }
0x174: {  	[smem:$0x7E5] =	sst s17  }
0x175: {  	[smem:$0x7E4] =	sst s20;
	v15 =	vsel vm5, $0x0, v9  }
0x176: {  	s14 =	rddreg [dreg:$0x12];
	v41 =	vxor.u32 $0x80000000, v15;
	s24 =	spop (v2sf)  }
0x177: {  	s17 =	rddreg [dreg:$0x1];
	(xrf0) =	vmax.scan.msk.u32 $0xffff, v41;
	s24 =	sshll.u32 s24, $0x3;
	s26 =	spop (v2sf)  }
0x178: {  	s20 =	simm.s32 $0x100;
	s24 =	sand.u32 $0xFFFFFC00, s24;
	s26 =	sshll.u32 s26, $0x3  }
0x179: {  	v54, _, _ =	vpop (xrf0);
	s4 =	spop (v2sf);
	s7 =	sadd.s32 s30, s24;
	s24 =	sadd.s32 s0, s24  }
0x17a: {  	v11 =	vsel vm6, $0x0, v9;
	(v2sf) =	vpush v54, $0xF;
	s26 =	sand.u32 $0xFFFFFC00, s26;
	s4 =	sshll.u32 s4, $0x3;
	s7 =	sshrl.u32 s7, $0x3  }
0x17b: {  	v11 =	vxor.u32 $0x80000000, v11;
	s24 =	sshrl.u32 s24, $0x3;
	s28 =	sadd.s32 s30, s26;
	s26 =	sadd.s32 s26, s31  }
0x17c: {  	(xrf0) =	vmax.scan.msk.u32 $0xffff, v11;
	s4 =	sand.u32 $0xFFFFFC00, s4;
	s7 =	sadd.s32 s29, s7;
	s28 =	sshrl.u32 s28, $0x3  }
0x17d: {  	v55, _, _ =	vpop (xrf0);
	[tilespmem:s20], [sflag:$0x1] =	stream.linear.gather [hbm4b:s7+s2], $0x400, $0x38;
	[tilespmem:$0x8200] =	vst v63  }
0x17e: {  	(v2sf) =	vpush v55, $0xF;
	s24 =	sadd.s32 s17, s24;
	s7 =	sadd.s32 s29, s28;
	s28 =	simm.s32 $0x4100  }
0x17f: {  	[tilespmem:s28], [sflag:$0x2] =	stream.linear.gather [hbm4b:s24+s2], $0x400, $0x38;
	[tilespmem:$0x8200] =	vst v63  }
0x180: {  	v42 =	vsel vm7, $0x0, v9;
	s20 =	sld [smem:$0x7EF];
	s24 =	sshrl.u32 s26, $0x3;
	s28 =	sadd.s32 s30, s4  }
0x181: {  	v43 =	vxor.u32 $0x80000000, v42;
	[tilespmem:s25], [sflag:$0x1] =	stream.linear.gather [hbm4b:s7+s2], $0x400, $0x38;
	[tilespmem:$0x8200] =	vst v63  }
0x182: {  	(xrf0) =	vmax.scan.msk.u32 $0xffff, v43;
	s26 =	spop (v2sf);
	s28 =	sshrl.u32 s28, $0x3;
	s25 =	sadd.s32 s17, s24  }
0x183: {  	v56, _, _ =	vpop (xrf0);
	[tilespmem:s23], [sflag:$0x2] =	stream.linear.gather [hbm4b:s25+s2], $0x400, $0x38;
	[tilespmem:$0x8200] =	vst v63  }
0x184: {  	(v2sf) =	vpush v56, $0xF;
	s4 =	sadd.s32 s4, s20;
	s26 =	sshll.u32 s26, $0x3;
	s25 =	sadd.s32 s29, s28  }
0x185: {  	[tilespmem:s22], [sflag:$0x1] =	stream.linear.gather [hbm4b:s25+s2], $0x400, $0x38;
	[tilespmem:$0x8200] =	vst v63  }
0x186: {  	s4 =	sshrl.u32 s4, $0x3;
	s28 =	sand.u32 $0xFFFFFC00, s26;
	s25 =	sld [smem:$0x7F0]  }
0x187: {  	s15 =	rddreg [dreg:$0x11];
	v16 =	vsel vm8, $0x0, v9;
	s4 =	sadd.s32 s17, s4;
	s26 =	sadd.s32 s30, s28  }
0x188: {  	v44 =	vxor.u32 $0x80000000, v16;
	v57, _, _ =	vpop (xrf0);
	[tilespmem:s21], [sflag:$0x2] =	stream.linear.gather [hbm4b:s4+s2], $0x400, $0x38;
	[tilespmem:$0x8200] =	vst v63  }
0x189: {  	(xrf0) =	vmax.scan.msk.u32 $0xffff, v44;
	s24 =	spop (v2sf);
	(v2sf) =	vpush v57, $0xF;
	s23 =	sshrl.u32 s26, $0x3;
	s28 =	sadd.s32 s28, s25  }
0x18a: {  	s4 =	sadd.s32 s29, s23;
	s26 =	sshrl.u32 s28, $0x3;
	s28 =	sshll.u32 s24, $0x3  }
0x18b: {  	[tilespmem:s3], [sflag:$0x1] =	stream.linear.gather [hbm4b:s4+s2], $0x400, $0x38;
	[tilespmem:$0x8200] =	vst v63  }
0x18c: {  	s23 =	sld [smem:$0x7F3];
	s21 =	sand.u32 $0xFFFFFC00, s28  }
0x18d: {  	v10 =	vsel vm9, $0x0, v9;
	s22 =	spop (v2sf);
	s4 =	sadd.s32 s17, s26;
	s7 =	sadd.s32 s30, s21  }
0x18e: {  	v10 =	vxor.u32 $0x80000000, v10;
	[tilespmem:s5], [sflag:$0x2] =	stream.linear.gather [hbm4b:s4+s2], $0x400, $0x38;
	[tilespmem:$0x8200] =	vst v63  }
0x18f: {  	s16 =	rddreg [dreg:$0x10];
	(xrf0) =	vmax.scan.msk.u32 $0xffff, v10;
	v58, _, _ =	vpop (xrf0);
	s26 =	sshrl.u32 s7, $0x3;
	s7 =	sshll.u32 s22, $0x3  }
0x190: {  	(v2sf) =	vpush v58, $0xF;
	s24 =	sadd.s32 s21, s23;
	s3 =	sadd.s32 s29, s26;
	s5 =	sand.u32 $0xFFFFFC00, s7  }
0x191: {  	v45 =	vsel vm10, $0x0, v9;
	[tilespmem:s16], [sflag:$0x1] =	stream.linear.gather [hbm4b:s3+s2], $0x400, $0x38;
	[tilespmem:$0x8200] =	vst v63  }
0x192: {  	v46 =	vxor.u32 $0x80000000, v45;
	s28 =	sshrl.u32 s24, $0x3;
	s24 =	sadd.s32 s30, s5;
	s16 =	sld [smem:$0x7F6]  }
0x193: {  	(xrf0) =	vmax.scan.msk.u32 $0xffff, v46;
	s22 =	sadd.s32 s17, s28;
	s21 =	spop (v2sf);
	s26 =	sshrl.u32 s24, $0x3  }
0x194: {  	[tilespmem:s15], [sflag:$0x2] =	stream.linear.gather [hbm4b:s22+s2], $0x400, $0x38;
	[tilespmem:$0x8200] =	vst v63  }
0x195: {  	v59, _, _ =	vpop (xrf0);
	s15 =	sshll.u32 s21, $0x3;
	s3 =	sadd.s32 s29, s26;
	s5 =	sadd.s32 s5, s16  }
0x196: {  	(v2sf) =	vpush v59, $0xF;
	[tilespmem:s14], [sflag:$0x1] =	stream.linear.gather [hbm4b:s3+s2], $0x400, $0x38;
	[tilespmem:$0x8200] =	vst v63  }
0x197: {  	s28 =	sshrl.u32 s5, $0x3;
	s5 =	sand.u32 $0xFFFFFC00, s15;
	s14 =	sld [smem:$0x7F8]  }
0x198: {  	v17 =	vsel vm11, $0x0, v9;
	s21 =	spop (v2sf);
	s22 =	sadd.s32 s17, s28;
	s24 =	sadd.s32 s30, s5  }
0x199: {  	v47 =	vxor.u32 $0x80000000, v17;
	[tilespmem:s11], [sflag:$0x2] =	stream.linear.gather [hbm4b:s22+s2], $0x400, $0x38;
	[tilespmem:$0x8200] =	vst v63  }
0x19a: {  	(xrf0) =	vmax.scan.msk.u32 $0xffff, v47;
	v60, _, _ =	vpop (xrf0);
	s26 =	sshrl.u32 s24, $0x3;
	s11 =	sshll.u32 s21, $0x3;
	s5 =	sadd.s32 s5, s14  }
0x19b: {  	(v2sf) =	vpush v60, $0xF;
	s3 =	sadd.s32 s29, s26;
	s28 =	sshrl.u32 s5, $0x3;
	s5 =	sand.u32 $0xFFFFFC00, s11  }
0x19c: {  	[tilespmem:s10], [sflag:$0x1] =	stream.linear.gather [hbm4b:s3+s2], $0x400, $0x38;
	[tilespmem:$0x8200] =	vst v63  }
0x19d: {  	s10 =	sld [smem:$0x7FC];
	s21 =	sadd.s32 s17, s28;
	s22 =	sadd.s32 s30, s5  }
0x19e: {  	[tilespmem:s9], [sflag:$0x2] =	stream.linear.gather [hbm4b:s21+s2], $0x400, $0x38;
	[tilespmem:$0x8200] =	vst v63  }
0x19f: {  	[smem:$0x7E9] =	sst s13;
	v48 =	vsel vm12, $0x0, v9;
	s15 =	spop (v2sf);
	s24 =	sshrl.u32 s22, $0x3  }
0x1a0: {  	v11 =	vxor.u32 $0x80000000, v48;
	v61, _, _ =	vpop (xrf0);
	s28 =	sshll.u32 s15, $0x3;
	s9 =	sld [smem:$0x7FB];
	s5 =	sadd.s32 s5, s10  }
0x1a1: {  	(xrf0) =	vmax.scan.msk.u32 $0xffff, v11;
	(v2sf) =	vpush v61, $0xF;
	s3 =	sadd.s32 s29, s24;
	s26 =	sshrl.u32 s5, $0x3;
	s5 =	sand.u32 $0xFFFFFC00, s28  }
0x1a2: {  	[tilespmem:s6], [sflag:$0x1] =	stream.linear.gather [hbm4b:s3+s2], $0x400, $0x38;
	[tilespmem:$0x8200] =	vst v63  }
0x1a3: {  	s13 =	rddreg [dreg:$0x18];
	s4 =	sadd.s32 s17, s26;
	s6 =	sadd.s32 s9, s5  }
0x1a4: {  	v20 =	vsel vm13, $0x0, v9;
	[tilespmem:s8], [sflag:$0x2] =	stream.linear.gather [hbm4b:s4+s2], $0x400, $0x38;
	[tilespmem:$0x8200] =	vst v63  }
0x1a5: {  	v49 =	vxor.u32 $0x80000000, v20;
	s5 =	sadd.s32 s0, s5;
	s8 =	sshrl.u32 s6, $0x3;
	s30 =	spop (v2sf)  }
0x1a6: {  	(xrf0) =	vmax.scan.msk.u32 $0xffff, v49;
	s11 =	sshrl.u32 s5, $0x3;
	s3 =	sadd.s32 s29, s8;
	s15 =	sshll.u32 s30, $0x3  }
0x1a7: {  	v62, _, _ =	vpop (xrf0);
	[tilespmem:s13], [sflag:$0x1] =	stream.linear.gather [hbm4b:s3+s2], $0x400, $0x38;
	[tilespmem:$0x8200] =	vst v63  }
0x1a8: {  	(v2sf) =	vpush v62, $0xF;
	s22 =	sadd.s32 s17, s11;
	s11 =	sld [smem:$0x7DF];
	s5 =	sand.u32 $0xFFFFFC00, s15  }
0x1a9: {  	[tilespmem:s1], [sflag:$0x2] =	stream.linear.gather [hbm4b:s22+s2], $0x400, $0x38;
	[tilespmem:$0x8200] =	vst v63  }
0x1aa: {  	v18 =	vsel vm14, $0x0, v9;
	s21 =	spop (v2sf);
	s24 =	sadd.s32 s9, s5;
	s1 =	sld [smem:$0x7DE]  }
0x1ab: {  	v51 =	vxor.u32 $0x80000000, v18;
	s5 =	sadd.s32 s5, s31;
	s30 =	sshll.u32 s21, $0x3;
	s26 =	sshrl.u32 s24, $0x3  }
0x1ac: {  	(xrf0) =	vmax.scan.msk.u32 $0xffff, v51;
	v11, _, _ =	vpop (xrf0);
	s28 =	sshrl.u32 s5, $0x3;
	s5 =	sand.u32 $0xFFFFFC00, s30;
	s3 =	sadd.s32 s29, s26  }
0x1ad: {  	(v2sf) =	vpush v11, $0xF;
	[tilespmem:s1], [sflag:$0x1] =	stream.linear.gather [hbm4b:s3+s2], $0x400, $0x38;
	[tilespmem:$0x8200] =	vst v63  }
0x1ae: {  	s22 =	sld [smem:$0x7E0];
	s4 =	sadd.s32 s17, s28;
	s7 =	sadd.s32 s9, s5  }
0x1af: {  	[tilespmem:s11], [sflag:$0x2] =	stream.linear.gather [hbm4b:s4+s2], $0x400, $0x38;
	[tilespmem:$0x8200] =	vst v63  }
0x1b0: {  	s8 =	sadd.s32 s5, s20;
	s13 =	sshrl.u32 s7, $0x3;
	s31 =	spop (v2sf)  }
0x1b1: {  	v9 =	vsel vm15, $0x0, v9;
	s28 =	sld [smem:$0x7E1];
	s0 =	sadd.s32 s29, s13;
	s20 =	sshll.u32 s31, $0x3  }
0x1b2: {  	v9 =	vxor.u32 $0x80000000, v9;
	v10, _, _ =	vpop (xrf0);
	[tilespmem:s22], [sflag:$0x1] =	stream.linear.gather [hbm4b:s0+s2], $0x400, $0x38;
	[tilespmem:$0x8200] =	vst v63  }
0x1b3: {  	(xrf0) =	vmax.scan.msk.u32 $0xffff, v9;
	s15 =	sshrl.u32 s8, $0x3;
	(v2sf) =	vpush v10, $0xF;
	s3 =	sand.u32 $0xFFFFFC00, s20  }
0x1b4: {  	s8 =	sld [smem:$0x7E2];
	s24 =	sadd.s32 s17, s15;
	s26 =	sadd.s32 s9, s3  }
0x1b5: {  	[tilespmem:s28], [sflag:$0x2] =	stream.linear.gather [hbm4b:s24+s2], $0x400, $0x38;
	[tilespmem:$0x8200] =	vst v63  }
0x1b6: {  	s15 =	sld [smem:$0x7E3];
	s30 =	sshrl.u32 s26, $0x3  }
0x1b7: {  	s3 =	sadd.s32 s3, s25;
	s0 =	sadd.s32 s29, s30;
	s21 =	spop (v2sf)  }
0x1b8: {  	[tilespmem:s8], [sflag:$0x1] =	stream.linear.gather [hbm4b:s0+s2], $0x400, $0x38;
	[tilespmem:$0x8200] =	vst v63  }
0x1b9: {  	v9, _, _ =	vpop (xrf0);
	s31 =	sshrl.u32 s3, $0x3;
	s6 =	sshll.u32 s21, $0x3  }
0x1ba: {  	s24 =	sld [smem:$0x7E4];
	s11 =	sadd.s32 s17, s31;
	(v2sf) =	vpush v9, $0xF;
	s3 =	sand.u32 $0xFFFFFC00, s6  }
0x1bb: {  	[tilespmem:s15], [sflag:$0x2] =	stream.linear.gather [hbm4b:s11+s2], $0x400, $0x38;
	[tilespmem:$0x8200] =	vst v63  }
0x1bc: {  	s28 =	sld [smem:$0x7E5];
	s7 =	spop (v2sf);
	s13 =	sadd.s32 s9, s3  }
0x1bd: {  	s3 =	sadd.s32 s3, s23;
	s22 =	sshll.u32 s7, $0x3;
	s20 =	sshrl.u32 s13, $0x3  }
0x1be: {  	s21 =	sshrl.u32 s3, $0x3;
	s3 =	sand.u32 $0xFFFFFC00, s22;
	s0 =	sadd.s32 s29, s20  }
0x1bf: {  	[tilespmem:s24], [sflag:$0x1] =	stream.linear.gather [hbm4b:s0+s2], $0x400, $0x38;
	[tilespmem:$0x8200] =	vst v63  }
0x1c0: {  	s7 =	sld [smem:$0x7E6];
	s25 =	sadd.s32 s17, s21;
	s26 =	sadd.s32 s9, s3  }
0x1c1: {  	[tilespmem:s28], [sflag:$0x2] =	stream.linear.gather [hbm4b:s25+s2], $0x400, $0x38;
	[tilespmem:$0x8200] =	vst v63  }
0x1c2: {  	s13 =	sld [smem:$0x7E7];
	s30 =	sshrl.u32 s26, $0x3;
	s23 =	spop (v2sf)  }
0x1c3: {  	s3 =	sadd.s32 s3, s16;
	s0 =	sadd.s32 s29, s30;
	s5 =	sshll.u32 s23, $0x3  }
0x1c4: {  	[tilespmem:s7], [sflag:$0x1] =	stream.linear.gather [hbm4b:s0+s2], $0x400, $0x38;
	[tilespmem:$0x8200] =	vst v63  }
0x1c5: {  	s31 =	sshrl.u32 s3, $0x3;
	s3 =	sand.u32 $0xFFFFFC00, s5  }
0x1c6: {  	s21 =	sld [smem:$0x7E8];
	s8 =	sadd.s32 s17, s31;
	s11 =	sadd.s32 s9, s3  }
0x1c7: {  	[tilespmem:s13], [sflag:$0x2] =	stream.linear.gather [hbm4b:s8+s2], $0x400, $0x38;
	[tilespmem:$0x8200] =	vst v63  }
0x1c8: {  	s3 =	sadd.s32 s3, s14;
	s14 =	sshrl.u32 s11, $0x3  }
0x1c9: {  	s20 =	sld [smem:$0x7F9];
	s0 =	sadd.s32 s29, s14;
	s6 =	spop (v2sf)  }
0x1ca: {  	[tilespmem:s21], [sflag:$0x1] =	stream.linear.gather [hbm4b:s0+s2], $0x400, $0x38;
	[tilespmem:$0x8200] =	vst v63  }
0x1cb: {  	s15 =	sshrl.u32 s3, $0x3;
	s16 =	sshll.u32 s6, $0x3  }
0x1cc: {  	s22 =	sadd.s32 s17, s15;
	s3 =	sand.u32 $0xFFFFFC00, s16  }
0x1cd: {  	[tilespmem:s20], [sflag:$0x2] =	stream.linear.gather [hbm4b:s22+s2], $0x400, $0x38;
	[tilespmem:$0x8200] =	vst v63  }
0x1ce: {  	s28 =	sld [smem:$0x7E9];
	s23 =	sadd.s32 s9, s3  }
0x1cf: {  	s3 =	sadd.s32 s3, s10;
	s24 =	sshrl.u32 s23, $0x3  }
0x1d0: {  	s26 =	sld [smem:$0x7FD];
	s25 =	sshrl.u32 s3, $0x3;
	s0 =	sadd.s32 s29, s24  }
0x1d1: {  	[tilespmem:s28], [sflag:$0x1] =	stream.linear.gather [hbm4b:s0+s2], $0x400, $0x38;
	[tilespmem:$0x8200] =	vst v63  }
0x1d2: {  	s29 =	sadd.s32 s17, s25  }
0x1d3: {  	[tilespmem:s26], [sflag:$0x2] =	stream.linear.gather [hbm4b:s29+s2], $0x400, $0x38;
	[tilespmem:$0x8200] =	vst v63  }
0x1d4: {  	_ =	swait.ge [sflag:s18], $0x400  }
0x1d5: {  	[sflag:s18] =	ssyncset.done $0x0  }
0x1d6: {  	[sflag:s18] =	ssyncadd.s32 $0xFFFFFC00  }
0x1d7: {  	_ =	swait.ge [sflag:s19], $0x400  }
0x1d8: {  	[sflag:s19] =	ssyncset.done $0x0  }
0x1d9: {  	[sflag:s19] =	ssyncadd.s32 $0xFFFFFC00  }
0x1da: {  	_ =	swait.ge [sflag:s18], $0x400  }
0x1db: {  	[sflag:s18] =	ssyncset.done $0x0  }
0x1dc: {  	[sflag:s18] =	ssyncadd.s32 $0xFFFFFC00  }
0x1dd: {  	_ =	swait.ge [sflag:s19], $0x400  }
0x1de: {  	[sflag:s19] =	ssyncset.done $0x0  }
0x1df: {  	[sflag:s19] =	ssyncadd.s32 $0xFFFFFC00  }
0x1e0: {  	_ =	swait.ge [sflag:s18], $0x400  }
0x1e1: {  	[sflag:s18] =	ssyncset.done $0x0  }
0x1e2: {  	[sflag:s18] =	ssyncadd.s32 $0xFFFFFC00  }
0x1e3: {  	_ =	swait.ge [sflag:s19], $0x400  }
0x1e4: {  	[sflag:s19] =	ssyncset.done $0x0  }
0x1e5: {  	[sflag:s19] =	ssyncadd.s32 $0xFFFFFC00  }
0x1e6: {  	_ =	swait.ge [sflag:s18], $0x400  }
0x1e7: {  	[sflag:s18] =	ssyncset.done $0x0  }
0x1e8: {  	[sflag:s18] =	ssyncadd.s32 $0xFFFFFC00  }
0x1e9: {  	_ =	swait.ge [sflag:s19], $0x400  }
0x1ea: {  	[sflag:s19] =	ssyncset.done $0x0  }
0x1eb: {  	[sflag:s19] =	ssyncadd.s32 $0xFFFFFC00  }
0x1ec: {  	_ =	swait.ge [sflag:s18], $0x400  }
0x1ed: {  	[sflag:s18] =	ssyncset.done $0x0  }
0x1ee: {  	[sflag:s18] =	ssyncadd.s32 $0xFFFFFC00  }
0x1ef: {  	_ =	swait.ge [sflag:s19], $0x400  }
0x1f0: {  	[sflag:s19] =	ssyncset.done $0x0  }
0x1f1: {  	[sflag:s19] =	ssyncadd.s32 $0xFFFFFC00  }
0x1f2: {  	_ =	swait.ge [sflag:s18], $0x400  }
0x1f3: {  	[sflag:s18] =	ssyncset.done $0x0  }
0x1f4: {  	[sflag:s18] =	ssyncadd.s32 $0xFFFFFC00  }
0x1f5: {  	_ =	swait.ge [sflag:s19], $0x400  }
0x1f6: {  	[sflag:s19] =	ssyncset.done $0x0  }
0x1f7: {  	[sflag:s19] =	ssyncadd.s32 $0xFFFFFC00  }
0x1f8: {  	_ =	swait.ge [sflag:s18], $0x400  }
0x1f9: {  	[sflag:s18] =	ssyncset.done $0x0  }
0x1fa: {  	[sflag:s18] =	ssyncadd.s32 $0xFFFFFC00  }
0x1fb: {  	_ =	swait.ge [sflag:s19], $0x400  }
0x1fc: {  	[sflag:s19] =	ssyncset.done $0x0  }
0x1fd: {  	[sflag:s19] =	ssyncadd.s32 $0xFFFFFC00  }
0x1fe: {  	_ =	swait.ge [sflag:s18], $0x400  }
0x1ff: {  	[sflag:s18] =	ssyncset.done $0x0  }
0x200: {  	[sflag:s18] =	ssyncadd.s32 $0xFFFFFC00  }
0x201: {  	_ =	swait.ge [sflag:s19], $0x400  }
0x202: {  	[sflag:s19] =	ssyncset.done $0x0  }
0x203: {  	[sflag:s19] =	ssyncadd.s32 $0xFFFFFC00  }
0x204: {  	_ =	swait.ge [sflag:s18], $0x400  }
0x205: {  	[sflag:s18] =	ssyncset.done $0x0  }
0x206: {  	[sflag:s18] =	ssyncadd.s32 $0xFFFFFC00  }
0x207: {  	_ =	swait.ge [sflag:s19], $0x400  }
0x208: {  	[sflag:s19] =	ssyncset.done $0x0  }
0x209: {  	[sflag:s19] =	ssyncadd.s32 $0xFFFFFC00  }
0x20a: {  	_ =	swait.ge [sflag:s18], $0x400  }
0x20b: {  	[sflag:s18] =	ssyncset.done $0x0  }
0x20c: {  	[sflag:s18] =	ssyncadd.s32 $0xFFFFFC00  }
0x20d: {  	_ =	swait.ge [sflag:s19], $0x400  }
0x20e: {  	[sflag:s19] =	ssyncset.done $0x0  }
0x20f: {  	[sflag:s19] =	ssyncadd.s32 $0xFFFFFC00  }
0x210: {  	_ =	swait.ge [sflag:s18], $0x400  }
0x211: {  	[sflag:s18] =	ssyncset.done $0x0  }
0x212: {  	[sflag:s18] =	ssyncadd.s32 $0xFFFFFC00  }
0x213: {  	_ =	swait.ge [sflag:s19], $0x400  }
0x214: {  	[sflag:s19] =	ssyncset.done $0x0  }
0x215: {  	[sflag:s19] =	ssyncadd.s32 $0xFFFFFC00  }
0x216: {  	_ =	swait.ge [sflag:s18], $0x400  }
0x217: {  	[sflag:s18] =	ssyncset.done $0x0  }
0x218: {  	[sflag:s18] =	ssyncadd.s32 $0xFFFFFC00  }
0x219: {  	_ =	swait.ge [sflag:s19], $0x400  }
0x21a: {  	[sflag:s19] =	ssyncset.done $0x0  }
0x21b: {  	[sflag:s19] =	ssyncadd.s32 $0xFFFFFC00  }
0x21c: {  	_ =	swait.ge [sflag:s18], $0x400  }
0x21d: {  	[sflag:s18] =	ssyncset.done $0x0  }
0x21e: {  	[sflag:s18] =	ssyncadd.s32 $0xFFFFFC00  }
0x21f: {  	_ =	swait.ge [sflag:s19], $0x400  }
0x220: {  	[sflag:s19] =	ssyncset.done $0x0  }
0x221: {  	[sflag:s19] =	ssyncadd.s32 $0xFFFFFC00  }
0x222: {  	_ =	swait.ge [sflag:s18], $0x400  }
0x223: {  	[sflag:s18] =	ssyncset.done $0x0  }
0x224: {  	[sflag:s18] =	ssyncadd.s32 $0xFFFFFC00  }
0x225: {  	_ =	swait.ge [sflag:s19], $0x400  }
0x226: {  	[sflag:s19] =	ssyncset.done $0x0  }
0x227: {  	[sflag:s19] =	ssyncadd.s32 $0xFFFFFC00  }
0x228: {  	_ =	swait.ge [sflag:s18], $0x400  }
0x229: {  	[sflag:s18] =	ssyncset.done $0x0  }
0x22a: {  	[sflag:s18] =	ssyncadd.s32 $0xFFFFFC00  }
0x22b: {  	_ =	swait.ge [sflag:s19], $0x400  }
0x22c: {  	[sflag:s19] =	ssyncset.done $0x0  }
0x22d: {  	[sflag:s19] =	ssyncadd.s32 $0xFFFFFC00  }
0x22e: {  	v8 =	vand.u32 $0x7F, v8;
	_ =	swait.ge [sflag:s18], $0x400  }
0x22f: {  	v9 =	vor.u32 v0, v8;
	[sflag:s18] =	ssyncset.done $0x0  }
0x230: {  	[sflag:s18] =	ssyncadd.s32 $0xFFFFFC00  }
0x231: {  	_ =	swait.ge [sflag:s19], $0x400  }
0x232: {  	[sflag:s19] =	ssyncset.done $0x0  }
0x233: {  	s30 =	simm.s32 $0x100;
	[sflag:s19] =	ssyncadd.s32 $0xFFFFFC00  }
0x234: {  	v9 =	vld.idx.msk [tilespmem:v9+s30+$0x0], $0xffff;
	_ =	sdelay $0x4  }
0x235: {  	v9 =	vmax.f32 v9, $1.000000010e-10  }
0x236: {  	v8 =	vor.u32 v1, v8;
	(erf) = vrcp.f32 v9;
	_ =	sdelay $0x3  }
0x237: {  	s31 =	simm.s32 $0x4100  }
0x238: {  	v8 =	vld.idx.msk [tilespmem:v8+s31+$0x0], $0xffff;
	_ =	sdelay $0x1  }
0x239: {  	v9 =	vld [tilespmem:$0x80];
	_ =	sdelay $0x1  }
0x23a: {  	v10 =	vpop (erf)  }
0x23b: {  	v8 =	vmul.f32 v10, v8;
	_ =	sdelay $0x1  }
0x23c: {  	vm1 =	vlt.f32 v9, v8  }
0x23d: {  	v8 =	vsel vm1, $0x1, v2  }
0x23e: {  	v9 =	vsel vm1, $0x63, v3;
	v10 =	vperm.xlane v8, v4  }
0x23f: {  	v11 =	vperm.xlane v9, v4  }
0x240: {  	v8 =	vadd.s32 v8, v10  }
0x241: {  	vm1 =	vlt.s32 v9, v11;
	v10 =	vperm.xlane v8, v5  }
0x242: {  	p0 =	sne.s32 s12, $0x1;
	v9 =	vsel vm1, v9, v11  }
.Ltmp1:
0x243: {  	v11 =	vperm.xlane v9, v5;
	v10 =	vadd.s32 v10, v8;
	(pc) =	sbr.rel @p0 .LBB2_1-.Ltmp1, $4  }
0x244: {  	v63 =	vperm.xlane v10, v6  }
0x245: {  	vm1 =	vlt.s32 v9, v11  }
0x246: {  	v8 =	vsel vm1, v9, v11;
	v9 =	vadd.s32 v63, v10  }
0x247: {  	s12 =	sadd.s32 $0xFFFFFFFF, s12;
	v10 =	vperm.xlane v8, v6;
	v9 =	vperm.xlane v9, v7  }
.LBB2_2:
0x248: {  	_ = 	snop  }
0x249: {  	vm0 =	vlt.s32 v8, v10  }
0x24a: {  	v0 =	vsel vm0, v8, v10  }
0x24b: {  	vm0 =	vlt.s32 v0, $0x8  }
0x24c: {  	v0 =	vnsel vm0, $0x8, v0  }
0x24d: {  	s0 =	sld [smem:$0x7EA];
	v0 =	vperm.xlane v0, v7  }
0x24e: {  	[tilespmem:$0x8100] =	vst v9  }
0x24f: {  	s1 =	rddreg [dreg:$0x7];
	s3 =	simm.s32 $0x3;
	[tilespmem:$0x8180] =	vst v0  }
0x250: {  	[hbm4b:s1+s2] =	stream.linear.scatter [tilespmem:s0], [sflag:$0x3], $0x80, $0x38;
	[tilespmem:$0x8200] =	vst v63  }
0x251: {  	_ =	swait.ge [sflag:s3], $0x80  }
0x252: {  	s30 =	sld [smem:$0x7EB]  }
0x253: {  	[sflag:s3] =	ssyncset.done $0x0  }
0x254: {  	s29 =	rddreg [dreg:$0x8];
	[sflag:s3] =	ssyncadd.s32 $0xFFFFFF80  }
0x255: {  	[hbm4b:s29+s2] =	stream.linear.scatter [tilespmem:s30], [sflag:$0x3], $0x80, $0x38;
	[tilespmem:$0x8200] =	vst v63  }
0x256: {  	_ =	swait.ge [sflag:s3], $0x80  }
0x257: {  	[sflag:s3] =	ssyncset.done $0x0  }
0x258: {  	[sflag:s3] =	ssyncadd.s32 $0xFFFFFF80  }
0x259: {  	_ =	sfence.sel $0x180000  }
0x25a: {  	[bflag:$0x0] =	sbarrier.arrive $0xFFFF  }
0x25b: {  	_ =	strace $0x90000047  }
0x25c: {  	s31 =	stileid.u32;
	[bflag:$0x2] =	sbarrier.arrive $0xFFFF  }
0x25d: {  	p0 =	sne.s32 s31, $0x0;
	s0 =	rddreg [dreg:$0x4]  }
0x25e: {  	s0 =	sadd.s32 @!p0 $0x100000, s0  }
0x25f: {  	[sflag:s0] =	ssyncadd.tile.s32 @!p0 $0x1;
	_ =	shalt  }
.Lfunc_end2:
_tile_overlayer_lowered:
.L_overlay_start_2:
0x260: {  	(tag) =	ssettag $0x2  }
0x261: {  	s0 =	rddreg [dreg:$0x0];
	s2 =	stileid.u32  }
0x262: {  	s1 =	rddreg [dreg:$0x1];
	p0 =	sne.s32 s2, $0x0  }
0x263: {  	s3 =	rddreg [dreg:$0x2];
	[bflag:$0x3] =	sbarrier.arrive $0xFFFF;
	s2 =	simm.s32 @!p0 $0x1C03  }
0x264: {  	[timem:s3], [sflag:s2] =	dma.local @!p0 [hbm:s0], s1  }
0x265: {  	s0 =	simm.s32 @!p0 $0x3  }
0x266: {  	_ =	swait.ge @!p0 [sflag:s0], s1  }
0x267: {  	s1 =	ssub.s32 @!p0 $0x0, s1;
	[sflag:s0] =	ssyncset.done @!p0 $0x0  }
0x268: {  	[sflag:s0] =	ssyncadd.s32 @!p0 s1  }
0x269: {  	[bflag:$0x3] =	sbarrier.arrive $0xFFFF  }
0x26a: {  	_ =	shalt  }

</sc_bundles>
